<compile_context>
chip_gen: v7x
topology: tpu7x:2x2x1
jax: 0.10.2.dev20260603
libtpu: 0.0.44.dev20260713+nightly
codegen_flags: <defaults>
</compile_context>

<pallas_src>
import jax
import jax.numpy as jnp
from jax import lax
from jax.experimental import pallas as pl
from jax.experimental.pallas import tpu as pltpu
from jax.experimental.pallas import tpu_sc as plsc

N = 10000
H = 128
E = 320000

NC = 2
NS = 16
NW = NC * NS
CH = 80
NCHUNK = 126
GRP = 3
NG = NCHUNK // GRP
EPAD = NW * NCHUNK * CH - E
CHC = 112
NCHUNK_C = NCHUNK * CH // CHC
NP = 10112
WPT = NP // NS

_MESH = plsc.VectorSubcoreMesh(
    core_axis_name="c", subcore_axis_name="s", num_cores=NC, num_subcores=NS
)


def _zero16():
    return jnp.zeros((16,), jnp.float32)


def _sc_count_body(dst_hbm, out_hbm, idx_v, ones_v, zero_v, tmp_v, cnt_sh):
    c = lax.axis_index("c")
    s = lax.axis_index("s")
    wid = s * NC + c
    for j in range(CHC // 16):
        ones_v[pl.ds(j * 16, 16)] = jnp.full((16,), 1.0, jnp.float32)
    for j in range(8):
        zero_v[pl.ds(j * 16, 16)] = _zero16()
    base = s * WPT
    for k in range(4):
        pltpu.sync_copy(zero_v, cnt_sh.at[pl.ds(base + k * 128, 128)])
    pltpu.sync_copy(zero_v.at[pl.ds(0, 120)], cnt_sh.at[pl.ds(base + 512, 120)])
    plsc.subcore_barrier()
    pltpu.sync_copy(dst_hbm.at[wid], idx_v)

    def body(i, carry):
        pltpu.sync_copy(ones_v, cnt_sh.at[idx_v.at[i]], add=True)
        return carry

    lax.fori_loop(0, NCHUNK_C, body, 0)
    plsc.subcore_barrier()
    pltpu.sync_copy(cnt_sh.at[pl.ds(base, WPT)], tmp_v)
    pltpu.sync_copy(tmp_v, out_hbm.at[pl.ds(c * NP + base, WPT)])


_sc_count = pl.kernel(
    _sc_count_body,
    out_type=jax.ShapeDtypeStruct((NC * NP,), jnp.float32),
    mesh=_MESH,
    scratch_types=[
        pltpu.VMEM((NCHUNK_C, CHC), jnp.int32),
        pltpu.VMEM((CHC,), jnp.float32),
        pltpu.VMEM((128,), jnp.float32),
        pltpu.VMEM((WPT,), jnp.float32),
        pltpu.VMEM_SHARED((NP,), jnp.float32),
    ],
)


def _sc_scatter_body(y_hbm, pk_hbm, out_hbm, pk_v, sidx_v, didx_v, buf_v,
                     agg_sh, g0, g1, g2):
    gsems = (g0, g1, g2)
    c = lax.axis_index("c")
    s = lax.axis_index("s")
    wid = s * NC + c

    def zbody(r, carry):
        for j in range(8):
            buf_v[0, r, pl.ds(j * 16, 16)] = _zero16()
        return carry

    lax.fori_loop(0, CH, zbody, 0)
    base = s * WPT
    for k in range(7):
        pltpu.sync_copy(buf_v.at[0], agg_sh.at[pl.ds(base + k * CH, CH)])
    pltpu.sync_copy(buf_v.at[0, pl.ds(0, 72)],
                    agg_sh.at[pl.ds(base + 7 * CH, 72)])
    plsc.subcore_barrier()
    pltpu.sync_copy(pk_hbm.at[wid], pk_v)

    def unpack(i, b):
        for j in range(CH // 16):
            v = pk_v[i, pl.ds(j * 16, 16)]
            sidx_v[b, pl.ds(j * 16, 16)] = jnp.bitwise_and(
                v, jnp.int32(0xFFFF))
            didx_v[b, pl.ds(j * 16, 16)] = lax.shift_right_logical(v, 16)

    def fire_g(b):
        pltpu.async_copy(y_hbm.at[sidx_v.at[b]], buf_v.at[b], gsems[b])

    def wait_g(b):
        pltpu.make_async_copy(y_hbm.at[sidx_v.at[b]], buf_v.at[b],
                              gsems[b]).wait()

    for b in range(GRP):
        unpack(b, b)
        fire_g(b)

    def body(g, carry):
        i0 = g * GRP
        for b in range(GRP):
            wait_g(b)
            pltpu.sync_copy(buf_v.at[b], agg_sh.at[didx_v.at[b]], add=True)

            @pl.when(g < NG - 1)
            def _(b=b):
                unpack(i0 + GRP + b, b)
                fire_g(b)

        return carry

    lax.fori_loop(0, NG, body, 0)
    plsc.subcore_barrier()
    pltpu.sync_copy(agg_sh.at[pl.ds(base, WPT)], out_hbm.at[c, pl.ds(base, WPT)])


_sc_scatter = pl.kernel(
    _sc_scatter_body,
    out_type=jax.ShapeDtypeStruct((NC, NP, H), jnp.float32),
    mesh=_MESH,
    scratch_types=[
        pltpu.VMEM((NCHUNK, CH), jnp.int32),
        pltpu.VMEM((GRP, CH), jnp.int32),
        pltpu.VMEM((GRP, CH), jnp.int32),
        pltpu.VMEM((GRP, CH, H), jnp.float32),
        pltpu.VMEM_SHARED((NP, H), jnp.float32),
        pltpu.SemaphoreType.DMA,
        pltpu.SemaphoreType.DMA,
        pltpu.SemaphoreType.DMA,
    ],
)

_RB = 2000


def _tc_mm_body(x_ref, w_ref, xw_ref):
    xw_ref[...] = jnp.dot(x_ref[...], w_ref[...],
                          preferred_element_type=jnp.float32)


_tc_mm = pl.pallas_call(
    _tc_mm_body,
    grid=(N // _RB,),
    in_specs=[
        pl.BlockSpec((_RB, H), lambda i: (i, 0)),
        pl.BlockSpec((H, H), lambda i: (0, 0)),
    ],
    out_specs=pl.BlockSpec((_RB, H), lambda i: (i, 0)),
    out_shape=jax.ShapeDtypeStruct((N, H), jnp.float32),
)


def _tc_scale_body(xw_ref, cnt_ref, y_ref):
    dinv = lax.rsqrt(cnt_ref[...] + 1.0)
    y_ref[...] = xw_ref[...] * dinv


_tc_scale = pl.pallas_call(
    _tc_scale_body,
    grid=(N // _RB,),
    in_specs=[
        pl.BlockSpec((_RB, H), lambda i: (i, 0)),
        pl.BlockSpec((_RB, 1), lambda i: (i, 0)),
    ],
    out_specs=pl.BlockSpec((_RB, H), lambda i: (i, 0)),
    out_shape=jax.ShapeDtypeStruct((N, H), jnp.float32),
)


def _tc2_body(a0_ref, a1_ref, y_ref, cnt_ref, x_ref, bg_ref, wl_ref, bl_ref,
              o_ref):
    dinv = lax.rsqrt(cnt_ref[...] + 1.0)
    h = (a0_ref[0] + a1_ref[0] + y_ref[...]) * dinv + bg_ref[...]
    h = jnp.maximum(h, 0.0)
    o = jnp.dot(h, wl_ref[...], preferred_element_type=jnp.float32) + bl_ref[...]
    o_ref[...] = jnp.maximum(o, 0.0) + x_ref[...]


_tc2 = pl.pallas_call(
    _tc2_body,
    grid=(N // _RB,),
    in_specs=[
        pl.BlockSpec((1, _RB, H), lambda i: (0, i, 0)),
        pl.BlockSpec((1, _RB, H), lambda i: (1, i, 0)),
        pl.BlockSpec((_RB, H), lambda i: (i, 0)),
        pl.BlockSpec((_RB, 1), lambda i: (i, 0)),
        pl.BlockSpec((_RB, H), lambda i: (i, 0)),
        pl.BlockSpec((1, H), lambda i: (0, 0)),
        pl.BlockSpec((H, H), lambda i: (0, 0)),
        pl.BlockSpec((1, H), lambda i: (0, 0)),
    ],
    out_specs=pl.BlockSpec((_RB, H), lambda i: (i, 0)),
    out_shape=jax.ShapeDtypeStruct((N, H), jnp.float32),
)


def kernel(x, edge_index, W_gcn, b_gcn, W_lin, b_lin):
    src = edge_index[0].astype(jnp.int32)
    dst = edge_index[1].astype(jnp.int32)
    pad_ar = jnp.arange(EPAD, dtype=jnp.int32)
    src_p = jnp.concatenate([src, pad_ar % N])
    dst_p = jnp.concatenate([dst, N + pad_ar % (NP - N)])
    pk3 = ((dst_p << 16) | src_p).reshape(NW, NCHUNK, CH)
    dst3c = dst_p.reshape(NW, NCHUNK_C, CHC)

    xw = _tc_mm(x, W_gcn)
    cnt = _sc_count(dst3c).reshape(NC, NP)
    degs = (cnt[0, :N] + cnt[1, :N]).reshape(N, 1)
    y = _tc_scale(xw, degs)
    agg = _sc_scatter(y, pk3)
    out = _tc2(agg, agg, y, degs, x, b_gcn.reshape(1, H), W_lin,
               b_lin.reshape(1, H))
    return out

# --- scband reference (transcript-rebuilt; emitter-appended) ---
"""Pipeline reference for scband-gcnresidual-block-27625229648341 (READ-ONLY COPY).

The authoritative reference and input builder live on the scoring server;
editing this copy changes nothing except your own understanding.
"""

import jax, jax.numpy as jnp
import numpy as np

N_NODES = 10000
N_EDGES = 320000
HIDDEN = 128

def setup_inputs(seed: int = 0) -> dict:
    key = jax.random.key(seed)
    k1, k2, k3, k4 = jax.random.split(key, 4)
    x = jax.random.normal(k1, (N_NODES, HIDDEN), dtype=jnp.float32)
    edge_index = jax.random.randint(k2, (2, N_EDGES), 0, N_NODES, dtype=jnp.int64)
    s = 1.0 / np.sqrt(HIDDEN)
    W_gcn = jax.random.uniform(k3, (HIDDEN, HIDDEN), jnp.float32, -s, s)
    b_gcn = jnp.zeros((HIDDEN,), dtype=jnp.float32)
    W_lin = jax.random.uniform(k4, (HIDDEN, HIDDEN), jnp.float32, -s, s)
    b_lin = jnp.zeros((HIDDEN,), dtype=jnp.float32)
    return {"x": x, "edge_index": edge_index, "W_gcn": W_gcn, "b_gcn": b_gcn, "W_lin": W_lin, "b_lin": b_lin}

def reference(x, edge_index, W_gcn, b_gcn, W_lin, b_lin):
    N = x.shape[0]
    # GCNConv (PyG semantics): add self-loops, symmetric normalization D^-1/2 (A+I) D^-1/2 X W + b
    loop = jnp.arange(N, dtype=edge_index.dtype)
    src = jnp.concatenate([edge_index[0], loop])
    dst = jnp.concatenate([edge_index[1], loop])
    deg = jnp.zeros((N,), dtype=jnp.float32).at[dst].add(1.0)
    dinv = jnp.where(deg > 0, jax.lax.rsqrt(deg), 0.0)
    xw = x @ W_gcn
    norm = dinv[src] * dinv[dst]
    msg = xw[src] * norm[:, None]
    agg = jnp.zeros_like(xw).at[dst].add(msg)
    x_block = agg + b_gcn
    x_block = jax.nn.relu(x_block)
    x_block = x_block @ W_lin + b_lin
    x_block = jax.nn.relu(x_block)
    return x_block + x

if __name__ == "__main__":
    import jax
    _d = setup_inputs()
    print(jax.jit(kernel)(*tuple(_d.values())))

</pallas_src>

<mosaic_0001>
#map = affine_map<(d0, d1) -> (0, 0)>
#map1 = affine_map<(d0, d1) -> (0, 0, 0)>
module attributes {stable_mosaic.version = 14 : i64} {
  func.func @_sc_scatter_body(%arg0: i32, %arg1: i32, %arg2: memref<10000x128xf32, #tpu.memory_space<hbm>>, %arg3: memref<32x126x80xi32, #tpu.memory_space<hbm>>, %arg4: memref<2x10112x128xf32, #tpu.memory_space<hbm>>, %arg5: memref<126x80xi32, #tpu.memory_space<vmem>>, %arg6: memref<3x80xi32, #tpu.memory_space<vmem>>, %arg7: memref<3x80xi32, #tpu.memory_space<vmem>>, %arg8: memref<3x80x128xf32, #tpu.memory_space<vmem>>, %arg9: memref<10112x128xf32, #tpu.memory_space<vmem_shared>>, %arg10: memref<!tpu.dma_semaphore, #tpu.memory_space<semaphore_mem>>, %arg11: memref<!tpu.dma_semaphore, #tpu.memory_space<semaphore_mem>>, %arg12: memref<!tpu.dma_semaphore, #tpu.memory_space<semaphore_mem>>) attributes {dimension_semantics = [#tpu.dimension_semantics<core_parallel>, #tpu.dimension_semantics<subcore_parallel>], iteration_bounds = array<i64: 2, 16>, scalar_prefetch = 0 : i64, scratch_operands = 8 : i64, tpu.core_type = #tpu.core_type<sc_vector_subcore>, window_params = [{transform_indices = #map}, {transform_indices = #map1}, {transform_indices = #map1}]} {
    %mul3A = arith.constant 2 : i32
    %mul3A_0 = arith.muli %arg1, %mul3A : i32
    %add3A = arith.addi %mul3A_0, %arg0 : i32
    %scan3A = arith.constant 0 : i32
    %scan3A_1 = arith.constant 0 : i32
    %scan3A_2 = arith.constant 80 : i32
    %scan3A_3 = arith.addi %scan3A_1, %scan3A_2 : i32
    %scan3A_4 = arith.constant 1 : i32
    scf.for %scan3A_414 = %scan3A_1 to %scan3A_3 step %scan3A_4  : i32 {
      %broadcast_in_dim3A = arith.constant 0.000000e+00 : f32
      %broadcast_in_dim3A_415 = vector.broadcast %broadcast_in_dim3A : f32 to vector<16xf32>
      %swap3A_416 = arith.constant 0 : i32
      %swap3A_417 = arith.index_cast %swap3A_416 : i32 to index
      %swap3A_418 = arith.index_cast %scan3A_414 : i32 to index
      %swap3A_419 = arith.constant 0 : index
      %swap3A_420 = tpu.vector_load %arg8[%swap3A_417, %swap3A_418, %swap3A_419] {strides = array<i32>} : memref<3x80x128xf32, #tpu.memory_space<vmem>>, vector<1x1x16xf32>,
      %swap3A_421 = vector.shape_cast %swap3A_420 : vector<1x1x16xf32> to vector<16xf32>
      %swap3A_422 = vector.shape_cast %broadcast_in_dim3A_415 : vector<16xf32> to vector<1x1x16xf32>
      tpu.vector_store %arg8[%swap3A_417, %swap3A_418, %swap3A_419], %swap3A_422 {strides = array<i32>} : memref<3x80x128xf32, #tpu.memory_space<vmem>>, vector<1x1x16xf32>,
      %broadcast_in_dim3A_423 = arith.constant 0.000000e+00 : f32
      %broadcast_in_dim3A_424 = vector.broadcast %broadcast_in_dim3A_423 : f32 to vector<16xf32>
      %swap3A_425 = arith.constant 0 : i32
      %swap3A_426 = arith.index_cast %swap3A_425 : i32 to index
      %swap3A_427 = arith.index_cast %scan3A_414 : i32 to index
      %swap3A_428 = arith.constant 16 : index
      %swap3A_429 = tpu.vector_load %arg8[%swap3A_426, %swap3A_427, %swap3A_428] {strides = array<i32>} : memref<3x80x128xf32, #tpu.memory_space<vmem>>, vector<1x1x16xf32>,
      %swap3A_430 = vector.shape_cast %swap3A_429 : vector<1x1x16xf32> to vector<16xf32>
      %swap3A_431 = vector.shape_cast %broadcast_in_dim3A_424 : vector<16xf32> to vector<1x1x16xf32>
      tpu.vector_store %arg8[%swap3A_426, %swap3A_427, %swap3A_428], %swap3A_431 {strides = array<i32>} : memref<3x80x128xf32, #tpu.memory_space<vmem>>, vector<1x1x16xf32>,
      %broadcast_in_dim3A_432 = arith.constant 0.000000e+00 : f32
      %broadcast_in_dim3A_433 = vector.broadcast %broadcast_in_dim3A_432 : f32 to vector<16xf32>
      %swap3A_434 = arith.constant 0 : i32
      %swap3A_435 = arith.index_cast %swap3A_434 : i32 to index
      %swap3A_436 = arith.index_cast %scan3A_414 : i32 to index
      %swap3A_437 = arith.constant 32 : index
      %swap3A_438 = tpu.vector_load %arg8[%swap3A_435, %swap3A_436, %swap3A_437] {strides = array<i32>} : memref<3x80x128xf32, #tpu.memory_space<vmem>>, vector<1x1x16xf32>,
      %swap3A_439 = vector.shape_cast %swap3A_438 : vector<1x1x16xf32> to vector<16xf32>
      %swap3A_440 = vector.shape_cast %broadcast_in_dim3A_433 : vector<16xf32> to vector<1x1x16xf32>
      tpu.vector_store %arg8[%swap3A_435, %swap3A_436, %swap3A_437], %swap3A_440 {strides = array<i32>} : memref<3x80x128xf32, #tpu.memory_space<vmem>>, vector<1x1x16xf32>,
      %broadcast_in_dim3A_441 = arith.constant 0.000000e+00 : f32
      %broadcast_in_dim3A_442 = vector.broadcast %broadcast_in_dim3A_441 : f32 to vector<16xf32>
      %swap3A_443 = arith.constant 0 : i32
      %swap3A_444 = arith.index_cast %swap3A_443 : i32 to index
      %swap3A_445 = arith.index_cast %scan3A_414 : i32 to index
      %swap3A_446 = arith.constant 48 : index
      %swap3A_447 = tpu.vector_load %arg8[%swap3A_444, %swap3A_445, %swap3A_446] {strides = array<i32>} : memref<3x80x128xf32, #tpu.memory_space<vmem>>, vector<1x1x16xf32>,
      %swap3A_448 = vector.shape_cast %swap3A_447 : vector<1x1x16xf32> to vector<16xf32>
      %swap3A_449 = vector.shape_cast %broadcast_in_dim3A_442 : vector<16xf32> to vector<1x1x16xf32>
      tpu.vector_store %arg8[%swap3A_444, %swap3A_445, %swap3A_446], %swap3A_449 {strides = array<i32>} : memref<3x80x128xf32, #tpu.memory_space<vmem>>, vector<1x1x16xf32>,
      %broadcast_in_dim3A_450 = arith.constant 0.000000e+00 : f32
      %broadcast_in_dim3A_451 = vector.broadcast %broadcast_in_dim3A_450 : f32 to vector<16xf32>
      %swap3A_452 = arith.constant 0 : i32
      %swap3A_453 = arith.index_cast %swap3A_452 : i32 to index
      %swap3A_454 = arith.index_cast %scan3A_414 : i32 to index
      %swap3A_455 = arith.constant 64 : index
      %swap3A_456 = tpu.vector_load %arg8[%swap3A_453, %swap3A_454, %swap3A_455] {strides = array<i32>} : memref<3x80x128xf32, #tpu.memory_space<vmem>>, vector<1x1x16xf32>,
      %swap3A_457 = vector.shape_cast %swap3A_456 : vector<1x1x16xf32> to vector<16xf32>
      %swap3A_458 = vector.shape_cast %broadcast_in_dim3A_451 : vector<16xf32> to vector<1x1x16xf32>
      tpu.vector_store %arg8[%swap3A_453, %swap3A_454, %swap3A_455], %swap3A_458 {strides = array<i32>} : memref<3x80x128xf32, #tpu.memory_space<vmem>>, vector<1x1x16xf32>,
      %broadcast_in_dim3A_459 = arith.constant 0.000000e+00 : f32
      %broadcast_in_dim3A_460 = vector.broadcast %broadcast_in_dim3A_459 : f32 to vector<16xf32>
      %swap3A_461 = arith.constant 0 : i32
      %swap3A_462 = arith.index_cast %swap3A_461 : i32 to index
      %swap3A_463 = arith.index_cast %scan3A_414 : i32 to index
      %swap3A_464 = arith.constant 80 : index
      %swap3A_465 = tpu.vector_load %arg8[%swap3A_462, %swap3A_463, %swap3A_464] {strides = array<i32>} : memref<3x80x128xf32, #tpu.memory_space<vmem>>, vector<1x1x16xf32>,
      %swap3A_466 = vector.shape_cast %swap3A_465 : vector<1x1x16xf32> to vector<16xf32>
      %swap3A_467 = vector.shape_cast %broadcast_in_dim3A_460 : vector<16xf32> to vector<1x1x16xf32>
      tpu.vector_store %arg8[%swap3A_462, %swap3A_463, %swap3A_464], %swap3A_467 {strides = array<i32>} : memref<3x80x128xf32, #tpu.memory_space<vmem>>, vector<1x1x16xf32>,
      %broadcast_in_dim3A_468 = arith.constant 0.000000e+00 : f32
      %broadcast_in_dim3A_469 = vector.broadcast %broadcast_in_dim3A_468 : f32 to vector<16xf32>
      %swap3A_470 = arith.constant 0 : i32
      %swap3A_471 = arith.index_cast %swap3A_470 : i32 to index
      %swap3A_472 = arith.index_cast %scan3A_414 : i32 to index
      %swap3A_473 = arith.constant 96 : index
      %swap3A_474 = tpu.vector_load %arg8[%swap3A_471, %swap3A_472, %swap3A_473] {strides = array<i32>} : memref<3x80x128xf32, #tpu.memory_space<vmem>>, vector<1x1x16xf32>,
      %swap3A_475 = vector.shape_cast %swap3A_474 : vector<1x1x16xf32> to vector<16xf32>
      %swap3A_476 = vector.shape_cast %broadcast_in_dim3A_469 : vector<16xf32> to vector<1x1x16xf32>
      tpu.vector_store %arg8[%swap3A_471, %swap3A_472, %swap3A_473], %swap3A_476 {strides = array<i32>} : memref<3x80x128xf32, #tpu.memory_space<vmem>>, vector<1x1x16xf32>,
      %broadcast_in_dim3A_477 = arith.constant 0.000000e+00 : f32
      %broadcast_in_dim3A_478 = vector.broadcast %broadcast_in_dim3A_477 : f32 to vector<16xf32>
      %swap3A_479 = arith.constant 0 : i32
      %swap3A_480 = arith.index_cast %swap3A_479 : i32 to index
      %swap3A_481 = arith.index_cast %scan3A_414 : i32 to index
      %swap3A_482 = arith.constant 112 : index
      %swap3A_483 = tpu.vector_load %arg8[%swap3A_480, %swap3A_481, %swap3A_482] {strides = array<i32>} : memref<3x80x128xf32, #tpu.memory_space<vmem>>, vector<1x1x16xf32>,
      %swap3A_484 = vector.shape_cast %swap3A_483 : vector<1x1x16xf32> to vector<16xf32>
      %swap3A_485 = vector.shape_cast %broadcast_in_dim3A_478 : vector<16xf32> to vector<1x1x16xf32>
      tpu.vector_store %arg8[%swap3A_480, %swap3A_481, %swap3A_482], %swap3A_485 {strides = array<i32>} : memref<3x80x128xf32, #tpu.memory_space<vmem>>, vector<1x1x16xf32>,
    }
    %scan3A_5 = arith.constant 80 : i32
    %mul3A_6 = arith.constant 632 : i32
    %mul3A_7 = arith.muli %arg1, %mul3A_6 : i32
    %add3A_8 = arith.constant 0 : i32
    %add3A_9 = arith.addi %mul3A_7, %add3A_8 : i32
    %run_scoped3A = arith.constant 0 : i32
    "tpu.region"() ({
      %run_scoped3A_414 = tpu.sem_alloc : memref<!tpu.dma_semaphore, #tpu.memory_space<semaphore_mem>>
      %dma_start3A_415 = arith.constant 0 : i32
      %dma_start3A_416 = arith.constant 0 : i32
      %dma_start3A_417 = tpu.memref_slice %arg8[%run_scoped3A, %dma_start3A_415, %dma_start3A_416] : memref<3x80x128xf32, #tpu.memory_space<vmem>> -> memref<1x80x128xf32, #tpu.memory_space<vmem>>
      %dma_start3A_418 = tpu.memref_squeeze %dma_start3A_417 : memref<1x80x128xf32, #tpu.memory_space<vmem>> -> memref<80x128xf32, #tpu.memory_space<vmem>>
      %dma_start3A_419 = arith.constant 0 : i32
      %dma_start3A_420 = tpu.memref_slice %arg9[%add3A_9, %dma_start3A_419] : memref<10112x128xf32, #tpu.memory_space<vmem_shared>> -> memref<80x128xf32, #tpu.memory_space<vmem_shared>>
      %dma_start3A_421 = arith.constant 0 : i32
      %dma_start3A_422 = tpu.memref_slice %arg9[%add3A_9, %dma_start3A_421] : memref<10112x128xf32, #tpu.memory_space<vmem_shared>> -> memref<80x128xf32, #tpu.memory_space<vmem_shared>>
      %dma_start3A_423 = arith.constant 0 : i32
      %dma_start3A_424 = arith.constant 0 : i32
      %dma_start3A_425 = tpu.memref_slice %arg8[%run_scoped3A, %dma_start3A_423, %dma_start3A_424] : memref<3x80x128xf32, #tpu.memory_space<vmem>> -> memref<1x80x128xf32, #tpu.memory_space<vmem>>
      %dma_start3A_426 = tpu.memref_squeeze %dma_start3A_425 : memref<1x80x128xf32, #tpu.memory_space<vmem>> -> memref<80x128xf32, #tpu.memory_space<vmem>>
      tpu.enqueue_dma source(%dma_start3A_426 : memref<80x128xf32, #tpu.memory_space<vmem>>) target(%dma_start3A_422 : memref<80x128xf32, #tpu.memory_space<vmem_shared>>) target_semaphore(%run_scoped3A_414 : memref<!tpu.dma_semaphore, #tpu.memory_space<semaphore_mem>>)
      %dma_wait3A = arith.constant 0 : i32
      %dma_wait3A_427 = arith.constant 0 : i32
      %dma_wait3A_428 = tpu.memref_slice %arg8[%run_scoped3A, %dma_wait3A, %dma_wait3A_427] : memref<3x80x128xf32, #tpu.memory_space<vmem>> -> memref<1x80x128xf32, #tpu.memory_space<vmem>>
      %dma_wait3A_429 = tpu.memref_squeeze %dma_wait3A_428 : memref<1x80x128xf32, #tpu.memory_space<vmem>> -> memref<80x128xf32, #tpu.memory_space<vmem>>
      %dma_wait3A_430 = arith.constant 0 : i32
      %dma_wait3A_431 = tpu.memref_slice %arg9[%add3A_9, %dma_wait3A_430] : memref<10112x128xf32, #tpu.memory_space<vmem_shared>> -> memref<80x128xf32, #tpu.memory_space<vmem_shared>>
      %dma_wait3A_432 = arith.constant 0 : i32
      %dma_wait3A_433 = tpu.memref_slice %arg9[%add3A_9, %dma_wait3A_432] : memref<10112x128xf32, #tpu.memory_space<vmem_shared>> -> memref<80x128xf32, #tpu.memory_space<vmem_shared>>
      %dma_wait3A_434 = arith.constant 0 : i32
      %dma_wait3A_435 = arith.constant 0 : i32
      %dma_wait3A_436 = tpu.memref_slice %arg8[%run_scoped3A, %dma_wait3A_434, %dma_wait3A_435] : memref<3x80x128xf32, #tpu.memory_space<vmem>> -> memref<1x80x128xf32, #tpu.memory_space<vmem>>
      %dma_wait3A_437 = tpu.memref_squeeze %dma_wait3A_436 : memref<1x80x128xf32, #tpu.memory_space<vmem>> -> memref<80x128xf32, #tpu.memory_space<vmem>>
      tpu.wait_dma2 semaphore(%run_scoped3A_414 : memref<!tpu.dma_semaphore, #tpu.memory_space<semaphore_mem>>) src(%dma_wait3A_437 : memref<80x128xf32, #tpu.memory_space<vmem>>) dst(%dma_wait3A_433 : memref<80x128xf32, #tpu.memory_space<vmem_shared>>)
      tpu.yield
    }) : () -> ()
    %add3A_10 = arith.constant 80 : i32
    %add3A_11 = arith.addi %mul3A_7, %add3A_10 : i32
    %run_scoped3A_12 = arith.constant 0 : i32
    "tpu.region"() ({
      %run_scoped3A_414 = tpu.sem_alloc : memref<!tpu.dma_semaphore, #tpu.memory_space<semaphore_mem>>
      %dma_start3A_415 = arith.constant 0 : i32
      %dma_start3A_416 = arith.constant 0 : i32
      %dma_start3A_417 = tpu.memref_slice %arg8[%run_scoped3A_12, %dma_start3A_415, %dma_start3A_416] : memref<3x80x128xf32, #tpu.memory_space<vmem>> -> memref<1x80x128xf32, #tpu.memory_space<vmem>>
      %dma_start3A_418 = tpu.memref_squeeze %dma_start3A_417 : memref<1x80x128xf32, #tpu.memory_space<vmem>> -> memref<80x128xf32, #tpu.memory_space<vmem>>
      %dma_start3A_419 = arith.constant 0 : i32
      %dma_start3A_420 = tpu.memref_slice %arg9[%add3A_11, %dma_start3A_419] : memref<10112x128xf32, #tpu.memory_space<vmem_shared>> -> memref<80x128xf32, #tpu.memory_space<vmem_shared>>
      %dma_start3A_421 = arith.constant 0 : i32
      %dma_start3A_422 = tpu.memref_slice %arg9[%add3A_11, %dma_start3A_421] : memref<10112x128xf32, #tpu.memory_space<vmem_shared>> -> memref<80x128xf32, #tpu.memory_space<vmem_shared>>
      %dma_start3A_423 = arith.constant 0 : i32
      %dma_start3A_424 = arith.constant 0 : i32
      %dma_start3A_425 = tpu.memref_slice %arg8[%run_scoped3A_12, %dma_start3A_423, %dma_start3A_424] : memref<3x80x128xf32, #tpu.memory_space<vmem>> -> memref<1x80x128xf32, #tpu.memory_space<vmem>>
      %dma_start3A_426 = tpu.memref_squeeze %dma_start3A_425 : memref<1x80x128xf32, #tpu.memory_space<vmem>> -> memref<80x128xf32, #tpu.memory_space<vmem>>
      tpu.enqueue_dma source(%dma_start3A_426 : memref<80x128xf32, #tpu.memory_space<vmem>>) target(%dma_start3A_422 : memref<80x128xf32, #tpu.memory_space<vmem_shared>>) target_semaphore(%run_scoped3A_414 : memref<!tpu.dma_semaphore, #tpu.memory_space<semaphore_mem>>)
      %dma_wait3A = arith.constant 0 : i32
      %dma_wait3A_427 = arith.constant 0 : i32
      %dma_wait3A_428 = tpu.memref_slice %arg8[%run_scoped3A_12, %dma_wait3A, %dma_wait3A_427] : memref<3x80x128xf32, #tpu.memory_space<vmem>> -> memref<1x80x128xf32, #tpu.memory_space<vmem>>
      %dma_wait3A_429 = tpu.memref_squeeze %dma_wait3A_428 : memref<1x80x128xf32, #tpu.memory_space<vmem>> -> memref<80x128xf32, #tpu.memory_space<vmem>>
      %dma_wait3A_430 = arith.constant 0 : i32
      %dma_wait3A_431 = tpu.memref_slice %arg9[%add3A_11, %dma_wait3A_430] : memref<10112x128xf32, #tpu.memory_space<vmem_shared>> -> memref<80x128xf32, #tpu.memory_space<vmem_shared>>
      %dma_wait3A_432 = arith.constant 0 : i32
      %dma_wait3A_433 = tpu.memref_slice %arg9[%add3A_11, %dma_wait3A_432] : memref<10112x128xf32, #tpu.memory_space<vmem_shared>> -> memref<80x128xf32, #tpu.memory_space<vmem_shared>>
      %dma_wait3A_434 = arith.constant 0 : i32
      %dma_wait3A_435 = arith.constant 0 : i32
      %dma_wait3A_436 = tpu.memref_slice %arg8[%run_scoped3A_12, %dma_wait3A_434, %dma_wait3A_435] : memref<3x80x128xf32, #tpu.memory_space<vmem>> -> memref<1x80x128xf32, #tpu.memory_space<vmem>>
      %dma_wait3A_437 = tpu.memref_squeeze %dma_wait3A_436 : memref<1x80x128xf32, #tpu.memory_space<vmem>> -> memref<80x128xf32, #tpu.memory_space<vmem>>
      tpu.wait_dma2 semaphore(%run_scoped3A_414 : memref<!tpu.dma_semaphore, #tpu.memory_space<semaphore_mem>>) src(%dma_wait3A_437 : memref<80x128xf32, #tpu.memory_space<vmem>>) dst(%dma_wait3A_433 : memref<80x128xf32, #tpu.memory_space<vmem_shared>>)
      tpu.yield
    }) : () -> ()
    %add3A_13 = arith.constant 160 : i32
    %add3A_14 = arith.addi %mul3A_7, %add3A_13 : i32
    %run_scoped3A_15 = arith.constant 0 : i32
    "tpu.region"() ({
      %run_scoped3A_414 = tpu.sem_alloc : memref<!tpu.dma_semaphore, #tpu.memory_space<semaphore_mem>>
      %dma_start3A_415 = arith.constant 0 : i32
      %dma_start3A_416 = arith.constant 0 : i32
      %dma_start3A_417 = tpu.memref_slice %arg8[%run_scoped3A_15, %dma_start3A_415, %dma_start3A_416] : memref<3x80x128xf32, #tpu.memory_space<vmem>> -> memref<1x80x128xf32, #tpu.memory_space<vmem>>
      %dma_start3A_418 = tpu.memref_squeeze %dma_start3A_417 : memref<1x80x128xf32, #tpu.memory_space<vmem>> -> memref<80x128xf32, #tpu.memory_space<vmem>>
      %dma_start3A_419 = arith.constant 0 : i32
      %dma_start3A_420 = tpu.memref_slice %arg9[%add3A_14, %dma_start3A_419] : memref<10112x128xf32, #tpu.memory_space<vmem_shared>> -> memref<80x128xf32, #tpu.memory_space<vmem_shared>>
      %dma_start3A_421 = arith.constant 0 : i32
      %dma_start3A_422 = tpu.memref_slice %arg9[%add3A_14, %dma_start3A_421] : memref<10112x128xf32, #tpu.memory_space<vmem_shared>> -> memref<80x128xf32, #tpu.memory_space<vmem_shared>>
      %dma_start3A_423 = arith.constant 0 : i32
      %dma_start3A_424 = arith.constant 0 : i32
      %dma_start3A_425 = tpu.memref_slice %arg8[%run_scoped3A_15, %dma_start3A_423, %dma_start3A_424] : memref<3x80x128xf32, #tpu.memory_space<vmem>> -> memref<1x80x128xf32, #tpu.memory_space<vmem>>
      %dma_start3A_426 = tpu.memref_squeeze %dma_start3A_425 : memref<1x80x128xf32, #tpu.memory_space<vmem>> -> memref<80x128xf32, #tpu.memory_space<vmem>>
      tpu.enqueue_dma source(%dma_start3A_426 : memref<80x128xf32, #tpu.memory_space<vmem>>) target(%dma_start3A_422 : memref<80x128xf32, #tpu.memory_space<vmem_shared>>) target_semaphore(%run_scoped3A_414 : memref<!tpu.dma_semaphore, #tpu.memory_space<semaphore_mem>>)
      %dma_wait3A = arith.constant 0 : i32
      %dma_wait3A_427 = arith.constant 0 : i32
      %dma_wait3A_428 = tpu.memref_slice %arg8[%run_scoped3A_15, %dma_wait3A, %dma_wait3A_427] : memref<3x80x128xf32, #tpu.memory_space<vmem>> -> memref<1x80x128xf32, #tpu.memory_space<vmem>>
      %dma_wait3A_429 = tpu.memref_squeeze %dma_wait3A_428 : memref<1x80x128xf32, #tpu.memory_space<vmem>> -> memref<80x128xf32, #tpu.memory_space<vmem>>
      %dma_wait3A_430 = arith.constant 0 : i32
      %dma_wait3A_431 = tpu.memref_slice %arg9[%add3A_14, %dma_wait3A_430] : memref<10112x128xf32, #tpu.memory_space<vmem_shared>> -> memref<80x128xf32, #tpu.memory_space<vmem_shared>>
      %dma_wait3A_432 = arith.constant 0 : i32
      %dma_wait3A_433 = tpu.memref_slice %arg9[%add3A_14, %dma_wait3A_432] : memref<10112x128xf32, #tpu.memory_space<vmem_shared>> -> memref<80x128xf32, #tpu.memory_space<vmem_shared>>
      %dma_wait3A_434 = arith.constant 0 : i32
      %dma_wait3A_435 = arith.constant 0 : i32
      %dma_wait3A_436 = tpu.memref_slice %arg8[%run_scoped3A_15, %dma_wait3A_434, %dma_wait3A_435] : memref<3x80x128xf32, #tpu.memory_space<vmem>> -> memref<1x80x128xf32, #tpu.memory_space<vmem>>
      %dma_wait3A_437 = tpu.memref_squeeze %dma_wait3A_436 : memref<1x80x128xf32, #tpu.memory_space<vmem>> -> memref<80x128xf32, #tpu.memory_space<vmem>>
      tpu.wait_dma2 semaphore(%run_scoped3A_414 : memref<!tpu.dma_semaphore, #tpu.memory_space<semaphore_mem>>) src(%dma_wait3A_437 : memref<80x128xf32, #tpu.memory_space<vmem>>) dst(%dma_wait3A_433 : memref<80x128xf32, #tpu.memory_space<vmem_shared>>)
      tpu.yield
    }) : () -> ()
    %add3A_16 = arith.constant 240 : i32
    %add3A_17 = arith.addi %mul3A_7, %add3A_16 : i32
    %run_scoped3A_18 = arith.constant 0 : i32
    "tpu.region"() ({
      %run_scoped3A_414 = tpu.sem_alloc : memref<!tpu.dma_semaphore, #tpu.memory_space<semaphore_mem>>
      %dma_start3A_415 = arith.constant 0 : i32
      %dma_start3A_416 = arith.constant 0 : i32
      %dma_start3A_417 = tpu.memref_slice %arg8[%run_scoped3A_18, %dma_start3A_415, %dma_start3A_416] : memref<3x80x128xf32, #tpu.memory_space<vmem>> -> memref<1x80x128xf32, #tpu.memory_space<vmem>>
      %dma_start3A_418 = tpu.memref_squeeze %dma_start3A_417 : memref<1x80x128xf32, #tpu.memory_space<vmem>> -> memref<80x128xf32, #tpu.memory_space<vmem>>
      %dma_start3A_419 = arith.constant 0 : i32
      %dma_start3A_420 = tpu.memref_slice %arg9[%add3A_17, %dma_start3A_419] : memref<10112x128xf32, #tpu.memory_space<vmem_shared>> -> memref<80x128xf32, #tpu.memory_space<vmem_shared>>
      %dma_start3A_421 = arith.constant 0 : i32
      %dma_start3A_422 = tpu.memref_slice %arg9[%add3A_17, %dma_start3A_421] : memref<10112x128xf32, #tpu.memory_space<vmem_shared>> -> memref<80x128xf32, #tpu.memory_space<vmem_shared>>
      %dma_start3A_423 = arith.constant 0 : i32
      %dma_start3A_424 = arith.constant 0 : i32
      %dma_start3A_425 = tpu.memref_slice %arg8[%run_scoped3A_18, %dma_start3A_423, %dma_start3A_424] : memref<3x80x128xf32, #tpu.memory_space<vmem>> -> memref<1x80x128xf32, #tpu.memory_space<vmem>>
      %dma_start3A_426 = tpu.memref_squeeze %dma_start3A_425 : memref<1x80x128xf32, #tpu.memory_space<vmem>> -> memref<80x128xf32, #tpu.memory_space<vmem>>
      tpu.enqueue_dma source(%dma_start3A_426 : memref<80x128xf32, #tpu.memory_space<vmem>>) target(%dma_start3A_422 : memref<80x128xf32, #tpu.memory_space<vmem_shared>>) target_semaphore(%run_scoped3A_414 : memref<!tpu.dma_semaphore, #tpu.memory_space<semaphore_mem>>)
      %dma_wait3A = arith.constant 0 : i32
      %dma_wait3A_427 = arith.constant 0 : i32
      %dma_wait3A_428 = tpu.memref_slice %arg8[%run_scoped3A_18, %dma_wait3A, %dma_wait3A_427] : memref<3x80x128xf32, #tpu.memory_space<vmem>> -> memref<1x80x128xf32, #tpu.memory_space<vmem>>
      %dma_wait3A_429 = tpu.memref_squeeze %dma_wait3A_428 : memref<1x80x128xf32, #tpu.memory_space<vmem>> -> memref<80x128xf32, #tpu.memory_space<vmem>>
      %dma_wait3A_430 = arith.constant 0 : i32
      %dma_wait3A_431 = tpu.memref_slice %arg9[%add3A_17, %dma_wait3A_430] : memref<10112x128xf32, #tpu.memory_space<vmem_shared>> -> memref<80x128xf32, #tpu.memory_space<vmem_shared>>
      %dma_wait3A_432 = arith.constant 0 : i32
      %dma_wait3A_433 = tpu.memref_slice %arg9[%add3A_17, %dma_wait3A_432] : memref<10112x128xf32, #tpu.memory_space<vmem_shared>> -> memref<80x128xf32, #tpu.memory_space<vmem_shared>>
      %dma_wait3A_434 = arith.constant 0 : i32
      %dma_wait3A_435 = arith.constant 0 : i32
      %dma_wait3A_436 = tpu.memref_slice %arg8[%run_scoped3A_18, %dma_wait3A_434, %dma_wait3A_435] : memref<3x80x128xf32, #tpu.memory_space<vmem>> -> memref<1x80x128xf32, #tpu.memory_space<vmem>>
      %dma_wait3A_437 = tpu.memref_squeeze %dma_wait3A_436 : memref<1x80x128xf32, #tpu.memory_space<vmem>> -> memref<80x128xf32, #tpu.memory_space<vmem>>
      tpu.wait_dma2 semaphore(%run_scoped3A_414 : memref<!tpu.dma_semaphore, #tpu.memory_space<semaphore_mem>>) src(%dma_wait3A_437 : memref<80x128xf32, #tpu.memory_space<vmem>>) dst(%dma_wait3A_433 : memref<80x128xf32, #tpu.memory_space<vmem_shared>>)
      tpu.yield
    }) : () -> ()
    %add3A_19 = arith.constant 320 : i32
    %add3A_20 = arith.addi %mul3A_7, %add3A_19 : i32
    %run_scoped3A_21 = arith.constant 0 : i32
    "tpu.region"() ({
      %run_scoped3A_414 = tpu.sem_alloc : memref<!tpu.dma_semaphore, #tpu.memory_space<semaphore_mem>>
      %dma_start3A_415 = arith.constant 0 : i32
      %dma_start3A_416 = arith.constant 0 : i32
      %dma_start3A_417 = tpu.memref_slice %arg8[%run_scoped3A_21, %dma_start3A_415, %dma_start3A_416] : memref<3x80x128xf32, #tpu.memory_space<vmem>> -> memref<1x80x128xf32, #tpu.memory_space<vmem>>
      %dma_start3A_418 = tpu.memref_squeeze %dma_start3A_417 : memref<1x80x128xf32, #tpu.memory_space<vmem>> -> memref<80x128xf32, #tpu.memory_space<vmem>>
      %dma_start3A_419 = arith.constant 0 : i32
      %dma_start3A_420 = tpu.memref_slice %arg9[%add3A_20, %dma_start3A_419] : memref<10112x128xf32, #tpu.memory_space<vmem_shared>> -> memref<80x128xf32, #tpu.memory_space<vmem_shared>>
      %dma_start3A_421 = arith.constant 0 : i32
      %dma_start3A_422 = tpu.memref_slice %arg9[%add3A_20, %dma_start3A_421] : memref<10112x128xf32, #tpu.memory_space<vmem_shared>> -> memref<80x128xf32, #tpu.memory_space<vmem_shared>>
      %dma_start3A_423 = arith.constant 0 : i32
      %dma_start3A_424 = arith.constant 0 : i32
      %dma_start3A_425 = tpu.memref_slice %arg8[%run_scoped3A_21, %dma_start3A_423, %dma_start3A_424] : memref<3x80x128xf32, #tpu.memory_space<vmem>> -> memref<1x80x128xf32, #tpu.memory_space<vmem>>
      %dma_start3A_426 = tpu.memref_squeeze %dma_start3A_425 : memref<1x80x128xf32, #tpu.memory_space<vmem>> -> memref<80x128xf32, #tpu.memory_space<vmem>>
      tpu.enqueue_dma source(%dma_start3A_426 : memref<80x128xf32, #tpu.memory_space<vmem>>) target(%dma_start3A_422 : memref<80x128xf32, #tpu.memory_space<vmem_shared>>) target_semaphore(%run_scoped3A_414 : memref<!tpu.dma_semaphore, #tpu.memory_space<semaphore_mem>>)
      %dma_wait3A = arith.constant 0 : i32
      %dma_wait3A_427 = arith.constant 0 : i32
      %dma_wait3A_428 = tpu.memref_slice %arg8[%run_scoped3A_21, %dma_wait3A, %dma_wait3A_427] : memref<3x80x128xf32, #tpu.memory_space<vmem>> -> memref<1x80x128xf32, #tpu.memory_space<vmem>>
      %dma_wait3A_429 = tpu.memref_squeeze %dma_wait3A_428 : memref<1x80x128xf32, #tpu.memory_space<vmem>> -> memref<80x128xf32, #tpu.memory_space<vmem>>
      %dma_wait3A_430 = arith.constant 0 : i32
      %dma_wait3A_431 = tpu.memref_slice %arg9[%add3A_20, %dma_wait3A_430] : memref<10112x128xf32, #tpu.memory_space<vmem_shared>> -> memref<80x128xf32, #tpu.memory_space<vmem_shared>>
      %dma_wait3A_432 = arith.constant 0 : i32
      %dma_wait3A_433 = tpu.memref_slice %arg9[%add3A_20, %dma_wait3A_432] : memref<10112x128xf32, #tpu.memory_space<vmem_shared>> -> memref<80x128xf32, #tpu.memory_space<vmem_shared>>
      %dma_wait3A_434 = arith.constant 0 : i32
      %dma_wait3A_435 = arith.constant 0 : i32
      %dma_wait3A_436 = tpu.memref_slice %arg8[%run_scoped3A_21, %dma_wait3A_434, %dma_wait3A_435] : memref<3x80x128xf32, #tpu.memory_space<vmem>> -> memref<1x80x128xf32, #tpu.memory_space<vmem>>
      %dma_wait3A_437 = tpu.memref_squeeze %dma_wait3A_436 : memref<1x80x128xf32, #tpu.memory_space<vmem>> -> memref<80x128xf32, #tpu.memory_space<vmem>>
      tpu.wait_dma2 semaphore(%run_scoped3A_414 : memref<!tpu.dma_semaphore, #tpu.memory_space<semaphore_mem>>) src(%dma_wait3A_437 : memref<80x128xf32, #tpu.memory_space<vmem>>) dst(%dma_wait3A_433 : memref<80x128xf32, #tpu.memory_space<vmem_shared>>)
      tpu.yield
    }) : () -> ()
    %add3A_22 = arith.constant 400 : i32
    %add3A_23 = arith.addi %mul3A_7, %add3A_22 : i32
    %run_scoped3A_24 = arith.constant 0 : i32
    "tpu.region"() ({
      %run_scoped3A_414 = tpu.sem_alloc : memref<!tpu.dma_semaphore, #tpu.memory_space<semaphore_mem>>
      %dma_start3A_415 = arith.constant 0 : i32
      %dma_start3A_416 = arith.constant 0 : i32
      %dma_start3A_417 = tpu.memref_slice %arg8[%run_scoped3A_24, %dma_start3A_415, %dma_start3A_416] : memref<3x80x128xf32, #tpu.memory_space<vmem>> -> memref<1x80x128xf32, #tpu.memory_space<vmem>>
      %dma_start3A_418 = tpu.memref_squeeze %dma_start3A_417 : memref<1x80x128xf32, #tpu.memory_space<vmem>> -> memref<80x128xf32, #tpu.memory_space<vmem>>
      %dma_start3A_419 = arith.constant 0 : i32
      %dma_start3A_420 = tpu.memref_slice %arg9[%add3A_23, %dma_start3A_419] : memref<10112x128xf32, #tpu.memory_space<vmem_shared>> -> memref<80x128xf32, #tpu.memory_space<vmem_shared>>
      %dma_start3A_421 = arith.constant 0 : i32
      %dma_start3A_422 = tpu.memref_slice %arg9[%add3A_23, %dma_start3A_421] : memref<10112x128xf32, #tpu.memory_space<vmem_shared>> -> memref<80x128xf32, #tpu.memory_space<vmem_shared>>
      %dma_start3A_423 = arith.constant 0 : i32
      %dma_start3A_424 = arith.constant 0 : i32
      %dma_start3A_425 = tpu.memref_slice %arg8[%run_scoped3A_24, %dma_start3A_423, %dma_start3A_424] : memref<3x80x128xf32, #tpu.memory_space<vmem>> -> memref<1x80x128xf32, #tpu.memory_space<vmem>>
      %dma_start3A_426 = tpu.memref_squeeze %dma_start3A_425 : memref<1x80x128xf32, #tpu.memory_space<vmem>> -> memref<80x128xf32, #tpu.memory_space<vmem>>
      tpu.enqueue_dma source(%dma_start3A_426 : memref<80x128xf32, #tpu.memory_space<vmem>>) target(%dma_start3A_422 : memref<80x128xf32, #tpu.memory_space<vmem_shared>>) target_semaphore(%run_scoped3A_414 : memref<!tpu.dma_semaphore, #tpu.memory_space<semaphore_mem>>)
      %dma_wait3A = arith.constant 0 : i32
      %dma_wait3A_427 = arith.constant 0 : i32
      %dma_wait3A_428 = tpu.memref_slice %arg8[%run_scoped3A_24, %dma_wait3A, %dma_wait3A_427] : memref<3x80x128xf32, #tpu.memory_space<vmem>> -> memref<1x80x128xf32, #tpu.memory_space<vmem>>
      %dma_wait3A_429 = tpu.memref_squeeze %dma_wait3A_428 : memref<1x80x128xf32, #tpu.memory_space<vmem>> -> memref<80x128xf32, #tpu.memory_space<vmem>>
      %dma_wait3A_430 = arith.constant 0 : i32
      %dma_wait3A_431 = tpu.memref_slice %arg9[%add3A_23, %dma_wait3A_430] : memref<10112x128xf32, #tpu.memory_space<vmem_shared>> -> memref<80x128xf32, #tpu.memory_space<vmem_shared>>
      %dma_wait3A_432 = arith.constant 0 : i32
      %dma_wait3A_433 = tpu.memref_slice %arg9[%add3A_23, %dma_wait3A_432] : memref<10112x128xf32, #tpu.memory_space<vmem_shared>> -> memref<80x128xf32, #tpu.memory_space<vmem_shared>>
      %dma_wait3A_434 = arith.constant 0 : i32
      %dma_wait3A_435 = arith.constant 0 : i32
      %dma_wait3A_436 = tpu.memref_slice %arg8[%run_scoped3A_24, %dma_wait3A_434, %dma_wait3A_435] : memref<3x80x128xf32, #tpu.memory_space<vmem>> -> memref<1x80x128xf32, #tpu.memory_space<vmem>>
      %dma_wait3A_437 = tpu.memref_squeeze %dma_wait3A_436 : memref<1x80x128xf32, #tpu.memory_space<vmem>> -> memref<80x128xf32, #tpu.memory_space<vmem>>
      tpu.wait_dma2 semaphore(%run_scoped3A_414 : memref<!tpu.dma_semaphore, #tpu.memory_space<semaphore_mem>>) src(%dma_wait3A_437 : memref<80x128xf32, #tpu.memory_space<vmem>>) dst(%dma_wait3A_433 : memref<80x128xf32, #tpu.memory_space<vmem_shared>>)
      tpu.yield
    }) : () -> ()
    %add3A_25 = arith.constant 480 : i32
    %add3A_26 = arith.addi %mul3A_7, %add3A_25 : i32
    %run_scoped3A_27 = arith.constant 0 : i32
    "tpu.region"() ({
      %run_scoped3A_414 = tpu.sem_alloc : memref<!tpu.dma_semaphore, #tpu.memory_space<semaphore_mem>>
      %dma_start3A_415 = arith.constant 0 : i32
      %dma_start3A_416 = arith.constant 0 : i32
      %dma_start3A_417 = tpu.memref_slice %arg8[%run_scoped3A_27, %dma_start3A_415, %dma_start3A_416] : memref<3x80x128xf32, #tpu.memory_space<vmem>> -> memref<1x80x128xf32, #tpu.memory_space<vmem>>
      %dma_start3A_418 = tpu.memref_squeeze %dma_start3A_417 : memref<1x80x128xf32, #tpu.memory_space<vmem>> -> memref<80x128xf32, #tpu.memory_space<vmem>>
      %dma_start3A_419 = arith.constant 0 : i32
      %dma_start3A_420 = tpu.memref_slice %arg9[%add3A_26, %dma_start3A_419] : memref<10112x128xf32, #tpu.memory_space<vmem_shared>> -> memref<80x128xf32, #tpu.memory_space<vmem_shared>>
      %dma_start3A_421 = arith.constant 0 : i32
      %dma_start3A_422 = tpu.memref_slice %arg9[%add3A_26, %dma_start3A_421] : memref<10112x128xf32, #tpu.memory_space<vmem_shared>> -> memref<80x128xf32, #tpu.memory_space<vmem_shared>>
      %dma_start3A_423 = arith.constant 0 : i32
      %dma_start3A_424 = arith.constant 0 : i32
      %dma_start3A_425 = tpu.memref_slice %arg8[%run_scoped3A_27, %dma_start3A_423, %dma_start3A_424] : memref<3x80x128xf32, #tpu.memory_space<vmem>> -> memref<1x80x128xf32, #tpu.memory_space<vmem>>
      %dma_start3A_426 = tpu.memref_squeeze %dma_start3A_425 : memref<1x80x128xf32, #tpu.memory_space<vmem>> -> memref<80x128xf32, #tpu.memory_space<vmem>>
      tpu.enqueue_dma source(%dma_start3A_426 : memref<80x128xf32, #tpu.memory_space<vmem>>) target(%dma_start3A_422 : memref<80x128xf32, #tpu.memory_space<vmem_shared>>) target_semaphore(%run_scoped3A_414 : memref<!tpu.dma_semaphore, #tpu.memory_space<semaphore_mem>>)
      %dma_wait3A = arith.constant 0 : i32
      %dma_wait3A_427 = arith.constant 0 : i32
      %dma_wait3A_428 = tpu.memref_slice %arg8[%run_scoped3A_27, %dma_wait3A, %dma_wait3A_427] : memref<3x80x128xf32, #tpu.memory_space<vmem>> -> memref<1x80x128xf32, #tpu.memory_space<vmem>>
      %dma_wait3A_429 = tpu.memref_squeeze %dma_wait3A_428 : memref<1x80x128xf32, #tpu.memory_space<vmem>> -> memref<80x128xf32, #tpu.memory_space<vmem>>
      %dma_wait3A_430 = arith.constant 0 : i32
      %dma_wait3A_431 = tpu.memref_slice %arg9[%add3A_26, %dma_wait3A_430] : memref<10112x128xf32, #tpu.memory_space<vmem_shared>> -> memref<80x128xf32, #tpu.memory_space<vmem_shared>>
      %dma_wait3A_432 = arith.constant 0 : i32
      %dma_wait3A_433 = tpu.memref_slice %arg9[%add3A_26, %dma_wait3A_432] : memref<10112x128xf32, #tpu.memory_space<vmem_shared>> -> memref<80x128xf32, #tpu.memory_space<vmem_shared>>
      %dma_wait3A_434 = arith.constant 0 : i32
      %dma_wait3A_435 = arith.constant 0 : i32
      %dma_wait3A_436 = tpu.memref_slice %arg8[%run_scoped3A_27, %dma_wait3A_434, %dma_wait3A_435] : memref<3x80x128xf32, #tpu.memory_space<vmem>> -> memref<1x80x128xf32, #tpu.memory_space<vmem>>
      %dma_wait3A_437 = tpu.memref_squeeze %dma_wait3A_436 : memref<1x80x128xf32, #tpu.memory_space<vmem>> -> memref<80x128xf32, #tpu.memory_space<vmem>>
      tpu.wait_dma2 semaphore(%run_scoped3A_414 : memref<!tpu.dma_semaphore, #tpu.memory_space<semaphore_mem>>) src(%dma_wait3A_437 : memref<80x128xf32, #tpu.memory_space<vmem>>) dst(%dma_wait3A_433 : memref<80x128xf32, #tpu.memory_space<vmem_shared>>)
      tpu.yield
    }) : () -> ()
    %add3A_28 = arith.constant 560 : i32
    %add3A_29 = arith.addi %mul3A_7, %add3A_28 : i32
    %run_scoped3A_30 = arith.constant 0 : i32
    "tpu.region"() ({
      %run_scoped3A_414 = tpu.sem_alloc : memref<!tpu.dma_semaphore, #tpu.memory_space<semaphore_mem>>
      %dma_start3A_415 = arith.constant 0 : i32
      %dma_start3A_416 = arith.constant 0 : i32
      %dma_start3A_417 = tpu.memref_slice %arg8[%run_scoped3A_30, %dma_start3A_415, %dma_start3A_416] : memref<3x80x128xf32, #tpu.memory_space<vmem>> -> memref<1x72x128xf32, #tpu.memory_space<vmem>>
      %dma_start3A_418 = tpu.memref_squeeze %dma_start3A_417 : memref<1x72x128xf32, #tpu.memory_space<vmem>> -> memref<72x128xf32, #tpu.memory_space<vmem>>
      %dma_start3A_419 = arith.constant 0 : i32
      %dma_start3A_420 = tpu.memref_slice %arg9[%add3A_29, %dma_start3A_419] : memref<10112x128xf32, #tpu.memory_space<vmem_shared>> -> memref<72x128xf32, #tpu.memory_space<vmem_shared>>
      %dma_start3A_421 = arith.constant 0 : i32
      %dma_start3A_422 = tpu.memref_slice %arg9[%add3A_29, %dma_start3A_421] : memref<10112x128xf32, #tpu.memory_space<vmem_shared>> -> memref<72x128xf32, #tpu.memory_space<vmem_shared>>
      %dma_start3A_423 = arith.constant 0 : i32
      %dma_start3A_424 = arith.constant 0 : i32
      %dma_start3A_425 = tpu.memref_slice %arg8[%run_scoped3A_30, %dma_start3A_423, %dma_start3A_424] : memref<3x80x128xf32, #tpu.memory_space<vmem>> -> memref<1x72x128xf32, #tpu.memory_space<vmem>>
      %dma_start3A_426 = tpu.memref_squeeze %dma_start3A_425 : memref<1x72x128xf32, #tpu.memory_space<vmem>> -> memref<72x128xf32, #tpu.memory_space<vmem>>
      tpu.enqueue_dma source(%dma_start3A_426 : memref<72x128xf32, #tpu.memory_space<vmem>>) target(%dma_start3A_422 : memref<72x128xf32, #tpu.memory_space<vmem_shared>>) target_semaphore(%run_scoped3A_414 : memref<!tpu.dma_semaphore, #tpu.memory_space<semaphore_mem>>)
      %dma_wait3A = arith.constant 0 : i32
      %dma_wait3A_427 = arith.constant 0 : i32
      %dma_wait3A_428 = tpu.memref_slice %arg8[%run_scoped3A_30, %dma_wait3A, %dma_wait3A_427] : memref<3x80x128xf32, #tpu.memory_space<vmem>> -> memref<1x72x128xf32, #tpu.memory_space<vmem>>
      %dma_wait3A_429 = tpu.memref_squeeze %dma_wait3A_428 : memref<1x72x128xf32, #tpu.memory_space<vmem>> -> memref<72x128xf32, #tpu.memory_space<vmem>>
      %dma_wait3A_430 = arith.constant 0 : i32
      %dma_wait3A_431 = tpu.memref_slice %arg9[%add3A_29, %dma_wait3A_430] : memref<10112x128xf32, #tpu.memory_space<vmem_shared>> -> memref<72x128xf32, #tpu.memory_space<vmem_shared>>
      %dma_wait3A_432 = arith.constant 0 : i32
      %dma_wait3A_433 = tpu.memref_slice %arg9[%add3A_29, %dma_wait3A_432] : memref<10112x128xf32, #tpu.memory_space<vmem_shared>> -> memref<72x128xf32, #tpu.memory_space<vmem_shared>>
      %dma_wait3A_434 = arith.constant 0 : i32
      %dma_wait3A_435 = arith.constant 0 : i32
      %dma_wait3A_436 = tpu.memref_slice %arg8[%run_scoped3A_30, %dma_wait3A_434, %dma_wait3A_435] : memref<3x80x128xf32, #tpu.memory_space<vmem>> -> memref<1x72x128xf32, #tpu.memory_space<vmem>>
      %dma_wait3A_437 = tpu.memref_squeeze %dma_wait3A_436 : memref<1x72x128xf32, #tpu.memory_space<vmem>> -> memref<72x128xf32, #tpu.memory_space<vmem>>
      tpu.wait_dma2 semaphore(%run_scoped3A_414 : memref<!tpu.dma_semaphore, #tpu.memory_space<semaphore_mem>>) src(%dma_wait3A_437 : memref<72x128xf32, #tpu.memory_space<vmem>>) dst(%dma_wait3A_433 : memref<72x128xf32, #tpu.memory_space<vmem_shared>>)
      tpu.yield
    }) : () -> ()
    %barrier3A = arith.constant 0 : index
    tpu.barrier barrier_id(%barrier3A)
    "tpu.region"() ({
      %run_scoped3A_414 = tpu.sem_alloc : memref<!tpu.dma_semaphore, #tpu.memory_space<semaphore_mem>>
      %dma_start3A_415 = arith.constant 0 : i32
      %dma_start3A_416 = arith.constant 0 : i32
      %dma_start3A_417 = tpu.memref_slice %arg3[%add3A, %dma_start3A_415, %dma_start3A_416] : memref<32x126x80xi32, #tpu.memory_space<hbm>> -> memref<1x126x80xi32, #tpu.memory_space<hbm>>
      %dma_start3A_418 = tpu.memref_squeeze %dma_start3A_417 : memref<1x126x80xi32, #tpu.memory_space<hbm>> -> memref<126x80xi32, #tpu.memory_space<hbm>>
      %dma_start3A_419 = arith.constant 0 : i32
      %dma_start3A_420 = arith.constant 0 : i32
      %dma_start3A_421 = tpu.memref_slice %arg3[%add3A, %dma_start3A_419, %dma_start3A_420] : memref<32x126x80xi32, #tpu.memory_space<hbm>> -> memref<1x126x80xi32, #tpu.memory_space<hbm>>
      %dma_start3A_422 = tpu.memref_squeeze %dma_start3A_421 : memref<1x126x80xi32, #tpu.memory_space<hbm>> -> memref<126x80xi32, #tpu.memory_space<hbm>>
      tpu.enqueue_dma source(%dma_start3A_422 : memref<126x80xi32, #tpu.memory_space<hbm>>) target(%arg5 : memref<126x80xi32, #tpu.memory_space<vmem>>) target_semaphore(%run_scoped3A_414 : memref<!tpu.dma_semaphore, #tpu.memory_space<semaphore_mem>>)
      %dma_wait3A = arith.constant 0 : i32
      %dma_wait3A_423 = arith.constant 0 : i32
      %dma_wait3A_424 = tpu.memref_slice %arg3[%add3A, %dma_wait3A, %dma_wait3A_423] : memref<32x126x80xi32, #tpu.memory_space<hbm>> -> memref<1x126x80xi32, #tpu.memory_space<hbm>>
      %dma_wait3A_425 = tpu.memref_squeeze %dma_wait3A_424 : memref<1x126x80xi32, #tpu.memory_space<hbm>> -> memref<126x80xi32, #tpu.memory_space<hbm>>
      %dma_wait3A_426 = arith.constant 0 : i32
      %dma_wait3A_427 = arith.constant 0 : i32
      %dma_wait3A_428 = tpu.memref_slice %arg3[%add3A, %dma_wait3A_426, %dma_wait3A_427] : memref<32x126x80xi32, #tpu.memory_space<hbm>> -> memref<1x126x80xi32, #tpu.memory_space<hbm>>
      %dma_wait3A_429 = tpu.memref_squeeze %dma_wait3A_428 : memref<1x126x80xi32, #tpu.memory_space<hbm>> -> memref<126x80xi32, #tpu.memory_space<hbm>>
      tpu.wait_dma2 semaphore(%run_scoped3A_414 : memref<!tpu.dma_semaphore, #tpu.memory_space<semaphore_mem>>) src(%dma_wait3A_429 : memref<126x80xi32, #tpu.memory_space<hbm>>) dst(%arg5 : memref<126x80xi32, #tpu.memory_space<vmem>>)
      tpu.yield
    }) : () -> ()
    %get3A = arith.constant 0 : i32
    %get3A_31 = arith.index_cast %get3A : i32 to index
    %get3A_32 = arith.constant 0 : index
    %get3A_33 = tpu.vector_load %arg5[%get3A_31, %get3A_32] {strides = array<i32>} : memref<126x80xi32, #tpu.memory_space<vmem>>, vector<1x16xi32>,
    %get3A_34 = vector.shape_cast %get3A_33 : vector<1x16xi32> to vector<16xi32>
    %and3A = arith.constant 65535 : i32
    %and3A_35 = vector.broadcast %and3A : i32 to vector<16xi32>
    %and3A_36 = arith.andi %get3A_34, %and3A_35 : vector<16xi32>
    %swap3A = arith.constant 0 : i32
    %swap3A_37 = arith.index_cast %swap3A : i32 to index
    %swap3A_38 = arith.constant 0 : index
    %swap3A_39 = tpu.vector_load %arg6[%swap3A_37, %swap3A_38] {strides = array<i32>} : memref<3x80xi32, #tpu.memory_space<vmem>>, vector<1x16xi32>,
    %swap3A_40 = vector.shape_cast %swap3A_39 : vector<1x16xi32> to vector<16xi32>
    %swap3A_41 = vector.shape_cast %and3A_36 : vector<16xi32> to vector<1x16xi32>
    tpu.vector_store %arg6[%swap3A_37, %swap3A_38], %swap3A_41 {strides = array<i32>} : memref<3x80xi32, #tpu.memory_space<vmem>>, vector<1x16xi32>,
    %shift_right_logical3A = arith.constant 16 : i32
    %shift_right_logical3A_42 = vector.broadcast %shift_right_logical3A : i32 to vector<16xi32>
    %shift_right_logical3A_43 = arith.shrui %get3A_34, %shift_right_logical3A_42 : vector<16xi32>
    %swap3A_44 = arith.constant 0 : i32
    %swap3A_45 = arith.index_cast %swap3A_44 : i32 to index
    %swap3A_46 = arith.constant 0 : index
    %swap3A_47 = tpu.vector_load %arg7[%swap3A_45, %swap3A_46] {strides = array<i32>} : memref<3x80xi32, #tpu.memory_space<vmem>>, vector<1x16xi32>,
    %swap3A_48 = vector.shape_cast %swap3A_47 : vector<1x16xi32> to vector<16xi32>
    %swap3A_49 = vector.shape_cast %shift_right_logical3A_43 : vector<16xi32> to vector<1x16xi32>
    tpu.vector_store %arg7[%swap3A_45, %swap3A_46], %swap3A_49 {strides = array<i32>} : memref<3x80xi32, #tpu.memory_space<vmem>>, vector<1x16xi32>,
    %get3A_50 = arith.constant 0 : i32
    %get3A_51 = arith.index_cast %get3A_50 : i32 to index
    %get3A_52 = arith.constant 16 : index
    %get3A_53 = tpu.vector_load %arg5[%get3A_51, %get3A_52] {strides = array<i32>} : memref<126x80xi32, #tpu.memory_space<vmem>>, vector<1x16xi32>,
    %get3A_54 = vector.shape_cast %get3A_53 : vector<1x16xi32> to vector<16xi32>
    %and3A_55 = arith.constant 65535 : i32
    %and3A_56 = vector.broadcast %and3A_55 : i32 to vector<16xi32>
    %and3A_57 = arith.andi %get3A_54, %and3A_56 : vector<16xi32>
    %swap3A_58 = arith.constant 0 : i32
    %swap3A_59 = arith.index_cast %swap3A_58 : i32 to index
    %swap3A_60 = arith.constant 16 : index
    %swap3A_61 = tpu.vector_load %arg6[%swap3A_59, %swap3A_60] {strides = array<i32>} : memref<3x80xi32, #tpu.memory_space<vmem>>, vector<1x16xi32>,
    %swap3A_62 = vector.shape_cast %swap3A_61 : vector<1x16xi32> to vector<16xi32>
    %swap3A_63 = vector.shape_cast %and3A_57 : vector<16xi32> to vector<1x16xi32>
    tpu.vector_store %arg6[%swap3A_59, %swap3A_60], %swap3A_63 {strides = array<i32>} : memref<3x80xi32, #tpu.memory_space<vmem>>, vector<1x16xi32>,
    %shift_right_logical3A_64 = arith.constant 16 : i32
    %shift_right_logical3A_65 = vector.broadcast %shift_right_logical3A_64 : i32 to vector<16xi32>
    %shift_right_logical3A_66 = arith.shrui %get3A_54, %shift_right_logical3A_65 : vector<16xi32>
    %swap3A_67 = arith.constant 0 : i32
    %swap3A_68 = arith.index_cast %swap3A_67 : i32 to index
    %swap3A_69 = arith.constant 16 : index
    %swap3A_70 = tpu.vector_load %arg7[%swap3A_68, %swap3A_69] {strides = array<i32>} : memref<3x80xi32, #tpu.memory_space<vmem>>, vector<1x16xi32>,
    %swap3A_71 = vector.shape_cast %swap3A_70 : vector<1x16xi32> to vector<16xi32>
    %swap3A_72 = vector.shape_cast %shift_right_logical3A_66 : vector<16xi32> to vector<1x16xi32>
    tpu.vector_store %arg7[%swap3A_68, %swap3A_69], %swap3A_72 {strides = array<i32>} : memref<3x80xi32, #tpu.memory_space<vmem>>, vector<1x16xi32>,
    %get3A_73 = arith.constant 0 : i32
    %get3A_74 = arith.index_cast %get3A_73 : i32 to index
    %get3A_75 = arith.constant 32 : index
    %get3A_76 = tpu.vector_load %arg5[%get3A_74, %get3A_75] {strides = array<i32>} : memref<126x80xi32, #tpu.memory_space<vmem>>, vector<1x16xi32>,
    %get3A_77 = vector.shape_cast %get3A_76 : vector<1x16xi32> to vector<16xi32>
    %and3A_78 = arith.constant 65535 : i32
    %and3A_79 = vector.broadcast %and3A_78 : i32 to vector<16xi32>
    %and3A_80 = arith.andi %get3A_77, %and3A_79 : vector<16xi32>
    %swap3A_81 = arith.constant 0 : i32
    %swap3A_82 = arith.index_cast %swap3A_81 : i32 to index
    %swap3A_83 = arith.constant 32 : index
    %swap3A_84 = tpu.vector_load %arg6[%swap3A_82, %swap3A_83] {strides = array<i32>} : memref<3x80xi32, #tpu.memory_space<vmem>>, vector<1x16xi32>,
    %swap3A_85 = vector.shape_cast %swap3A_84 : vector<1x16xi32> to vector<16xi32>
    %swap3A_86 = vector.shape_cast %and3A_80 : vector<16xi32> to vector<1x16xi32>
    tpu.vector_store %arg6[%swap3A_82, %swap3A_83], %swap3A_86 {strides = array<i32>} : memref<3x80xi32, #tpu.memory_space<vmem>>, vector<1x16xi32>,
    %shift_right_logical3A_87 = arith.constant 16 : i32
    %shift_right_logical3A_88 = vector.broadcast %shift_right_logical3A_87 : i32 to vector<16xi32>
    %shift_right_logical3A_89 = arith.shrui %get3A_77, %shift_right_logical3A_88 : vector<16xi32>
    %swap3A_90 = arith.constant 0 : i32
    %swap3A_91 = arith.index_cast %swap3A_90 : i32 to index
    %swap3A_92 = arith.constant 32 : index
    %swap3A_93 = tpu.vector_load %arg7[%swap3A_91, %swap3A_92] {strides = array<i32>} : memref<3x80xi32, #tpu.memory_space<vmem>>, vector<1x16xi32>,
    %swap3A_94 = vector.shape_cast %swap3A_93 : vector<1x16xi32> to vector<16xi32>
    %swap3A_95 = vector.shape_cast %shift_right_logical3A_89 : vector<16xi32> to vector<1x16xi32>
    tpu.vector_store %arg7[%swap3A_91, %swap3A_92], %swap3A_95 {strides = array<i32>} : memref<3x80xi32, #tpu.memory_space<vmem>>, vector<1x16xi32>,
    %get3A_96 = arith.constant 0 : i32
    %get3A_97 = arith.index_cast %get3A_96 : i32 to index
    %get3A_98 = arith.constant 48 : index
    %get3A_99 = tpu.vector_load %arg5[%get3A_97, %get3A_98] {strides = array<i32>} : memref<126x80xi32, #tpu.memory_space<vmem>>, vector<1x16xi32>,
    %get3A_100 = vector.shape_cast %get3A_99 : vector<1x16xi32> to vector<16xi32>
    %and3A_101 = arith.constant 65535 : i32
    %and3A_102 = vector.broadcast %and3A_101 : i32 to vector<16xi32>
    %and3A_103 = arith.andi %get3A_100, %and3A_102 : vector<16xi32>
    %swap3A_104 = arith.constant 0 : i32
    %swap3A_105 = arith.index_cast %swap3A_104 : i32 to index
    %swap3A_106 = arith.constant 48 : index
    %swap3A_107 = tpu.vector_load %arg6[%swap3A_105, %swap3A_106] {strides = array<i32>} : memref<3x80xi32, #tpu.memory_space<vmem>>, vector<1x16xi32>,
    %swap3A_108 = vector.shape_cast %swap3A_107 : vector<1x16xi32> to vector<16xi32>
    %swap3A_109 = vector.shape_cast %and3A_103 : vector<16xi32> to vector<1x16xi32>
    tpu.vector_store %arg6[%swap3A_105, %swap3A_106], %swap3A_109 {strides = array<i32>} : memref<3x80xi32, #tpu.memory_space<vmem>>, vector<1x16xi32>,
    %shift_right_logical3A_110 = arith.constant 16 : i32
    %shift_right_logical3A_111 = vector.broadcast %shift_right_logical3A_110 : i32 to vector<16xi32>
    %shift_right_logical3A_112 = arith.shrui %get3A_100, %shift_right_logical3A_111 : vector<16xi32>
    %swap3A_113 = arith.constant 0 : i32
    %swap3A_114 = arith.index_cast %swap3A_113 : i32 to index
    %swap3A_115 = arith.constant 48 : index
    %swap3A_116 = tpu.vector_load %arg7[%swap3A_114, %swap3A_115] {strides = array<i32>} : memref<3x80xi32, #tpu.memory_space<vmem>>, vector<1x16xi32>,
    %swap3A_117 = vector.shape_cast %swap3A_116 : vector<1x16xi32> to vector<16xi32>
    %swap3A_118 = vector.shape_cast %shift_right_logical3A_112 : vector<16xi32> to vector<1x16xi32>
    tpu.vector_store %arg7[%swap3A_114, %swap3A_115], %swap3A_118 {strides = array<i32>} : memref<3x80xi32, #tpu.memory_space<vmem>>, vector<1x16xi32>,
    %get3A_119 = arith.constant 0 : i32
    %get3A_120 = arith.index_cast %get3A_119 : i32 to index
    %get3A_121 = arith.constant 64 : index
    %get3A_122 = tpu.vector_load %arg5[%get3A_120, %get3A_121] {strides = array<i32>} : memref<126x80xi32, #tpu.memory_space<vmem>>, vector<1x16xi32>,
    %get3A_123 = vector.shape_cast %get3A_122 : vector<1x16xi32> to vector<16xi32>
    %and3A_124 = arith.constant 65535 : i32
    %and3A_125 = vector.broadcast %and3A_124 : i32 to vector<16xi32>
    %and3A_126 = arith.andi %get3A_123, %and3A_125 : vector<16xi32>
    %swap3A_127 = arith.constant 0 : i32
    %swap3A_128 = arith.index_cast %swap3A_127 : i32 to index
    %swap3A_129 = arith.constant 64 : index
    %swap3A_130 = tpu.vector_load %arg6[%swap3A_128, %swap3A_129] {strides = array<i32>} : memref<3x80xi32, #tpu.memory_space<vmem>>, vector<1x16xi32>,
    %swap3A_131 = vector.shape_cast %swap3A_130 : vector<1x16xi32> to vector<16xi32>
    %swap3A_132 = vector.shape_cast %and3A_126 : vector<16xi32> to vector<1x16xi32>
    tpu.vector_store %arg6[%swap3A_128, %swap3A_129], %swap3A_132 {strides = array<i32>} : memref<3x80xi32, #tpu.memory_space<vmem>>, vector<1x16xi32>,
    %shift_right_logical3A_133 = arith.constant 16 : i32
    %shift_right_logical3A_134 = vector.broadcast %shift_right_logical3A_133 : i32 to vector<16xi32>
    %shift_right_logical3A_135 = arith.shrui %get3A_123, %shift_right_logical3A_134 : vector<16xi32>
    %swap3A_136 = arith.constant 0 : i32
    %swap3A_137 = arith.index_cast %swap3A_136 : i32 to index
    %swap3A_138 = arith.constant 64 : index
    %swap3A_139 = tpu.vector_load %arg7[%swap3A_137, %swap3A_138] {strides = array<i32>} : memref<3x80xi32, #tpu.memory_space<vmem>>, vector<1x16xi32>,
    %swap3A_140 = vector.shape_cast %swap3A_139 : vector<1x16xi32> to vector<16xi32>
    %swap3A_141 = vector.shape_cast %shift_right_logical3A_135 : vector<16xi32> to vector<1x16xi32>
    tpu.vector_store %arg7[%swap3A_137, %swap3A_138], %swap3A_141 {strides = array<i32>} : memref<3x80xi32, #tpu.memory_space<vmem>>, vector<1x16xi32>,
    %dma_start3A = arith.constant 0 : i32
    %dma_start3A_142 = arith.constant 0 : i32
    %dma_start3A_143 = arith.constant 0 : i32
    %dma_start3A_144 = arith.constant 0 : i32
    %dma_start3A_145 = tpu.memref_slice %arg8[%dma_start3A_142, %dma_start3A_143, %dma_start3A_144] : memref<3x80x128xf32, #tpu.memory_space<vmem>> -> memref<1x80x128xf32, #tpu.memory_space<vmem>>
    %dma_start3A_146 = tpu.memref_squeeze %dma_start3A_145 : memref<1x80x128xf32, #tpu.memory_space<vmem>> -> memref<80x128xf32, #tpu.memory_space<vmem>>
    %dma_start3A_147 = arith.constant 0 : i32
    %dma_start3A_148 = tpu.memref_slice %arg6[%dma_start3A, %dma_start3A_147] : memref<3x80xi32, #tpu.memory_space<vmem>> -> memref<1x80xi32, #tpu.memory_space<vmem>>
    %dma_start3A_149 = tpu.memref_squeeze %dma_start3A_148 : memref<1x80xi32, #tpu.memory_space<vmem>> -> memref<80xi32, #tpu.memory_space<vmem>>
    %dma_start3A_150 = arith.constant 0 : i32
    %dma_start3A_151 = arith.constant 0 : i32
    %dma_start3A_152 = tpu.memref_slice %arg2[%dma_start3A_150, %dma_start3A_151] : memref<10000x128xf32, #tpu.memory_space<hbm>> -> memref<10000x128xf32, #tpu.memory_space<hbm>>
    tpu.enqueue_indirect_dma source(%dma_start3A_152 : memref<10000x128xf32, #tpu.memory_space<hbm>>) target(%dma_start3A_146 : memref<80x128xf32, #tpu.memory_space<vmem>>) offsets(%dma_start3A_149 : memref<80xi32, #tpu.memory_space<vmem>>) semaphore(%arg10 : memref<!tpu.dma_semaphore, #tpu.memory_space<semaphore_mem>>)
    %get3A_153 = arith.constant 1 : i32
    %get3A_154 = arith.index_cast %get3A_153 : i32 to index
    %get3A_155 = arith.constant 0 : index
    %get3A_156 = tpu.vector_load %arg5[%get3A_154, %get3A_155] {strides = array<i32>} : memref<126x80xi32, #tpu.memory_space<vmem>>, vector<1x16xi32>,
    %get3A_157 = vector.shape_cast %get3A_156 : vector<1x16xi32> to vector<16xi32>
    %and3A_158 = arith.constant 65535 : i32
    %and3A_159 = vector.broadcast %and3A_158 : i32 to vector<16xi32>
    %and3A_160 = arith.andi %get3A_157, %and3A_159 : vector<16xi32>
    %swap3A_161 = arith.constant 1 : i32
    %swap3A_162 = arith.index_cast %swap3A_161 : i32 to index
    %swap3A_163 = arith.constant 0 : index
    %swap3A_164 = tpu.vector_load %arg6[%swap3A_162, %swap3A_163] {strides = array<i32>} : memref<3x80xi32, #tpu.memory_space<vmem>>, vector<1x16xi32>,
    %swap3A_165 = vector.shape_cast %swap3A_164 : vector<1x16xi32> to vector<16xi32>
    %swap3A_166 = vector.shape_cast %and3A_160 : vector<16xi32> to vector<1x16xi32>
    tpu.vector_store %arg6[%swap3A_162, %swap3A_163], %swap3A_166 {strides = array<i32>} : memref<3x80xi32, #tpu.memory_space<vmem>>, vector<1x16xi32>,
    %shift_right_logical3A_167 = arith.constant 16 : i32
    %shift_right_logical3A_168 = vector.broadcast %shift_right_logical3A_167 : i32 to vector<16xi32>
    %shift_right_logical3A_169 = arith.shrui %get3A_157, %shift_right_logical3A_168 : vector<16xi32>
    %swap3A_170 = arith.constant 1 : i32
    %swap3A_171 = arith.index_cast %swap3A_170 : i32 to index
    %swap3A_172 = arith.constant 0 : index
    %swap3A_173 = tpu.vector_load %arg7[%swap3A_171, %swap3A_172] {strides = array<i32>} : memref<3x80xi32, #tpu.memory_space<vmem>>, vector<1x16xi32>,
    %swap3A_174 = vector.shape_cast %swap3A_173 : vector<1x16xi32> to vector<16xi32>
    %swap3A_175 = vector.shape_cast %shift_right_logical3A_169 : vector<16xi32> to vector<1x16xi32>
    tpu.vector_store %arg7[%swap3A_171, %swap3A_172], %swap3A_175 {strides = array<i32>} : memref<3x80xi32, #tpu.memory_space<vmem>>, vector<1x16xi32>,
    %get3A_176 = arith.constant 1 : i32
    %get3A_177 = arith.index_cast %get3A_176 : i32 to index
    %get3A_178 = arith.constant 16 : index
    %get3A_179 = tpu.vector_load %arg5[%get3A_177, %get3A_178] {strides = array<i32>} : memref<126x80xi32, #tpu.memory_space<vmem>>, vector<1x16xi32>,
    %get3A_180 = vector.shape_cast %get3A_179 : vector<1x16xi32> to vector<16xi32>
    %and3A_181 = arith.constant 65535 : i32
    %and3A_182 = vector.broadcast %and3A_181 : i32 to vector<16xi32>
    %and3A_183 = arith.andi %get3A_180, %and3A_182 : vector<16xi32>
    %swap3A_184 = arith.constant 1 : i32
    %swap3A_185 = arith.index_cast %swap3A_184 : i32 to index
    %swap3A_186 = arith.constant 16 : index
    %swap3A_187 = tpu.vector_load %arg6[%swap3A_185, %swap3A_186] {strides = array<i32>} : memref<3x80xi32, #tpu.memory_space<vmem>>, vector<1x16xi32>,
    %swap3A_188 = vector.shape_cast %swap3A_187 : vector<1x16xi32> to vector<16xi32>
    %swap3A_189 = vector.shape_cast %and3A_183 : vector<16xi32> to vector<1x16xi32>
    tpu.vector_store %arg6[%swap3A_185, %swap3A_186], %swap3A_189 {strides = array<i32>} : memref<3x80xi32, #tpu.memory_space<vmem>>, vector<1x16xi32>,
    %shift_right_logical3A_190 = arith.constant 16 : i32
    %shift_right_logical3A_191 = vector.broadcast %shift_right_logical3A_190 : i32 to vector<16xi32>
    %shift_right_logical3A_192 = arith.shrui %get3A_180, %shift_right_logical3A_191 : vector<16xi32>
    %swap3A_193 = arith.constant 1 : i32
    %swap3A_194 = arith.index_cast %swap3A_193 : i32 to index
    %swap3A_195 = arith.constant 16 : index
    %swap3A_196 = tpu.vector_load %arg7[%swap3A_194, %swap3A_195] {strides = array<i32>} : memref<3x80xi32, #tpu.memory_space<vmem>>, vector<1x16xi32>,
    %swap3A_197 = vector.shape_cast %swap3A_196 : vector<1x16xi32> to vector<16xi32>
    %swap3A_198 = vector.shape_cast %shift_right_logical3A_192 : vector<16xi32> to vector<1x16xi32>
    tpu.vector_store %arg7[%swap3A_194, %swap3A_195], %swap3A_198 {strides = array<i32>} : memref<3x80xi32, #tpu.memory_space<vmem>>, vector<1x16xi32>,
    %get3A_199 = arith.constant 1 : i32
    %get3A_200 = arith.index_cast %get3A_199 : i32 to index
    %get3A_201 = arith.constant 32 : index
    %get3A_202 = tpu.vector_load %arg5[%get3A_200, %get3A_201] {strides = array<i32>} : memref<126x80xi32, #tpu.memory_space<vmem>>, vector<1x16xi32>,
    %get3A_203 = vector.shape_cast %get3A_202 : vector<1x16xi32> to vector<16xi32>
    %and3A_204 = arith.constant 65535 : i32
    %and3A_205 = vector.broadcast %and3A_204 : i32 to vector<16xi32>
    %and3A_206 = arith.andi %get3A_203, %and3A_205 : vector<16xi32>
    %swap3A_207 = arith.constant 1 : i32
    %swap3A_208 = arith.index_cast %swap3A_207 : i32 to index
    %swap3A_209 = arith.constant 32 : index
    %swap3A_210 = tpu.vector_load %arg6[%swap3A_208, %swap3A_209] {strides = array<i32>} : memref<3x80xi32, #tpu.memory_space<vmem>>, vector<1x16xi32>,
    %swap3A_211 = vector.shape_cast %swap3A_210 : vector<1x16xi32> to vector<16xi32>
    %swap3A_212 = vector.shape_cast %and3A_206 : vector<16xi32> to vector<1x16xi32>
    tpu.vector_store %arg6[%swap3A_208, %swap3A_209], %swap3A_212 {strides = array<i32>} : memref<3x80xi32, #tpu.memory_space<vmem>>, vector<1x16xi32>,
    %shift_right_logical3A_213 = arith.constant 16 : i32
    %shift_right_logical3A_214 = vector.broadcast %shift_right_logical3A_213 : i32 to vector<16xi32>
    %shift_right_logical3A_215 = arith.shrui %get3A_203, %shift_right_logical3A_214 : vector<16xi32>
    %swap3A_216 = arith.constant 1 : i32
    %swap3A_217 = arith.index_cast %swap3A_216 : i32 to index
    %swap3A_218 = arith.constant 32 : index
    %swap3A_219 = tpu.vector_load %arg7[%swap3A_217, %swap3A_218] {strides = array<i32>} : memref<3x80xi32, #tpu.memory_space<vmem>>, vector<1x16xi32>,
    %swap3A_220 = vector.shape_cast %swap3A_219 : vector<1x16xi32> to vector<16xi32>
    %swap3A_221 = vector.shape_cast %shift_right_logical3A_215 : vector<16xi32> to vector<1x16xi32>
    tpu.vector_store %arg7[%swap3A_217, %swap3A_218], %swap3A_221 {strides = array<i32>} : memref<3x80xi32, #tpu.memory_space<vmem>>, vector<1x16xi32>,
    %get3A_222 = arith.constant 1 : i32
    %get3A_223 = arith.index_cast %get3A_222 : i32 to index
    %get3A_224 = arith.constant 48 : index
    %get3A_225 = tpu.vector_load %arg5[%get3A_223, %get3A_224] {strides = array<i32>} : memref<126x80xi32, #tpu.memory_space<vmem>>, vector<1x16xi32>,
    %get3A_226 = vector.shape_cast %get3A_225 : vector<1x16xi32> to vector<16xi32>
    %and3A_227 = arith.constant 65535 : i32
    %and3A_228 = vector.broadcast %and3A_227 : i32 to vector<16xi32>
    %and3A_229 = arith.andi %get3A_226, %and3A_228 : vector<16xi32>
    %swap3A_230 = arith.constant 1 : i32
    %swap3A_231 = arith.index_cast %swap3A_230 : i32 to index
    %swap3A_232 = arith.constant 48 : index
    %swap3A_233 = tpu.vector_load %arg6[%swap3A_231, %swap3A_232] {strides = array<i32>} : memref<3x80xi32, #tpu.memory_space<vmem>>, vector<1x16xi32>,
    %swap3A_234 = vector.shape_cast %swap3A_233 : vector<1x16xi32> to vector<16xi32>
    %swap3A_235 = vector.shape_cast %and3A_229 : vector<16xi32> to vector<1x16xi32>
    tpu.vector_store %arg6[%swap3A_231, %swap3A_232], %swap3A_235 {strides = array<i32>} : memref<3x80xi32, #tpu.memory_space<vmem>>, vector<1x16xi32>,
    %shift_right_logical3A_236 = arith.constant 16 : i32
    %shift_right_logical3A_237 = vector.broadcast %shift_right_logical3A_236 : i32 to vector<16xi32>
    %shift_right_logical3A_238 = arith.shrui %get3A_226, %shift_right_logical3A_237 : vector<16xi32>
    %swap3A_239 = arith.constant 1 : i32
    %swap3A_240 = arith.index_cast %swap3A_239 : i32 to index
    %swap3A_241 = arith.constant 48 : index
    %swap3A_242 = tpu.vector_load %arg7[%swap3A_240, %swap3A_241] {strides = array<i32>} : memref<3x80xi32, #tpu.memory_space<vmem>>, vector<1x16xi32>,
    %swap3A_243 = vector.shape_cast %swap3A_242 : vector<1x16xi32> to vector<16xi32>
    %swap3A_244 = vector.shape_cast %shift_right_logical3A_238 : vector<16xi32> to vector<1x16xi32>
    tpu.vector_store %arg7[%swap3A_240, %swap3A_241], %swap3A_244 {strides = array<i32>} : memref<3x80xi32, #tpu.memory_space<vmem>>, vector<1x16xi32>,
    %get3A_245 = arith.constant 1 : i32
    %get3A_246 = arith.index_cast %get3A_245 : i32 to index
    %get3A_247 = arith.constant 64 : index
    %get3A_248 = tpu.vector_load %arg5[%get3A_246, %get3A_247] {strides = array<i32>} : memref<126x80xi32, #tpu.memory_space<vmem>>, vector<1x16xi32>,
    %get3A_249 = vector.shape_cast %get3A_248 : vector<1x16xi32> to vector<16xi32>
    %and3A_250 = arith.constant 65535 : i32
    %and3A_251 = vector.broadcast %and3A_250 : i32 to vector<16xi32>
    %and3A_252 = arith.andi %get3A_249, %and3A_251 : vector<16xi32>
    %swap3A_253 = arith.constant 1 : i32
    %swap3A_254 = arith.index_cast %swap3A_253 : i32 to index
    %swap3A_255 = arith.constant 64 : index
    %swap3A_256 = tpu.vector_load %arg6[%swap3A_254, %swap3A_255] {strides = array<i32>} : memref<3x80xi32, #tpu.memory_space<vmem>>, vector<1x16xi32>,
    %swap3A_257 = vector.shape_cast %swap3A_256 : vector<1x16xi32> to vector<16xi32>
    %swap3A_258 = vector.shape_cast %and3A_252 : vector<16xi32> to vector<1x16xi32>
    tpu.vector_store %arg6[%swap3A_254, %swap3A_255], %swap3A_258 {strides = array<i32>} : memref<3x80xi32, #tpu.memory_space<vmem>>, vector<1x16xi32>,
    %shift_right_logical3A_259 = arith.constant 16 : i32
    %shift_right_logical3A_260 = vector.broadcast %shift_right_logical3A_259 : i32 to vector<16xi32>
    %shift_right_logical3A_261 = arith.shrui %get3A_249, %shift_right_logical3A_260 : vector<16xi32>
    %swap3A_262 = arith.constant 1 : i32
    %swap3A_263 = arith.index_cast %swap3A_262 : i32 to index
    %swap3A_264 = arith.constant 64 : index
    %swap3A_265 = tpu.vector_load %arg7[%swap3A_263, %swap3A_264] {strides = array<i32>} : memref<3x80xi32, #tpu.memory_space<vmem>>, vector<1x16xi32>,
    %swap3A_266 = vector.shape_cast %swap3A_265 : vector<1x16xi32> to vector<16xi32>
    %swap3A_267 = vector.shape_cast %shift_right_logical3A_261 : vector<16xi32> to vector<1x16xi32>
    tpu.vector_store %arg7[%swap3A_263, %swap3A_264], %swap3A_267 {strides = array<i32>} : memref<3x80xi32, #tpu.memory_space<vmem>>, vector<1x16xi32>,
    %dma_start3A_268 = arith.constant 1 : i32
    %dma_start3A_269 = arith.constant 1 : i32
    %dma_start3A_270 = arith.constant 0 : i32
    %dma_start3A_271 = arith.constant 0 : i32
    %dma_start3A_272 = tpu.memref_slice %arg8[%dma_start3A_269, %dma_start3A_270, %dma_start3A_271] : memref<3x80x128xf32, #tpu.memory_space<vmem>> -> memref<1x80x128xf32, #tpu.memory_space<vmem>>
    %dma_start3A_273 = tpu.memref_squeeze %dma_start3A_272 : memref<1x80x128xf32, #tpu.memory_space<vmem>> -> memref<80x128xf32, #tpu.memory_space<vmem>>
    %dma_start3A_274 = arith.constant 0 : i32
    %dma_start3A_275 = tpu.memref_slice %arg6[%dma_start3A_268, %dma_start3A_274] : memref<3x80xi32, #tpu.memory_space<vmem>> -> memref<1x80xi32, #tpu.memory_space<vmem>>
    %dma_start3A_276 = tpu.memref_squeeze %dma_start3A_275 : memref<1x80xi32, #tpu.memory_space<vmem>> -> memref<80xi32, #tpu.memory_space<vmem>>
    %dma_start3A_277 = arith.constant 0 : i32
    %dma_start3A_278 = arith.constant 0 : i32
    %dma_start3A_279 = tpu.memref_slice %arg2[%dma_start3A_277, %dma_start3A_278] : memref<10000x128xf32, #tpu.memory_space<hbm>> -> memref<10000x128xf32, #tpu.memory_space<hbm>>
    tpu.enqueue_indirect_dma source(%dma_start3A_279 : memref<10000x128xf32, #tpu.memory_space<hbm>>) target(%dma_start3A_273 : memref<80x128xf32, #tpu.memory_space<vmem>>) offsets(%dma_start3A_276 : memref<80xi32, #tpu.memory_space<vmem>>) semaphore(%arg11 : memref<!tpu.dma_semaphore, #tpu.memory_space<semaphore_mem>>)
    %get3A_280 = arith.constant 2 : i32
    %get3A_281 = arith.index_cast %get3A_280 : i32 to index
    %get3A_282 = arith.constant 0 : index
    %get3A_283 = tpu.vector_load %arg5[%get3A_281, %get3A_282] {strides = array<i32>} : memref<126x80xi32, #tpu.memory_space<vmem>>, vector<1x16xi32>,
    %get3A_284 = vector.shape_cast %get3A_283 : vector<1x16xi32> to vector<16xi32>
    %and3A_285 = arith.constant 65535 : i32
    %and3A_286 = vector.broadcast %and3A_285 : i32 to vector<16xi32>
    %and3A_287 = arith.andi %get3A_284, %and3A_286 : vector<16xi32>
    %swap3A_288 = arith.constant 2 : i32
    %swap3A_289 = arith.index_cast %swap3A_288 : i32 to index
    %swap3A_290 = arith.constant 0 : index
    %swap3A_291 = tpu.vector_load %arg6[%swap3A_289, %swap3A_290] {strides = array<i32>} : memref<3x80xi32, #tpu.memory_space<vmem>>, vector<1x16xi32>,
    %swap3A_292 = vector.shape_cast %swap3A_291 : vector<1x16xi32> to vector<16xi32>
    %swap3A_293 = vector.shape_cast %and3A_287 : vector<16xi32> to vector<1x16xi32>
    tpu.vector_store %arg6[%swap3A_289, %swap3A_290], %swap3A_293 {strides = array<i32>} : memref<3x80xi32, #tpu.memory_space<vmem>>, vector<1x16xi32>,
    %shift_right_logical3A_294 = arith.constant 16 : i32
    %shift_right_logical3A_295 = vector.broadcast %shift_right_logical3A_294 : i32 to vector<16xi32>
    %shift_right_logical3A_296 = arith.shrui %get3A_284, %shift_right_logical3A_295 : vector<16xi32>
    %swap3A_297 = arith.constant 2 : i32
    %swap3A_298 = arith.index_cast %swap3A_297 : i32 to index
    %swap3A_299 = arith.constant 0 : index
    %swap3A_300 = tpu.vector_load %arg7[%swap3A_298, %swap3A_299] {strides = array<i32>} : memref<3x80xi32, #tpu.memory_space<vmem>>, vector<1x16xi32>,
    %swap3A_301 = vector.shape_cast %swap3A_300 : vector<1x16xi32> to vector<16xi32>
    %swap3A_302 = vector.shape_cast %shift_right_logical3A_296 : vector<16xi32> to vector<1x16xi32>
    tpu.vector_store %arg7[%swap3A_298, %swap3A_299], %swap3A_302 {strides = array<i32>} : memref<3x80xi32, #tpu.memory_space<vmem>>, vector<1x16xi32>,
    %get3A_303 = arith.constant 2 : i32
    %get3A_304 = arith.index_cast %get3A_303 : i32 to index
    %get3A_305 = arith.constant 16 : index
    %get3A_306 = tpu.vector_load %arg5[%get3A_304, %get3A_305] {strides = array<i32>} : memref<126x80xi32, #tpu.memory_space<vmem>>, vector<1x16xi32>,
    %get3A_307 = vector.shape_cast %get3A_306 : vector<1x16xi32> to vector<16xi32>
    %and3A_308 = arith.constant 65535 : i32
    %and3A_309 = vector.broadcast %and3A_308 : i32 to vector<16xi32>
    %and3A_310 = arith.andi %get3A_307, %and3A_309 : vector<16xi32>
    %swap3A_311 = arith.constant 2 : i32
    %swap3A_312 = arith.index_cast %swap3A_311 : i32 to index
    %swap3A_313 = arith.constant 16 : index
    %swap3A_314 = tpu.vector_load %arg6[%swap3A_312, %swap3A_313] {strides = array<i32>} : memref<3x80xi32, #tpu.memory_space<vmem>>, vector<1x16xi32>,
    %swap3A_315 = vector.shape_cast %swap3A_314 : vector<1x16xi32> to vector<16xi32>
    %swap3A_316 = vector.shape_cast %and3A_310 : vector<16xi32> to vector<1x16xi32>
    tpu.vector_store %arg6[%swap3A_312, %swap3A_313], %swap3A_316 {strides = array<i32>} : memref<3x80xi32, #tpu.memory_space<vmem>>, vector<1x16xi32>,
    %shift_right_logical3A_317 = arith.constant 16 : i32
    %shift_right_logical3A_318 = vector.broadcast %shift_right_logical3A_317 : i32 to vector<16xi32>
    %shift_right_logical3A_319 = arith.shrui %get3A_307, %shift_right_logical3A_318 : vector<16xi32>
    %swap3A_320 = arith.constant 2 : i32
    %swap3A_321 = arith.index_cast %swap3A_320 : i32 to index
    %swap3A_322 = arith.constant 16 : index
    %swap3A_323 = tpu.vector_load %arg7[%swap3A_321, %swap3A_322] {strides = array<i32>} : memref<3x80xi32, #tpu.memory_space<vmem>>, vector<1x16xi32>,
    %swap3A_324 = vector.shape_cast %swap3A_323 : vector<1x16xi32> to vector<16xi32>
    %swap3A_325 = vector.shape_cast %shift_right_logical3A_319 : vector<16xi32> to vector<1x16xi32>
    tpu.vector_store %arg7[%swap3A_321, %swap3A_322], %swap3A_325 {strides = array<i32>} : memref<3x80xi32, #tpu.memory_space<vmem>>, vector<1x16xi32>,
    %get3A_326 = arith.constant 2 : i32
    %get3A_327 = arith.index_cast %get3A_326 : i32 to index
    %get3A_328 = arith.constant 32 : index
    %get3A_329 = tpu.vector_load %arg5[%get3A_327, %get3A_328] {strides = array<i32>} : memref<126x80xi32, #tpu.memory_space<vmem>>, vector<1x16xi32>,
    %get3A_330 = vector.shape_cast %get3A_329 : vector<1x16xi32> to vector<16xi32>
    %and3A_331 = arith.constant 65535 : i32
    %and3A_332 = vector.broadcast %and3A_331 : i32 to vector<16xi32>
    %and3A_333 = arith.andi %get3A_330, %and3A_332 : vector<16xi32>
    %swap3A_334 = arith.constant 2 : i32
    %swap3A_335 = arith.index_cast %swap3A_334 : i32 to index
    %swap3A_336 = arith.constant 32 : index
    %swap3A_337 = tpu.vector_load %arg6[%swap3A_335, %swap3A_336] {strides = array<i32>} : memref<3x80xi32, #tpu.memory_space<vmem>>, vector<1x16xi32>,
    %swap3A_338 = vector.shape_cast %swap3A_337 : vector<1x16xi32> to vector<16xi32>
    %swap3A_339 = vector.shape_cast %and3A_333 : vector<16xi32> to vector<1x16xi32>
    tpu.vector_store %arg6[%swap3A_335, %swap3A_336], %swap3A_339 {strides = array<i32>} : memref<3x80xi32, #tpu.memory_space<vmem>>, vector<1x16xi32>,
    %shift_right_logical3A_340 = arith.constant 16 : i32
    %shift_right_logical3A_341 = vector.broadcast %shift_right_logical3A_340 : i32 to vector<16xi32>
    %shift_right_logical3A_342 = arith.shrui %get3A_330, %shift_right_logical3A_341 : vector<16xi32>
    %swap3A_343 = arith.constant 2 : i32
    %swap3A_344 = arith.index_cast %swap3A_343 : i32 to index
    %swap3A_345 = arith.constant 32 : index
    %swap3A_346 = tpu.vector_load %arg7[%swap3A_344, %swap3A_345] {strides = array<i32>} : memref<3x80xi32, #tpu.memory_space<vmem>>, vector<1x16xi32>,
    %swap3A_347 = vector.shape_cast %swap3A_346 : vector<1x16xi32> to vector<16xi32>
    %swap3A_348 = vector.shape_cast %shift_right_logical3A_342 : vector<16xi32> to vector<1x16xi32>
    tpu.vector_store %arg7[%swap3A_344, %swap3A_345], %swap3A_348 {strides = array<i32>} : memref<3x80xi32, #tpu.memory_space<vmem>>, vector<1x16xi32>,
    %get3A_349 = arith.constant 2 : i32
    %get3A_350 = arith.index_cast %get3A_349 : i32 to index
    %get3A_351 = arith.constant 48 : index
    %get3A_352 = tpu.vector_load %arg5[%get3A_350, %get3A_351] {strides = array<i32>} : memref<126x80xi32, #tpu.memory_space<vmem>>, vector<1x16xi32>,
    %get3A_353 = vector.shape_cast %get3A_352 : vector<1x16xi32> to vector<16xi32>
    %and3A_354 = arith.constant 65535 : i32
    %and3A_355 = vector.broadcast %and3A_354 : i32 to vector<16xi32>
    %and3A_356 = arith.andi %get3A_353, %and3A_355 : vector<16xi32>
    %swap3A_357 = arith.constant 2 : i32
    %swap3A_358 = arith.index_cast %swap3A_357 : i32 to index
    %swap3A_359 = arith.constant 48 : index
    %swap3A_360 = tpu.vector_load %arg6[%swap3A_358, %swap3A_359] {strides = array<i32>} : memref<3x80xi32, #tpu.memory_space<vmem>>, vector<1x16xi32>,
    %swap3A_361 = vector.shape_cast %swap3A_360 : vector<1x16xi32> to vector<16xi32>
    %swap3A_362 = vector.shape_cast %and3A_356 : vector<16xi32> to vector<1x16xi32>
    tpu.vector_store %arg6[%swap3A_358, %swap3A_359], %swap3A_362 {strides = array<i32>} : memref<3x80xi32, #tpu.memory_space<vmem>>, vector<1x16xi32>,
    %shift_right_logical3A_363 = arith.constant 16 : i32
    %shift_right_logical3A_364 = vector.broadcast %shift_right_logical3A_363 : i32 to vector<16xi32>
    %shift_right_logical3A_365 = arith.shrui %get3A_353, %shift_right_logical3A_364 : vector<16xi32>
    %swap3A_366 = arith.constant 2 : i32
    %swap3A_367 = arith.index_cast %swap3A_366 : i32 to index
    %swap3A_368 = arith.constant 48 : index
    %swap3A_369 = tpu.vector_load %arg7[%swap3A_367, %swap3A_368] {strides = array<i32>} : memref<3x80xi32, #tpu.memory_space<vmem>>, vector<1x16xi32>,
    %swap3A_370 = vector.shape_cast %swap3A_369 : vector<1x16xi32> to vector<16xi32>
    %swap3A_371 = vector.shape_cast %shift_right_logical3A_365 : vector<16xi32> to vector<1x16xi32>
    tpu.vector_store %arg7[%swap3A_367, %swap3A_368], %swap3A_371 {strides = array<i32>} : memref<3x80xi32, #tpu.memory_space<vmem>>, vector<1x16xi32>,
    %get3A_372 = arith.constant 2 : i32
    %get3A_373 = arith.index_cast %get3A_372 : i32 to index
    %get3A_374 = arith.constant 64 : index
    %get3A_375 = tpu.vector_load %arg5[%get3A_373, %get3A_374] {strides = array<i32>} : memref<126x80xi32, #tpu.memory_space<vmem>>, vector<1x16xi32>,
    %get3A_376 = vector.shape_cast %get3A_375 : vector<1x16xi32> to vector<16xi32>
    %and3A_377 = arith.constant 65535 : i32
    %and3A_378 = vector.broadcast %and3A_377 : i32 to vector<16xi32>
    %and3A_379 = arith.andi %get3A_376, %and3A_378 : vector<16xi32>
    %swap3A_380 = arith.constant 2 : i32
    %swap3A_381 = arith.index_cast %swap3A_380 : i32 to index
    %swap3A_382 = arith.constant 64 : index
    %swap3A_383 = tpu.vector_load %arg6[%swap3A_381, %swap3A_382] {strides = array<i32>} : memref<3x80xi32, #tpu.memory_space<vmem>>, vector<1x16xi32>,
    %swap3A_384 = vector.shape_cast %swap3A_383 : vector<1x16xi32> to vector<16xi32>
    %swap3A_385 = vector.shape_cast %and3A_379 : vector<16xi32> to vector<1x16xi32>
    tpu.vector_store %arg6[%swap3A_381, %swap3A_382], %swap3A_385 {strides = array<i32>} : memref<3x80xi32, #tpu.memory_space<vmem>>, vector<1x16xi32>,
    %shift_right_logical3A_386 = arith.constant 16 : i32
    %shift_right_logical3A_387 = vector.broadcast %shift_right_logical3A_386 : i32 to vector<16xi32>
    %shift_right_logical3A_388 = arith.shrui %get3A_376, %shift_right_logical3A_387 : vector<16xi32>
    %swap3A_389 = arith.constant 2 : i32
    %swap3A_390 = arith.index_cast %swap3A_389 : i32 to index
    %swap3A_391 = arith.constant 64 : index
    %swap3A_392 = tpu.vector_load %arg7[%swap3A_390, %swap3A_391] {strides = array<i32>} : memref<3x80xi32, #tpu.memory_space<vmem>>, vector<1x16xi32>,
    %swap3A_393 = vector.shape_cast %swap3A_392 : vector<1x16xi32> to vector<16xi32>
    %swap3A_394 = vector.shape_cast %shift_right_logical3A_388 : vector<16xi32> to vector<1x16xi32>
    tpu.vector_store %arg7[%swap3A_390, %swap3A_391], %swap3A_394 {strides = array<i32>} : memref<3x80xi32, #tpu.memory_space<vmem>>, vector<1x16xi32>,
    %dma_start3A_395 = arith.constant 2 : i32
    %dma_start3A_396 = arith.constant 2 : i32
    %dma_start3A_397 = arith.constant 0 : i32
    %dma_start3A_398 = arith.constant 0 : i32
    %dma_start3A_399 = tpu.memref_slice %arg8[%dma_start3A_396, %dma_start3A_397, %dma_start3A_398] : memref<3x80x128xf32, #tpu.memory_space<vmem>> -> memref<1x80x128xf32, #tpu.memory_space<vmem>>
    %dma_start3A_400 = tpu.memref_squeeze %dma_start3A_399 : memref<1x80x128xf32, #tpu.memory_space<vmem>> -> memref<80x128xf32, #tpu.memory_space<vmem>>
    %dma_start3A_401 = arith.constant 0 : i32
    %dma_start3A_402 = tpu.memref_slice %arg6[%dma_start3A_395, %dma_start3A_401] : memref<3x80xi32, #tpu.memory_space<vmem>> -> memref<1x80xi32, #tpu.memory_space<vmem>>
    %dma_start3A_403 = tpu.memref_squeeze %dma_start3A_402 : memref<1x80xi32, #tpu.memory_space<vmem>> -> memref<80xi32, #tpu.memory_space<vmem>>
    %dma_start3A_404 = arith.constant 0 : i32
    %dma_start3A_405 = arith.constant 0 : i32
    %dma_start3A_406 = tpu.memref_slice %arg2[%dma_start3A_404, %dma_start3A_405] : memref<10000x128xf32, #tpu.memory_space<hbm>> -> memref<10000x128xf32, #tpu.memory_space<hbm>>
    tpu.enqueue_indirect_dma source(%dma_start3A_406 : memref<10000x128xf32, #tpu.memory_space<hbm>>) target(%dma_start3A_400 : memref<80x128xf32, #tpu.memory_space<vmem>>) offsets(%dma_start3A_403 : memref<80xi32, #tpu.memory_space<vmem>>) semaphore(%arg12 : memref<!tpu.dma_semaphore, #tpu.memory_space<semaphore_mem>>)
    %scan3A_407 = arith.constant 0 : i32
    %scan3A_408 = arith.constant 0 : i32
    %scan3A_409 = arith.constant 42 : i32
    %scan3A_410 = arith.addi %scan3A_408, %scan3A_409 : i32
    %scan3A_411 = arith.constant 1 : i32
    scf.for %scan3A_414 = %scan3A_408 to %scan3A_410 step %scan3A_411  : i32 {
      %mul3A_415 = arith.constant 3 : i32
      %mul3A_416 = arith.muli %scan3A_414, %mul3A_415 : i32
      %dma_wait3A = arith.constant 0 : i32
      %dma_wait3A_417 = arith.constant 0 : i32
      %dma_wait3A_418 = arith.constant 0 : i32
      %dma_wait3A_419 = arith.constant 0 : i32
      %dma_wait3A_420 = tpu.memref_slice %arg8[%dma_wait3A_417, %dma_wait3A_418, %dma_wait3A_419] : memref<3x80x128xf32, #tpu.memory_space<vmem>> -> memref<1x80x128xf32, #tpu.memory_space<vmem>>
      %dma_wait3A_421 = tpu.memref_squeeze %dma_wait3A_420 : memref<1x80x128xf32, #tpu.memory_space<vmem>> -> memref<80x128xf32, #tpu.memory_space<vmem>>
      %dma_wait3A_422 = arith.constant 0 : i32
      %dma_wait3A_423 = tpu.memref_slice %arg6[%dma_wait3A, %dma_wait3A_422] : memref<3x80xi32, #tpu.memory_space<vmem>> -> memref<1x80xi32, #tpu.memory_space<vmem>>
      %dma_wait3A_424 = tpu.memref_squeeze %dma_wait3A_423 : memref<1x80xi32, #tpu.memory_space<vmem>> -> memref<80xi32, #tpu.memory_space<vmem>>
      %dma_wait3A_425 = arith.constant 0 : i32
      %dma_wait3A_426 = arith.constant 0 : i32
      %dma_wait3A_427 = tpu.memref_slice %arg2[%dma_wait3A_425, %dma_wait3A_426] : memref<10000x128xf32, #tpu.memory_space<hbm>> -> memref<10000x128xf32, #tpu.memory_space<hbm>>
      tpu.wait_indirect_dma semaphore(%arg10 : memref<!tpu.dma_semaphore, #tpu.memory_space<semaphore_mem>>) src(%dma_wait3A_427 : memref<10000x128xf32, #tpu.memory_space<hbm>>) dst(%dma_wait3A_421 : memref<80x128xf32, #tpu.memory_space<vmem>>)
      %run_scoped3A_428 = arith.constant 0 : i32
      %run_scoped3A_429 = arith.constant 0 : i32
      "tpu.region"() ({
        %run_scoped3A_470 = tpu.sem_alloc : memref<!tpu.dma_semaphore, #tpu.memory_space<semaphore_mem>>
        %dma_start3A_471 = arith.constant 0 : i32
        %dma_start3A_472 = arith.constant 0 : i32
        %dma_start3A_473 = tpu.memref_slice %arg8[%run_scoped3A_428, %dma_start3A_471, %dma_start3A_472] : memref<3x80x128xf32, #tpu.memory_space<vmem>> -> memref<1x80x128xf32, #tpu.memory_space<vmem>>
        %dma_start3A_474 = tpu.memref_squeeze %dma_start3A_473 : memref<1x80x128xf32, #tpu.memory_space<vmem>> -> memref<80x128xf32, #tpu.memory_space<vmem>>
        %dma_start3A_475 = arith.constant 0 : i32
        %dma_start3A_476 = tpu.memref_slice %arg7[%run_scoped3A_429, %dma_start3A_475] : memref<3x80xi32, #tpu.memory_space<vmem>> -> memref<1x80xi32, #tpu.memory_space<vmem>>
        %dma_start3A_477 = tpu.memref_squeeze %dma_start3A_476 : memref<1x80xi32, #tpu.memory_space<vmem>> -> memref<80xi32, #tpu.memory_space<vmem>>
        %dma_start3A_478 = arith.constant 0 : i32
        %dma_start3A_479 = arith.constant 0 : i32
        %dma_start3A_480 = tpu.memref_slice %arg9[%dma_start3A_478, %dma_start3A_479] : memref<10112x128xf32, #tpu.memory_space<vmem_shared>> -> memref<10112x128xf32, #tpu.memory_space<vmem_shared>>
        tpu.enqueue_indirect_dma source(%dma_start3A_474 : memref<80x128xf32, #tpu.memory_space<vmem>>) target(%dma_start3A_480 : memref<10112x128xf32, #tpu.memory_space<vmem_shared>>) offsets(%dma_start3A_477 : memref<80xi32, #tpu.memory_space<vmem>>) semaphore(%run_scoped3A_470 : memref<!tpu.dma_semaphore, #tpu.memory_space<semaphore_mem>>) {add = true}
        %dma_wait3A_481 = arith.constant 0 : i32
        %dma_wait3A_482 = arith.constant 0 : i32
        %dma_wait3A_483 = tpu.memref_slice %arg8[%run_scoped3A_428, %dma_wait3A_481, %dma_wait3A_482] : memref<3x80x128xf32, #tpu.memory_space<vmem>> -> memref<1x80x128xf32, #tpu.memory_space<vmem>>
        %dma_wait3A_484 = tpu.memref_squeeze %dma_wait3A_483 : memref<1x80x128xf32, #tpu.memory_space<vmem>> -> memref<80x128xf32, #tpu.memory_space<vmem>>
        %dma_wait3A_485 = arith.constant 0 : i32
        %dma_wait3A_486 = tpu.memref_slice %arg7[%run_scoped3A_429, %dma_wait3A_485] : memref<3x80xi32, #tpu.memory_space<vmem>> -> memref<1x80xi32, #tpu.memory_space<vmem>>
        %dma_wait3A_487 = tpu.memref_squeeze %dma_wait3A_486 : memref<1x80xi32, #tpu.memory_space<vmem>> -> memref<80xi32, #tpu.memory_space<vmem>>
        %dma_wait3A_488 = arith.constant 0 : i32
        %dma_wait3A_489 = arith.constant 0 : i32
        %dma_wait3A_490 = tpu.memref_slice %arg9[%dma_wait3A_488, %dma_wait3A_489] : memref<10112x128xf32, #tpu.memory_space<vmem_shared>> -> memref<10112x128xf32, #tpu.memory_space<vmem_shared>>
        tpu.wait_indirect_dma semaphore(%run_scoped3A_470 : memref<!tpu.dma_semaphore, #tpu.memory_space<semaphore_mem>>) src(%dma_wait3A_484 : memref<80x128xf32, #tpu.memory_space<vmem>>) dst(%dma_wait3A_490 : memref<10112x128xf32, #tpu.memory_space<vmem_shared>>)
        tpu.yield
      }) : () -> ()
      %lt3A = arith.constant 41 : i32
      %lt3A_430 = arith.cmpi slt, %scan3A_414, %lt3A : i32
      %convert_element_type3A = arith.extui %lt3A_430 : i1 to i32
      %cond3A = arith.constant 0 : i32
      %cond3A_431 = arith.cmpi ne, %convert_element_type3A, %cond3A : i32
      scf.if %cond3A_431 {
        %add3A_470 = arith.constant 3 : i32
        %add3A_471 = arith.addi %mul3A_416, %add3A_470 : i32
        %add3A_472 = arith.constant 0 : i32
        %add3A_473 = arith.addi %add3A_471, %add3A_472 : i32
        %get3A_474 = arith.index_cast %add3A_473 : i32 to index
        %get3A_475 = arith.constant 0 : index
        %get3A_476 = tpu.vector_load %arg5[%get3A_474, %get3A_475] {strides = array<i32>} : memref<126x80xi32, #tpu.memory_space<vmem>>, vector<1x16xi32>,
        %get3A_477 = vector.shape_cast %get3A_476 : vector<1x16xi32> to vector<16xi32>
        %and3A_478 = arith.constant 65535 : i32
        %and3A_479 = vector.broadcast %and3A_478 : i32 to vector<16xi32>
        %and3A_480 = arith.andi %get3A_477, %and3A_479 : vector<16xi32>
        %swap3A_481 = arith.constant 0 : i32
        %swap3A_482 = arith.index_cast %swap3A_481 : i32 to index
        %swap3A_483 = arith.constant 0 : index
        %swap3A_484 = tpu.vector_load %arg6[%swap3A_482, %swap3A_483] {strides = array<i32>} : memref<3x80xi32, #tpu.memory_space<vmem>>, vector<1x16xi32>,
        %swap3A_485 = vector.shape_cast %swap3A_484 : vector<1x16xi32> to vector<16xi32>
        %swap3A_486 = vector.shape_cast %and3A_480 : vector<16xi32> to vector<1x16xi32>
        tpu.vector_store %arg6[%swap3A_482, %swap3A_483], %swap3A_486 {strides = array<i32>} : memref<3x80xi32, #tpu.memory_space<vmem>>, vector<1x16xi32>,
        %shift_right_logical3A_487 = arith.constant 16 : i32
        %shift_right_logical3A_488 = vector.broadcast %shift_right_logical3A_487 : i32 to vector<16xi32>
        %shift_right_logical3A_489 = arith.shrui %get3A_477, %shift_right_logical3A_488 : vector<16xi32>
        %swap3A_490 = arith.constant 0 : i32
        %swap3A_491 = arith.index_cast %swap3A_490 : i32 to index
        %swap3A_492 = arith.constant 0 : index
        %swap3A_493 = tpu.vector_load %arg7[%swap3A_491, %swap3A_492] {strides = array<i32>} : memref<3x80xi32, #tpu.memory_space<vmem>>, vector<1x16xi32>,
        %swap3A_494 = vector.shape_cast %swap3A_493 : vector<1x16xi32> to vector<16xi32>
        %swap3A_495 = vector.shape_cast %shift_right_logical3A_489 : vector<16xi32> to vector<1x16xi32>
        tpu.vector_store %arg7[%swap3A_491, %swap3A_492], %swap3A_495 {strides = array<i32>} : memref<3x80xi32, #tpu.memory_space<vmem>>, vector<1x16xi32>,
        %get3A_496 = arith.index_cast %add3A_473 : i32 to index
        %get3A_497 = arith.constant 16 : index
        %get3A_498 = tpu.vector_load %arg5[%get3A_496, %get3A_497] {strides = array<i32>} : memref<126x80xi32, #tpu.memory_space<vmem>>, vector<1x16xi32>,
        %get3A_499 = vector.shape_cast %get3A_498 : vector<1x16xi32> to vector<16xi32>
        %and3A_500 = arith.constant 65535 : i32
        %and3A_501 = vector.broadcast %and3A_500 : i32 to vector<16xi32>
        %and3A_502 = arith.andi %get3A_499, %and3A_501 : vector<16xi32>
        %swap3A_503 = arith.constant 0 : i32
        %swap3A_504 = arith.index_cast %swap3A_503 : i32 to index
        %swap3A_505 = arith.constant 16 : index
        %swap3A_506 = tpu.vector_load %arg6[%swap3A_504, %swap3A_505] {strides = array<i32>} : memref<3x80xi32, #tpu.memory_space<vmem>>, vector<1x16xi32>,
        %swap3A_507 = vector.shape_cast %swap3A_506 : vector<1x16xi32> to vector<16xi32>
        %swap3A_508 = vector.shape_cast %and3A_502 : vector<16xi32> to vector<1x16xi32>
        tpu.vector_store %arg6[%swap3A_504, %swap3A_505], %swap3A_508 {strides = array<i32>} : memref<3x80xi32, #tpu.memory_space<vmem>>, vector<1x16xi32>,
        %shift_right_logical3A_509 = arith.constant 16 : i32
        %shift_right_logical3A_510 = vector.broadcast %shift_right_logical3A_509 : i32 to vector<16xi32>
        %shift_right_logical3A_511 = arith.shrui %get3A_499, %shift_right_logical3A_510 : vector<16xi32>
        %swap3A_512 = arith.constant 0 : i32
        %swap3A_513 = arith.index_cast %swap3A_512 : i32 to index
        %swap3A_514 = arith.constant 16 : index
        %swap3A_515 = tpu.vector_load %arg7[%swap3A_513, %swap3A_514] {strides = array<i32>} : memref<3x80xi32, #tpu.memory_space<vmem>>, vector<1x16xi32>,
        %swap3A_516 = vector.shape_cast %swap3A_515 : vector<1x16xi32> to vector<16xi32>
        %swap3A_517 = vector.shape_cast %shift_right_logical3A_511 : vector<16xi32> to vector<1x16xi32>
        tpu.vector_store %arg7[%swap3A_513, %swap3A_514], %swap3A_517 {strides = array<i32>} : memref<3x80xi32, #tpu.memory_space<vmem>>, vector<1x16xi32>,
        %get3A_518 = arith.index_cast %add3A_473 : i32 to index
        %get3A_519 = arith.constant 32 : index
        %get3A_520 = tpu.vector_load %arg5[%get3A_518, %get3A_519] {strides = array<i32>} : memref<126x80xi32, #tpu.memory_space<vmem>>, vector<1x16xi32>,
        %get3A_521 = vector.shape_cast %get3A_520 : vector<1x16xi32> to vector<16xi32>
        %and3A_522 = arith.constant 65535 : i32
        %and3A_523 = vector.broadcast %and3A_522 : i32 to vector<16xi32>
        %and3A_524 = arith.andi %get3A_521, %and3A_523 : vector<16xi32>
        %swap3A_525 = arith.constant 0 : i32
        %swap3A_526 = arith.index_cast %swap3A_525 : i32 to index
        %swap3A_527 = arith.constant 32 : index
        %swap3A_528 = tpu.vector_load %arg6[%swap3A_526, %swap3A_527] {strides = array<i32>} : memref<3x80xi32, #tpu.memory_space<vmem>>, vector<1x16xi32>,
        %swap3A_529 = vector.shape_cast %swap3A_528 : vector<1x16xi32> to vector<16xi32>
        %swap3A_530 = vector.shape_cast %and3A_524 : vector<16xi32> to vector<1x16xi32>
        tpu.vector_store %arg6[%swap3A_526, %swap3A_527], %swap3A_530 {strides = array<i32>} : memref<3x80xi32, #tpu.memory_space<vmem>>, vector<1x16xi32>,
        %shift_right_logical3A_531 = arith.constant 16 : i32
        %shift_right_logical3A_532 = vector.broadcast %shift_right_logical3A_531 : i32 to vector<16xi32>
        %shift_right_logical3A_533 = arith.shrui %get3A_521, %shift_right_logical3A_532 : vector<16xi32>
        %swap3A_534 = arith.constant 0 : i32
        %swap3A_535 = arith.index_cast %swap3A_534 : i32 to index
        %swap3A_536 = arith.constant 32 : index
        %swap3A_537 = tpu.vector_load %arg7[%swap3A_535, %swap3A_536] {strides = array<i32>} : memref<3x80xi32, #tpu.memory_space<vmem>>, vector<1x16xi32>,
        %swap3A_538 = vector.shape_cast %swap3A_537 : vector<1x16xi32> to vector<16xi32>
        %swap3A_539 = vector.shape_cast %shift_right_logical3A_533 : vector<16xi32> to vector<1x16xi32>
        tpu.vector_store %arg7[%swap3A_535, %swap3A_536], %swap3A_539 {strides = array<i32>} : memref<3x80xi32, #tpu.memory_space<vmem>>, vector<1x16xi32>,
        %get3A_540 = arith.index_cast %add3A_473 : i32 to index
        %get3A_541 = arith.constant 48 : index
        %get3A_542 = tpu.vector_load %arg5[%get3A_540, %get3A_541] {strides = array<i32>} : memref<126x80xi32, #tpu.memory_space<vmem>>, vector<1x16xi32>,
        %get3A_543 = vector.shape_cast %get3A_542 : vector<1x16xi32> to vector<16xi32>
        %and3A_544 = arith.constant 65535 : i32
        %and3A_545 = vector.broadcast %and3A_544 : i32 to vector<16xi32>
        %and3A_546 = arith.andi %get3A_543, %and3A_545 : vector<16xi32>
        %swap3A_547 = arith.constant 0 : i32
        %swap3A_548 = arith.index_cast %swap3A_547 : i32 to index
        %swap3A_549 = arith.constant 48 : index
        %swap3A_550 = tpu.vector_load %arg6[%swap3A_548, %swap3A_549] {strides = array<i32>} : memref<3x80xi32, #tpu.memory_space<vmem>>, vector<1x16xi32>,
        %swap3A_551 = vector.shape_cast %swap3A_550 : vector<1x16xi32> to vector<16xi32>
        %swap3A_552 = vector.shape_cast %and3A_546 : vector<16xi32> to vector<1x16xi32>
        tpu.vector_store %arg6[%swap3A_548, %swap3A_549], %swap3A_552 {strides = array<i32>} : memref<3x80xi32, #tpu.memory_space<vmem>>, vector<1x16xi32>,
        %shift_right_logical3A_553 = arith.constant 16 : i32
        %shift_right_logical3A_554 = vector.broadcast %shift_right_logical3A_553 : i32 to vector<16xi32>
        %shift_right_logical3A_555 = arith.shrui %get3A_543, %shift_right_logical3A_554 : vector<16xi32>
        %swap3A_556 = arith.constant 0 : i32
        %swap3A_557 = arith.index_cast %swap3A_556 : i32 to index
        %swap3A_558 = arith.constant 48 : index
        %swap3A_559 = tpu.vector_load %arg7[%swap3A_557, %swap3A_558] {strides = array<i32>} : memref<3x80xi32, #tpu.memory_space<vmem>>, vector<1x16xi32>,
        %swap3A_560 = vector.shape_cast %swap3A_559 : vector<1x16xi32> to vector<16xi32>
        %swap3A_561 = vector.shape_cast %shift_right_logical3A_555 : vector<16xi32> to vector<1x16xi32>
        tpu.vector_store %arg7[%swap3A_557, %swap3A_558], %swap3A_561 {strides = array<i32>} : memref<3x80xi32, #tpu.memory_space<vmem>>, vector<1x16xi32>,
        %get3A_562 = arith.index_cast %add3A_473 : i32 to index
        %get3A_563 = arith.constant 64 : index
        %get3A_564 = tpu.vector_load %arg5[%get3A_562, %get3A_563] {strides = array<i32>} : memref<126x80xi32, #tpu.memory_space<vmem>>, vector<1x16xi32>,
        %get3A_565 = vector.shape_cast %get3A_564 : vector<1x16xi32> to vector<16xi32>
        %and3A_566 = arith.constant 65535 : i32
        %and3A_567 = vector.broadcast %and3A_566 : i32 to vector<16xi32>
        %and3A_568 = arith.andi %get3A_565, %and3A_567 : vector<16xi32>
        %swap3A_569 = arith.constant 0 : i32
        %swap3A_570 = arith.index_cast %swap3A_569 : i32 to index
        %swap3A_571 = arith.constant 64 : index
        %swap3A_572 = tpu.vector_load %arg6[%swap3A_570, %swap3A_571] {strides = array<i32>} : memref<3x80xi32, #tpu.memory_space<vmem>>, vector<1x16xi32>,
        %swap3A_573 = vector.shape_cast %swap3A_572 : vector<1x16xi32> to vector<16xi32>
        %swap3A_574 = vector.shape_cast %and3A_568 : vector<16xi32> to vector<1x16xi32>
        tpu.vector_store %arg6[%swap3A_570, %swap3A_571], %swap3A_574 {strides = array<i32>} : memref<3x80xi32, #tpu.memory_space<vmem>>, vector<1x16xi32>,
        %shift_right_logical3A_575 = arith.constant 16 : i32
        %shift_right_logical3A_576 = vector.broadcast %shift_right_logical3A_575 : i32 to vector<16xi32>
        %shift_right_logical3A_577 = arith.shrui %get3A_565, %shift_right_logical3A_576 : vector<16xi32>
        %swap3A_578 = arith.constant 0 : i32
        %swap3A_579 = arith.index_cast %swap3A_578 : i32 to index
        %swap3A_580 = arith.constant 64 : index
        %swap3A_581 = tpu.vector_load %arg7[%swap3A_579, %swap3A_580] {strides = array<i32>} : memref<3x80xi32, #tpu.memory_space<vmem>>, vector<1x16xi32>,
        %swap3A_582 = vector.shape_cast %swap3A_581 : vector<1x16xi32> to vector<16xi32>
        %swap3A_583 = vector.shape_cast %shift_right_logical3A_577 : vector<16xi32> to vector<1x16xi32>
        tpu.vector_store %arg7[%swap3A_579, %swap3A_580], %swap3A_583 {strides = array<i32>} : memref<3x80xi32, #tpu.memory_space<vmem>>, vector<1x16xi32>,
        %dma_start3A_584 = arith.constant 0 : i32
        %dma_start3A_585 = arith.constant 0 : i32
        %dma_start3A_586 = arith.constant 0 : i32
        %dma_start3A_587 = arith.constant 0 : i32
        %dma_start3A_588 = tpu.memref_slice %arg8[%dma_start3A_585, %dma_start3A_586, %dma_start3A_587] : memref<3x80x128xf32, #tpu.memory_space<vmem>> -> memref<1x80x128xf32, #tpu.memory_space<vmem>>
        %dma_start3A_589 = tpu.memref_squeeze %dma_start3A_588 : memref<1x80x128xf32, #tpu.memory_space<vmem>> -> memref<80x128xf32, #tpu.memory_space<vmem>>
        %dma_start3A_590 = arith.constant 0 : i32
        %dma_start3A_591 = tpu.memref_slice %arg6[%dma_start3A_584, %dma_start3A_590] : memref<3x80xi32, #tpu.memory_space<vmem>> -> memref<1x80xi32, #tpu.memory_space<vmem>>
        %dma_start3A_592 = tpu.memref_squeeze %dma_start3A_591 : memref<1x80xi32, #tpu.memory_space<vmem>> -> memref<80xi32, #tpu.memory_space<vmem>>
        %dma_start3A_593 = arith.constant 0 : i32
        %dma_start3A_594 = arith.constant 0 : i32
        %dma_start3A_595 = tpu.memref_slice %arg2[%dma_start3A_593, %dma_start3A_594] : memref<10000x128xf32, #tpu.memory_space<hbm>> -> memref<10000x128xf32, #tpu.memory_space<hbm>>
        tpu.enqueue_indirect_dma source(%dma_start3A_595 : memref<10000x128xf32, #tpu.memory_space<hbm>>) target(%dma_start3A_589 : memref<80x128xf32, #tpu.memory_space<vmem>>) offsets(%dma_start3A_592 : memref<80xi32, #tpu.memory_space<vmem>>) semaphore(%arg10 : memref<!tpu.dma_semaphore, #tpu.memory_space<semaphore_mem>>)
      } else {
      }
      %dma_wait3A_432 = arith.constant 1 : i32
      %dma_wait3A_433 = arith.constant 1 : i32
      %dma_wait3A_434 = arith.constant 0 : i32
      %dma_wait3A_435 = arith.constant 0 : i32
      %dma_wait3A_436 = tpu.memref_slice %arg8[%dma_wait3A_433, %dma_wait3A_434, %dma_wait3A_435] : memref<3x80x128xf32, #tpu.memory_space<vmem>> -> memref<1x80x128xf32, #tpu.memory_space<vmem>>
      %dma_wait3A_437 = tpu.memref_squeeze %dma_wait3A_436 : memref<1x80x128xf32, #tpu.memory_space<vmem>> -> memref<80x128xf32, #tpu.memory_space<vmem>>
      %dma_wait3A_438 = arith.constant 0 : i32
      %dma_wait3A_439 = tpu.memref_slice %arg6[%dma_wait3A_432, %dma_wait3A_438] : memref<3x80xi32, #tpu.memory_space<vmem>> -> memref<1x80xi32, #tpu.memory_space<vmem>>
      %dma_wait3A_440 = tpu.memref_squeeze %dma_wait3A_439 : memref<1x80xi32, #tpu.memory_space<vmem>> -> memref<80xi32, #tpu.memory_space<vmem>>
      %dma_wait3A_441 = arith.constant 0 : i32
      %dma_wait3A_442 = arith.constant 0 : i32
      %dma_wait3A_443 = tpu.memref_slice %arg2[%dma_wait3A_441, %dma_wait3A_442] : memref<10000x128xf32, #tpu.memory_space<hbm>> -> memref<10000x128xf32, #tpu.memory_space<hbm>>
      tpu.wait_indirect_dma semaphore(%arg11 : memref<!tpu.dma_semaphore, #tpu.memory_space<semaphore_mem>>) src(%dma_wait3A_443 : memref<10000x128xf32, #tpu.memory_space<hbm>>) dst(%dma_wait3A_437 : memref<80x128xf32, #tpu.memory_space<vmem>>)
      %run_scoped3A_444 = arith.constant 1 : i32
      %run_scoped3A_445 = arith.constant 1 : i32
      "tpu.region"() ({
        %run_scoped3A_470 = tpu.sem_alloc : memref<!tpu.dma_semaphore, #tpu.memory_space<semaphore_mem>>
        %dma_start3A_471 = arith.constant 0 : i32
        %dma_start3A_472 = arith.constant 0 : i32
        %dma_start3A_473 = tpu.memref_slice %arg8[%run_scoped3A_444, %dma_start3A_471, %dma_start3A_472] : memref<3x80x128xf32, #tpu.memory_space<vmem>> -> memref<1x80x128xf32, #tpu.memory_space<vmem>>
        %dma_start3A_474 = tpu.memref_squeeze %dma_start3A_473 : memref<1x80x128xf32, #tpu.memory_space<vmem>> -> memref<80x128xf32, #tpu.memory_space<vmem>>
        %dma_start3A_475 = arith.constant 0 : i32
        %dma_start3A_476 = tpu.memref_slice %arg7[%run_scoped3A_445, %dma_start3A_475] : memref<3x80xi32, #tpu.memory_space<vmem>> -> memref<1x80xi32, #tpu.memory_space<vmem>>
        %dma_start3A_477 = tpu.memref_squeeze %dma_start3A_476 : memref<1x80xi32, #tpu.memory_space<vmem>> -> memref<80xi32, #tpu.memory_space<vmem>>
        %dma_start3A_478 = arith.constant 0 : i32
        %dma_start3A_479 = arith.constant 0 : i32
        %dma_start3A_480 = tpu.memref_slice %arg9[%dma_start3A_478, %dma_start3A_479] : memref<10112x128xf32, #tpu.memory_space<vmem_shared>> -> memref<10112x128xf32, #tpu.memory_space<vmem_shared>>
        tpu.enqueue_indirect_dma source(%dma_start3A_474 : memref<80x128xf32, #tpu.memory_space<vmem>>) target(%dma_start3A_480 : memref<10112x128xf32, #tpu.memory_space<vmem_shared>>) offsets(%dma_start3A_477 : memref<80xi32, #tpu.memory_space<vmem>>) semaphore(%run_scoped3A_470 : memref<!tpu.dma_semaphore, #tpu.memory_space<semaphore_mem>>) {add = true}
        %dma_wait3A_481 = arith.constant 0 : i32
        %dma_wait3A_482 = arith.constant 0 : i32
        %dma_wait3A_483 = tpu.memref_slice %arg8[%run_scoped3A_444, %dma_wait3A_481, %dma_wait3A_482] : memref<3x80x128xf32, #tpu.memory_space<vmem>> -> memref<1x80x128xf32, #tpu.memory_space<vmem>>
        %dma_wait3A_484 = tpu.memref_squeeze %dma_wait3A_483 : memref<1x80x128xf32, #tpu.memory_space<vmem>> -> memref<80x128xf32, #tpu.memory_space<vmem>>
        %dma_wait3A_485 = arith.constant 0 : i32
        %dma_wait3A_486 = tpu.memref_slice %arg7[%run_scoped3A_445, %dma_wait3A_485] : memref<3x80xi32, #tpu.memory_space<vmem>> -> memref<1x80xi32, #tpu.memory_space<vmem>>
        %dma_wait3A_487 = tpu.memref_squeeze %dma_wait3A_486 : memref<1x80xi32, #tpu.memory_space<vmem>> -> memref<80xi32, #tpu.memory_space<vmem>>
        %dma_wait3A_488 = arith.constant 0 : i32
        %dma_wait3A_489 = arith.constant 0 : i32
        %dma_wait3A_490 = tpu.memref_slice %arg9[%dma_wait3A_488, %dma_wait3A_489] : memref<10112x128xf32, #tpu.memory_space<vmem_shared>> -> memref<10112x128xf32, #tpu.memory_space<vmem_shared>>
        tpu.wait_indirect_dma semaphore(%run_scoped3A_470 : memref<!tpu.dma_semaphore, #tpu.memory_space<semaphore_mem>>) src(%dma_wait3A_484 : memref<80x128xf32, #tpu.memory_space<vmem>>) dst(%dma_wait3A_490 : memref<10112x128xf32, #tpu.memory_space<vmem_shared>>)
        tpu.yield
      }) : () -> ()
      %lt3A_446 = arith.constant 41 : i32
      %lt3A_447 = arith.cmpi slt, %scan3A_414, %lt3A_446 : i32
      %convert_element_type3A_448 = arith.extui %lt3A_447 : i1 to i32
      %cond3A_449 = arith.constant 0 : i32
      %cond3A_450 = arith.cmpi ne, %convert_element_type3A_448, %cond3A_449 : i32
      scf.if %cond3A_450 {
        %add3A_470 = arith.constant 3 : i32
        %add3A_471 = arith.addi %mul3A_416, %add3A_470 : i32
        %add3A_472 = arith.constant 1 : i32
        %add3A_473 = arith.addi %add3A_471, %add3A_472 : i32
        %get3A_474 = arith.index_cast %add3A_473 : i32 to index
        %get3A_475 = arith.constant 0 : index
        %get3A_476 = tpu.vector_load %arg5[%get3A_474, %get3A_475] {strides = array<i32>} : memref<126x80xi32, #tpu.memory_space<vmem>>, vector<1x16xi32>,
        %get3A_477 = vector.shape_cast %get3A_476 : vector<1x16xi32> to vector<16xi32>
        %and3A_478 = arith.constant 65535 : i32
        %and3A_479 = vector.broadcast %and3A_478 : i32 to vector<16xi32>
        %and3A_480 = arith.andi %get3A_477, %and3A_479 : vector<16xi32>
        %swap3A_481 = arith.constant 1 : i32
        %swap3A_482 = arith.index_cast %swap3A_481 : i32 to index
        %swap3A_483 = arith.constant 0 : index
        %swap3A_484 = tpu.vector_load %arg6[%swap3A_482, %swap3A_483] {strides = array<i32>} : memref<3x80xi32, #tpu.memory_space<vmem>>, vector<1x16xi32>,
        %swap3A_485 = vector.shape_cast %swap3A_484 : vector<1x16xi32> to vector<16xi32>
        %swap3A_486 = vector.shape_cast %and3A_480 : vector<16xi32> to vector<1x16xi32>
        tpu.vector_store %arg6[%swap3A_482, %swap3A_483], %swap3A_486 {strides = array<i32>} : memref<3x80xi32, #tpu.memory_space<vmem>>, vector<1x16xi32>,
        %shift_right_logical3A_487 = arith.constant 16 : i32
        %shift_right_logical3A_488 = vector.broadcast %shift_right_logical3A_487 : i32 to vector<16xi32>
        %shift_right_logical3A_489 = arith.shrui %get3A_477, %shift_right_logical3A_488 : vector<16xi32>
        %swap3A_490 = arith.constant 1 : i32
        %swap3A_491 = arith.index_cast %swap3A_490 : i32 to index
        %swap3A_492 = arith.constant 0 : index
        %swap3A_493 = tpu.vector_load %arg7[%swap3A_491, %swap3A_492] {strides = array<i32>} : memref<3x80xi32, #tpu.memory_space<vmem>>, vector<1x16xi32>,
        %swap3A_494 = vector.shape_cast %swap3A_493 : vector<1x16xi32> to vector<16xi32>
        %swap3A_495 = vector.shape_cast %shift_right_logical3A_489 : vector<16xi32> to vector<1x16xi32>
        tpu.vector_store %arg7[%swap3A_491, %swap3A_492], %swap3A_495 {strides = array<i32>} : memref<3x80xi32, #tpu.memory_space<vmem>>, vector<1x16xi32>,
        %get3A_496 = arith.index_cast %add3A_473 : i32 to index
        %get3A_497 = arith.constant 16 : index
        %get3A_498 = tpu.vector_load %arg5[%get3A_496, %get3A_497] {strides = array<i32>} : memref<126x80xi32, #tpu.memory_space<vmem>>, vector<1x16xi32>,
        %get3A_499 = vector.shape_cast %get3A_498 : vector<1x16xi32> to vector<16xi32>
        %and3A_500 = arith.constant 65535 : i32
        %and3A_501 = vector.broadcast %and3A_500 : i32 to vector<16xi32>
        %and3A_502 = arith.andi %get3A_499, %and3A_501 : vector<16xi32>
        %swap3A_503 = arith.constant 1 : i32
        %swap3A_504 = arith.index_cast %swap3A_503 : i32 to index
        %swap3A_505 = arith.constant 16 : index
        %swap3A_506 = tpu.vector_load %arg6[%swap3A_504, %swap3A_505] {strides = array<i32>} : memref<3x80xi32, #tpu.memory_space<vmem>>, vector<1x16xi32>,
        %swap3A_507 = vector.shape_cast %swap3A_506 : vector<1x16xi32> to vector<16xi32>
        %swap3A_508 = vector.shape_cast %and3A_502 : vector<16xi32> to vector<1x16xi32>
        tpu.vector_store %arg6[%swap3A_504, %swap3A_505], %swap3A_508 {strides = array<i32>} : memref<3x80xi32, #tpu.memory_space<vmem>>, vector<1x16xi32>,
        %shift_right_logical3A_509 = arith.constant 16 : i32
        %shift_right_logical3A_510 = vector.broadcast %shift_right_logical3A_509 : i32 to vector<16xi32>
        %shift_right_logical3A_511 = arith.shrui %get3A_499, %shift_right_logical3A_510 : vector<16xi32>
        %swap3A_512 = arith.constant 1 : i32
        %swap3A_513 = arith.index_cast %swap3A_512 : i32 to index
        %swap3A_514 = arith.constant 16 : index
        %swap3A_515 = tpu.vector_load %arg7[%swap3A_513, %swap3A_514] {strides = array<i32>} : memref<3x80xi32, #tpu.memory_space<vmem>>, vector<1x16xi32>,
        %swap3A_516 = vector.shape_cast %swap3A_515 : vector<1x16xi32> to vector<16xi32>
        %swap3A_517 = vector.shape_cast %shift_right_logical3A_511 : vector<16xi32> to vector<1x16xi32>
        tpu.vector_store %arg7[%swap3A_513, %swap3A_514], %swap3A_517 {strides = array<i32>} : memref<3x80xi32, #tpu.memory_space<vmem>>, vector<1x16xi32>,
        %get3A_518 = arith.index_cast %add3A_473 : i32 to index
        %get3A_519 = arith.constant 32 : index
        %get3A_520 = tpu.vector_load %arg5[%get3A_518, %get3A_519] {strides = array<i32>} : memref<126x80xi32, #tpu.memory_space<vmem>>, vector<1x16xi32>,
        %get3A_521 = vector.shape_cast %get3A_520 : vector<1x16xi32> to vector<16xi32>
        %and3A_522 = arith.constant 65535 : i32
        %and3A_523 = vector.broadcast %and3A_522 : i32 to vector<16xi32>
        %and3A_524 = arith.andi %get3A_521, %and3A_523 : vector<16xi32>
        %swap3A_525 = arith.constant 1 : i32
        %swap3A_526 = arith.index_cast %swap3A_525 : i32 to index
        %swap3A_527 = arith.constant 32 : index
        %swap3A_528 = tpu.vector_load %arg6[%swap3A_526, %swap3A_527] {strides = array<i32>} : memref<3x80xi32, #tpu.memory_space<vmem>>, vector<1x16xi32>,
        %swap3A_529 = vector.shape_cast %swap3A_528 : vector<1x16xi32> to vector<16xi32>
        %swap3A_530 = vector.shape_cast %and3A_524 : vector<16xi32> to vector<1x16xi32>
        tpu.vector_store %arg6[%swap3A_526, %swap3A_527], %swap3A_530 {strides = array<i32>} : memref<3x80xi32, #tpu.memory_space<vmem>>, vector<1x16xi32>,
        %shift_right_logical3A_531 = arith.constant 16 : i32
        %shift_right_logical3A_532 = vector.broadcast %shift_right_logical3A_531 : i32 to vector<16xi32>
        %shift_right_logical3A_533 = arith.shrui %get3A_521, %shift_right_logical3A_532 : vector<16xi32>
        %swap3A_534 = arith.constant 1 : i32
        %swap3A_535 = arith.index_cast %swap3A_534 : i32 to index
        %swap3A_536 = arith.constant 32 : index
        %swap3A_537 = tpu.vector_load %arg7[%swap3A_535, %swap3A_536] {strides = array<i32>} : memref<3x80xi32, #tpu.memory_space<vmem>>, vector<1x16xi32>,
        %swap3A_538 = vector.shape_cast %swap3A_537 : vector<1x16xi32> to vector<16xi32>
        %swap3A_539 = vector.shape_cast %shift_right_logical3A_533 : vector<16xi32> to vector<1x16xi32>
        tpu.vector_store %arg7[%swap3A_535, %swap3A_536], %swap3A_539 {strides = array<i32>} : memref<3x80xi32, #tpu.memory_space<vmem>>, vector<1x16xi32>,
        %get3A_540 = arith.index_cast %add3A_473 : i32 to index
        %get3A_541 = arith.constant 48 : index
        %get3A_542 = tpu.vector_load %arg5[%get3A_540, %get3A_541] {strides = array<i32>} : memref<126x80xi32, #tpu.memory_space<vmem>>, vector<1x16xi32>,
        %get3A_543 = vector.shape_cast %get3A_542 : vector<1x16xi32> to vector<16xi32>
        %and3A_544 = arith.constant 65535 : i32
        %and3A_545 = vector.broadcast %and3A_544 : i32 to vector<16xi32>
        %and3A_546 = arith.andi %get3A_543, %and3A_545 : vector<16xi32>
        %swap3A_547 = arith.constant 1 : i32
        %swap3A_548 = arith.index_cast %swap3A_547 : i32 to index
        %swap3A_549 = arith.constant 48 : index
        %swap3A_550 = tpu.vector_load %arg6[%swap3A_548, %swap3A_549] {strides = array<i32>} : memref<3x80xi32, #tpu.memory_space<vmem>>, vector<1x16xi32>,
        %swap3A_551 = vector.shape_cast %swap3A_550 : vector<1x16xi32> to vector<16xi32>
        %swap3A_552 = vector.shape_cast %and3A_546 : vector<16xi32> to vector<1x16xi32>
        tpu.vector_store %arg6[%swap3A_548, %swap3A_549], %swap3A_552 {strides = array<i32>} : memref<3x80xi32, #tpu.memory_space<vmem>>, vector<1x16xi32>,
        %shift_right_logical3A_553 = arith.constant 16 : i32
        %shift_right_logical3A_554 = vector.broadcast %shift_right_logical3A_553 : i32 to vector<16xi32>
        %shift_right_logical3A_555 = arith.shrui %get3A_543, %shift_right_logical3A_554 : vector<16xi32>
        %swap3A_556 = arith.constant 1 : i32
        %swap3A_557 = arith.index_cast %swap3A_556 : i32 to index
        %swap3A_558 = arith.constant 48 : index
        %swap3A_559 = tpu.vector_load %arg7[%swap3A_557, %swap3A_558] {strides = array<i32>} : memref<3x80xi32, #tpu.memory_space<vmem>>, vector<1x16xi32>,
        %swap3A_560 = vector.shape_cast %swap3A_559 : vector<1x16xi32> to vector<16xi32>
        %swap3A_561 = vector.shape_cast %shift_right_logical3A_555 : vector<16xi32> to vector<1x16xi32>
        tpu.vector_store %arg7[%swap3A_557, %swap3A_558], %swap3A_561 {strides = array<i32>} : memref<3x80xi32, #tpu.memory_space<vmem>>, vector<1x16xi32>,
        %get3A_562 = arith.index_cast %add3A_473 : i32 to index
        %get3A_563 = arith.constant 64 : index
        %get3A_564 = tpu.vector_load %arg5[%get3A_562, %get3A_563] {strides = array<i32>} : memref<126x80xi32, #tpu.memory_space<vmem>>, vector<1x16xi32>,
        %get3A_565 = vector.shape_cast %get3A_564 : vector<1x16xi32> to vector<16xi32>
        %and3A_566 = arith.constant 65535 : i32
        %and3A_567 = vector.broadcast %and3A_566 : i32 to vector<16xi32>
        %and3A_568 = arith.andi %get3A_565, %and3A_567 : vector<16xi32>
        %swap3A_569 = arith.constant 1 : i32
        %swap3A_570 = arith.index_cast %swap3A_569 : i32 to index
        %swap3A_571 = arith.constant 64 : index
        %swap3A_572 = tpu.vector_load %arg6[%swap3A_570, %swap3A_571] {strides = array<i32>} : memref<3x80xi32, #tpu.memory_space<vmem>>, vector<1x16xi32>,
        %swap3A_573 = vector.shape_cast %swap3A_572 : vector<1x16xi32> to vector<16xi32>
        %swap3A_574 = vector.shape_cast %and3A_568 : vector<16xi32> to vector<1x16xi32>
        tpu.vector_store %arg6[%swap3A_570, %swap3A_571], %swap3A_574 {strides = array<i32>} : memref<3x80xi32, #tpu.memory_space<vmem>>, vector<1x16xi32>,
        %shift_right_logical3A_575 = arith.constant 16 : i32
        %shift_right_logical3A_576 = vector.broadcast %shift_right_logical3A_575 : i32 to vector<16xi32>
        %shift_right_logical3A_577 = arith.shrui %get3A_565, %shift_right_logical3A_576 : vector<16xi32>
        %swap3A_578 = arith.constant 1 : i32
        %swap3A_579 = arith.index_cast %swap3A_578 : i32 to index
        %swap3A_580 = arith.constant 64 : index
        %swap3A_581 = tpu.vector_load %arg7[%swap3A_579, %swap3A_580] {strides = array<i32>} : memref<3x80xi32, #tpu.memory_space<vmem>>, vector<1x16xi32>,
        %swap3A_582 = vector.shape_cast %swap3A_581 : vector<1x16xi32> to vector<16xi32>
        %swap3A_583 = vector.shape_cast %shift_right_logical3A_577 : vector<16xi32> to vector<1x16xi32>
        tpu.vector_store %arg7[%swap3A_579, %swap3A_580], %swap3A_583 {strides = array<i32>} : memref<3x80xi32, #tpu.memory_space<vmem>>, vector<1x16xi32>,
        %dma_start3A_584 = arith.constant 1 : i32
        %dma_start3A_585 = arith.constant 1 : i32
        %dma_start3A_586 = arith.constant 0 : i32
        %dma_start3A_587 = arith.constant 0 : i32
        %dma_start3A_588 = tpu.memref_slice %arg8[%dma_start3A_585, %dma_start3A_586, %dma_start3A_587] : memref<3x80x128xf32, #tpu.memory_space<vmem>> -> memref<1x80x128xf32, #tpu.memory_space<vmem>>
        %dma_start3A_589 = tpu.memref_squeeze %dma_start3A_588 : memref<1x80x128xf32, #tpu.memory_space<vmem>> -> memref<80x128xf32, #tpu.memory_space<vmem>>
        %dma_start3A_590 = arith.constant 0 : i32
        %dma_start3A_591 = tpu.memref_slice %arg6[%dma_start3A_584, %dma_start3A_590] : memref<3x80xi32, #tpu.memory_space<vmem>> -> memref<1x80xi32, #tpu.memory_space<vmem>>
        %dma_start3A_592 = tpu.memref_squeeze %dma_start3A_591 : memref<1x80xi32, #tpu.memory_space<vmem>> -> memref<80xi32, #tpu.memory_space<vmem>>
        %dma_start3A_593 = arith.constant 0 : i32
        %dma_start3A_594 = arith.constant 0 : i32
        %dma_start3A_595 = tpu.memref_slice %arg2[%dma_start3A_593, %dma_start3A_594] : memref<10000x128xf32, #tpu.memory_space<hbm>> -> memref<10000x128xf32, #tpu.memory_space<hbm>>
        tpu.enqueue_indirect_dma source(%dma_start3A_595 : memref<10000x128xf32, #tpu.memory_space<hbm>>) target(%dma_start3A_589 : memref<80x128xf32, #tpu.memory_space<vmem>>) offsets(%dma_start3A_592 : memref<80xi32, #tpu.memory_space<vmem>>) semaphore(%arg11 : memref<!tpu.dma_semaphore, #tpu.memory_space<semaphore_mem>>)
      } else {
      }
      %dma_wait3A_451 = arith.constant 2 : i32
      %dma_wait3A_452 = arith.constant 2 : i32
      %dma_wait3A_453 = arith.constant 0 : i32
      %dma_wait3A_454 = arith.constant 0 : i32
      %dma_wait3A_455 = tpu.memref_slice %arg8[%dma_wait3A_452, %dma_wait3A_453, %dma_wait3A_454] : memref<3x80x128xf32, #tpu.memory_space<vmem>> -> memref<1x80x128xf32, #tpu.memory_space<vmem>>
      %dma_wait3A_456 = tpu.memref_squeeze %dma_wait3A_455 : memref<1x80x128xf32, #tpu.memory_space<vmem>> -> memref<80x128xf32, #tpu.memory_space<vmem>>
      %dma_wait3A_457 = arith.constant 0 : i32
      %dma_wait3A_458 = tpu.memref_slice %arg6[%dma_wait3A_451, %dma_wait3A_457] : memref<3x80xi32, #tpu.memory_space<vmem>> -> memref<1x80xi32, #tpu.memory_space<vmem>>
      %dma_wait3A_459 = tpu.memref_squeeze %dma_wait3A_458 : memref<1x80xi32, #tpu.memory_space<vmem>> -> memref<80xi32, #tpu.memory_space<vmem>>
      %dma_wait3A_460 = arith.constant 0 : i32
      %dma_wait3A_461 = arith.constant 0 : i32
      %dma_wait3A_462 = tpu.memref_slice %arg2[%dma_wait3A_460, %dma_wait3A_461] : memref<10000x128xf32, #tpu.memory_space<hbm>> -> memref<10000x128xf32, #tpu.memory_space<hbm>>
      tpu.wait_indirect_dma semaphore(%arg12 : memref<!tpu.dma_semaphore, #tpu.memory_space<semaphore_mem>>) src(%dma_wait3A_462 : memref<10000x128xf32, #tpu.memory_space<hbm>>) dst(%dma_wait3A_456 : memref<80x128xf32, #tpu.memory_space<vmem>>)
      %run_scoped3A_463 = arith.constant 2 : i32
      %run_scoped3A_464 = arith.constant 2 : i32
      "tpu.region"() ({
        %run_scoped3A_470 = tpu.sem_alloc : memref<!tpu.dma_semaphore, #tpu.memory_space<semaphore_mem>>
        %dma_start3A_471 = arith.constant 0 : i32
        %dma_start3A_472 = arith.constant 0 : i32
        %dma_start3A_473 = tpu.memref_slice %arg8[%run_scoped3A_463, %dma_start3A_471, %dma_start3A_472] : memref<3x80x128xf32, #tpu.memory_space<vmem>> -> memref<1x80x128xf32, #tpu.memory_space<vmem>>
        %dma_start3A_474 = tpu.memref_squeeze %dma_start3A_473 : memref<1x80x128xf32, #tpu.memory_space<vmem>> -> memref<80x128xf32, #tpu.memory_space<vmem>>
        %dma_start3A_475 = arith.constant 0 : i32
        %dma_start3A_476 = tpu.memref_slice %arg7[%run_scoped3A_464, %dma_start3A_475] : memref<3x80xi32, #tpu.memory_space<vmem>> -> memref<1x80xi32, #tpu.memory_space<vmem>>
        %dma_start3A_477 = tpu.memref_squeeze %dma_start3A_476 : memref<1x80xi32, #tpu.memory_space<vmem>> -> memref<80xi32, #tpu.memory_space<vmem>>
        %dma_start3A_478 = arith.constant 0 : i32
        %dma_start3A_479 = arith.constant 0 : i32
        %dma_start3A_480 = tpu.memref_slice %arg9[%dma_start3A_478, %dma_start3A_479] : memref<10112x128xf32, #tpu.memory_space<vmem_shared>> -> memref<10112x128xf32, #tpu.memory_space<vmem_shared>>
        tpu.enqueue_indirect_dma source(%dma_start3A_474 : memref<80x128xf32, #tpu.memory_space<vmem>>) target(%dma_start3A_480 : memref<10112x128xf32, #tpu.memory_space<vmem_shared>>) offsets(%dma_start3A_477 : memref<80xi32, #tpu.memory_space<vmem>>) semaphore(%run_scoped3A_470 : memref<!tpu.dma_semaphore, #tpu.memory_space<semaphore_mem>>) {add = true}
        %dma_wait3A_481 = arith.constant 0 : i32
        %dma_wait3A_482 = arith.constant 0 : i32
        %dma_wait3A_483 = tpu.memref_slice %arg8[%run_scoped3A_463, %dma_wait3A_481, %dma_wait3A_482] : memref<3x80x128xf32, #tpu.memory_space<vmem>> -> memref<1x80x128xf32, #tpu.memory_space<vmem>>
        %dma_wait3A_484 = tpu.memref_squeeze %dma_wait3A_483 : memref<1x80x128xf32, #tpu.memory_space<vmem>> -> memref<80x128xf32, #tpu.memory_space<vmem>>
        %dma_wait3A_485 = arith.constant 0 : i32
        %dma_wait3A_486 = tpu.memref_slice %arg7[%run_scoped3A_464, %dma_wait3A_485] : memref<3x80xi32, #tpu.memory_space<vmem>> -> memref<1x80xi32, #tpu.memory_space<vmem>>
        %dma_wait3A_487 = tpu.memref_squeeze %dma_wait3A_486 : memref<1x80xi32, #tpu.memory_space<vmem>> -> memref<80xi32, #tpu.memory_space<vmem>>
        %dma_wait3A_488 = arith.constant 0 : i32
        %dma_wait3A_489 = arith.constant 0 : i32
        %dma_wait3A_490 = tpu.memref_slice %arg9[%dma_wait3A_488, %dma_wait3A_489] : memref<10112x128xf32, #tpu.memory_space<vmem_shared>> -> memref<10112x128xf32, #tpu.memory_space<vmem_shared>>
        tpu.wait_indirect_dma semaphore(%run_scoped3A_470 : memref<!tpu.dma_semaphore, #tpu.memory_space<semaphore_mem>>) src(%dma_wait3A_484 : memref<80x128xf32, #tpu.memory_space<vmem>>) dst(%dma_wait3A_490 : memref<10112x128xf32, #tpu.memory_space<vmem_shared>>)
        tpu.yield
      }) : () -> ()
      %lt3A_465 = arith.constant 41 : i32
      %lt3A_466 = arith.cmpi slt, %scan3A_414, %lt3A_465 : i32
      %convert_element_type3A_467 = arith.extui %lt3A_466 : i1 to i32
      %cond3A_468 = arith.constant 0 : i32
      %cond3A_469 = arith.cmpi ne, %convert_element_type3A_467, %cond3A_468 : i32
      scf.if %cond3A_469 {
        %add3A_470 = arith.constant 3 : i32
        %add3A_471 = arith.addi %mul3A_416, %add3A_470 : i32
        %add3A_472 = arith.constant 2 : i32
        %add3A_473 = arith.addi %add3A_471, %add3A_472 : i32
        %get3A_474 = arith.index_cast %add3A_473 : i32 to index
        %get3A_475 = arith.constant 0 : index
        %get3A_476 = tpu.vector_load %arg5[%get3A_474, %get3A_475] {strides = array<i32>} : memref<126x80xi32, #tpu.memory_space<vmem>>, vector<1x16xi32>,
        %get3A_477 = vector.shape_cast %get3A_476 : vector<1x16xi32> to vector<16xi32>
        %and3A_478 = arith.constant 65535 : i32
        %and3A_479 = vector.broadcast %and3A_478 : i32 to vector<16xi32>
        %and3A_480 = arith.andi %get3A_477, %and3A_479 : vector<16xi32>
        %swap3A_481 = arith.constant 2 : i32
        %swap3A_482 = arith.index_cast %swap3A_481 : i32 to index
        %swap3A_483 = arith.constant 0 : index
        %swap3A_484 = tpu.vector_load %arg6[%swap3A_482, %swap3A_483] {strides = array<i32>} : memref<3x80xi32, #tpu.memory_space<vmem>>, vector<1x16xi32>,
        %swap3A_485 = vector.shape_cast %swap3A_484 : vector<1x16xi32> to vector<16xi32>
        %swap3A_486 = vector.shape_cast %and3A_480 : vector<16xi32> to vector<1x16xi32>
        tpu.vector_store %arg6[%swap3A_482, %swap3A_483], %swap3A_486 {strides = array<i32>} : memref<3x80xi32, #tpu.memory_space<vmem>>, vector<1x16xi32>,
        %shift_right_logical3A_487 = arith.constant 16 : i32
        %shift_right_logical3A_488 = vector.broadcast %shift_right_logical3A_487 : i32 to vector<16xi32>
        %shift_right_logical3A_489 = arith.shrui %get3A_477, %shift_right_logical3A_488 : vector<16xi32>
        %swap3A_490 = arith.constant 2 : i32
        %swap3A_491 = arith.index_cast %swap3A_490 : i32 to index
        %swap3A_492 = arith.constant 0 : index
        %swap3A_493 = tpu.vector_load %arg7[%swap3A_491, %swap3A_492] {strides = array<i32>} : memref<3x80xi32, #tpu.memory_space<vmem>>, vector<1x16xi32>,
        %swap3A_494 = vector.shape_cast %swap3A_493 : vector<1x16xi32> to vector<16xi32>
        %swap3A_495 = vector.shape_cast %shift_right_logical3A_489 : vector<16xi32> to vector<1x16xi32>
        tpu.vector_store %arg7[%swap3A_491, %swap3A_492], %swap3A_495 {strides = array<i32>} : memref<3x80xi32, #tpu.memory_space<vmem>>, vector<1x16xi32>,
        %get3A_496 = arith.index_cast %add3A_473 : i32 to index
        %get3A_497 = arith.constant 16 : index
        %get3A_498 = tpu.vector_load %arg5[%get3A_496, %get3A_497] {strides = array<i32>} : memref<126x80xi32, #tpu.memory_space<vmem>>, vector<1x16xi32>,
        %get3A_499 = vector.shape_cast %get3A_498 : vector<1x16xi32> to vector<16xi32>
        %and3A_500 = arith.constant 65535 : i32
        %and3A_501 = vector.broadcast %and3A_500 : i32 to vector<16xi32>
        %and3A_502 = arith.andi %get3A_499, %and3A_501 : vector<16xi32>
        %swap3A_503 = arith.constant 2 : i32
        %swap3A_504 = arith.index_cast %swap3A_503 : i32 to index
        %swap3A_505 = arith.constant 16 : index
        %swap3A_506 = tpu.vector_load %arg6[%swap3A_504, %swap3A_505] {strides = array<i32>} : memref<3x80xi32, #tpu.memory_space<vmem>>, vector<1x16xi32>,
        %swap3A_507 = vector.shape_cast %swap3A_506 : vector<1x16xi32> to vector<16xi32>
        %swap3A_508 = vector.shape_cast %and3A_502 : vector<16xi32> to vector<1x16xi32>
        tpu.vector_store %arg6[%swap3A_504, %swap3A_505], %swap3A_508 {strides = array<i32>} : memref<3x80xi32, #tpu.memory_space<vmem>>, vector<1x16xi32>,
        %shift_right_logical3A_509 = arith.constant 16 : i32
        %shift_right_logical3A_510 = vector.broadcast %shift_right_logical3A_509 : i32 to vector<16xi32>
        %shift_right_logical3A_511 = arith.shrui %get3A_499, %shift_right_logical3A_510 : vector<16xi32>
        %swap3A_512 = arith.constant 2 : i32
        %swap3A_513 = arith.index_cast %swap3A_512 : i32 to index
        %swap3A_514 = arith.constant 16 : index
        %swap3A_515 = tpu.vector_load %arg7[%swap3A_513, %swap3A_514] {strides = array<i32>} : memref<3x80xi32, #tpu.memory_space<vmem>>, vector<1x16xi32>,
        %swap3A_516 = vector.shape_cast %swap3A_515 : vector<1x16xi32> to vector<16xi32>
        %swap3A_517 = vector.shape_cast %shift_right_logical3A_511 : vector<16xi32> to vector<1x16xi32>
        tpu.vector_store %arg7[%swap3A_513, %swap3A_514], %swap3A_517 {strides = array<i32>} : memref<3x80xi32, #tpu.memory_space<vmem>>, vector<1x16xi32>,
        %get3A_518 = arith.index_cast %add3A_473 : i32 to index
        %get3A_519 = arith.constant 32 : index
        %get3A_520 = tpu.vector_load %arg5[%get3A_518, %get3A_519] {strides = array<i32>} : memref<126x80xi32, #tpu.memory_space<vmem>>, vector<1x16xi32>,
        %get3A_521 = vector.shape_cast %get3A_520 : vector<1x16xi32> to vector<16xi32>
        %and3A_522 = arith.constant 65535 : i32
        %and3A_523 = vector.broadcast %and3A_522 : i32 to vector<16xi32>
        %and3A_524 = arith.andi %get3A_521, %and3A_523 : vector<16xi32>
        %swap3A_525 = arith.constant 2 : i32
        %swap3A_526 = arith.index_cast %swap3A_525 : i32 to index
        %swap3A_527 = arith.constant 32 : index
        %swap3A_528 = tpu.vector_load %arg6[%swap3A_526, %swap3A_527] {strides = array<i32>} : memref<3x80xi32, #tpu.memory_space<vmem>>, vector<1x16xi32>,
        %swap3A_529 = vector.shape_cast %swap3A_528 : vector<1x16xi32> to vector<16xi32>
        %swap3A_530 = vector.shape_cast %and3A_524 : vector<16xi32> to vector<1x16xi32>
        tpu.vector_store %arg6[%swap3A_526, %swap3A_527], %swap3A_530 {strides = array<i32>} : memref<3x80xi32, #tpu.memory_space<vmem>>, vector<1x16xi32>,
        %shift_right_logical3A_531 = arith.constant 16 : i32
        %shift_right_logical3A_532 = vector.broadcast %shift_right_logical3A_531 : i32 to vector<16xi32>
        %shift_right_logical3A_533 = arith.shrui %get3A_521, %shift_right_logical3A_532 : vector<16xi32>
        %swap3A_534 = arith.constant 2 : i32
        %swap3A_535 = arith.index_cast %swap3A_534 : i32 to index
        %swap3A_536 = arith.constant 32 : index
        %swap3A_537 = tpu.vector_load %arg7[%swap3A_535, %swap3A_536] {strides = array<i32>} : memref<3x80xi32, #tpu.memory_space<vmem>>, vector<1x16xi32>,
        %swap3A_538 = vector.shape_cast %swap3A_537 : vector<1x16xi32> to vector<16xi32>
        %swap3A_539 = vector.shape_cast %shift_right_logical3A_533 : vector<16xi32> to vector<1x16xi32>
        tpu.vector_store %arg7[%swap3A_535, %swap3A_536], %swap3A_539 {strides = array<i32>} : memref<3x80xi32, #tpu.memory_space<vmem>>, vector<1x16xi32>,
        %get3A_540 = arith.index_cast %add3A_473 : i32 to index
        %get3A_541 = arith.constant 48 : index
        %get3A_542 = tpu.vector_load %arg5[%get3A_540, %get3A_541] {strides = array<i32>} : memref<126x80xi32, #tpu.memory_space<vmem>>, vector<1x16xi32>,
        %get3A_543 = vector.shape_cast %get3A_542 : vector<1x16xi32> to vector<16xi32>
        %and3A_544 = arith.constant 65535 : i32
        %and3A_545 = vector.broadcast %and3A_544 : i32 to vector<16xi32>
        %and3A_546 = arith.andi %get3A_543, %and3A_545 : vector<16xi32>
        %swap3A_547 = arith.constant 2 : i32
        %swap3A_548 = arith.index_cast %swap3A_547 : i32 to index
        %swap3A_549 = arith.constant 48 : index
        %swap3A_550 = tpu.vector_load %arg6[%swap3A_548, %swap3A_549] {strides = array<i32>} : memref<3x80xi32, #tpu.memory_space<vmem>>, vector<1x16xi32>,
        %swap3A_551 = vector.shape_cast %swap3A_550 : vector<1x16xi32> to vector<16xi32>
        %swap3A_552 = vector.shape_cast %and3A_546 : vector<16xi32> to vector<1x16xi32>
        tpu.vector_store %arg6[%swap3A_548, %swap3A_549], %swap3A_552 {strides = array<i32>} : memref<3x80xi32, #tpu.memory_space<vmem>>, vector<1x16xi32>,
        %shift_right_logical3A_553 = arith.constant 16 : i32
        %shift_right_logical3A_554 = vector.broadcast %shift_right_logical3A_553 : i32 to vector<16xi32>
        %shift_right_logical3A_555 = arith.shrui %get3A_543, %shift_right_logical3A_554 : vector<16xi32>
        %swap3A_556 = arith.constant 2 : i32
        %swap3A_557 = arith.index_cast %swap3A_556 : i32 to index
        %swap3A_558 = arith.constant 48 : index
        %swap3A_559 = tpu.vector_load %arg7[%swap3A_557, %swap3A_558] {strides = array<i32>} : memref<3x80xi32, #tpu.memory_space<vmem>>, vector<1x16xi32>,
        %swap3A_560 = vector.shape_cast %swap3A_559 : vector<1x16xi32> to vector<16xi32>
        %swap3A_561 = vector.shape_cast %shift_right_logical3A_555 : vector<16xi32> to vector<1x16xi32>
        tpu.vector_store %arg7[%swap3A_557, %swap3A_558], %swap3A_561 {strides = array<i32>} : memref<3x80xi32, #tpu.memory_space<vmem>>, vector<1x16xi32>,
        %get3A_562 = arith.index_cast %add3A_473 : i32 to index
        %get3A_563 = arith.constant 64 : index
        %get3A_564 = tpu.vector_load %arg5[%get3A_562, %get3A_563] {strides = array<i32>} : memref<126x80xi32, #tpu.memory_space<vmem>>, vector<1x16xi32>,
        %get3A_565 = vector.shape_cast %get3A_564 : vector<1x16xi32> to vector<16xi32>
        %and3A_566 = arith.constant 65535 : i32
        %and3A_567 = vector.broadcast %and3A_566 : i32 to vector<16xi32>
        %and3A_568 = arith.andi %get3A_565, %and3A_567 : vector<16xi32>
        %swap3A_569 = arith.constant 2 : i32
        %swap3A_570 = arith.index_cast %swap3A_569 : i32 to index
        %swap3A_571 = arith.constant 64 : index
        %swap3A_572 = tpu.vector_load %arg6[%swap3A_570, %swap3A_571] {strides = array<i32>} : memref<3x80xi32, #tpu.memory_space<vmem>>, vector<1x16xi32>,
        %swap3A_573 = vector.shape_cast %swap3A_572 : vector<1x16xi32> to vector<16xi32>
        %swap3A_574 = vector.shape_cast %and3A_568 : vector<16xi32> to vector<1x16xi32>
        tpu.vector_store %arg6[%swap3A_570, %swap3A_571], %swap3A_574 {strides = array<i32>} : memref<3x80xi32, #tpu.memory_space<vmem>>, vector<1x16xi32>,
        %shift_right_logical3A_575 = arith.constant 16 : i32
        %shift_right_logical3A_576 = vector.broadcast %shift_right_logical3A_575 : i32 to vector<16xi32>
        %shift_right_logical3A_577 = arith.shrui %get3A_565, %shift_right_logical3A_576 : vector<16xi32>
        %swap3A_578 = arith.constant 2 : i32
        %swap3A_579 = arith.index_cast %swap3A_578 : i32 to index
        %swap3A_580 = arith.constant 64 : index
        %swap3A_581 = tpu.vector_load %arg7[%swap3A_579, %swap3A_580] {strides = array<i32>} : memref<3x80xi32, #tpu.memory_space<vmem>>, vector<1x16xi32>,
        %swap3A_582 = vector.shape_cast %swap3A_581 : vector<1x16xi32> to vector<16xi32>
        %swap3A_583 = vector.shape_cast %shift_right_logical3A_577 : vector<16xi32> to vector<1x16xi32>
        tpu.vector_store %arg7[%swap3A_579, %swap3A_580], %swap3A_583 {strides = array<i32>} : memref<3x80xi32, #tpu.memory_space<vmem>>, vector<1x16xi32>,
        %dma_start3A_584 = arith.constant 2 : i32
        %dma_start3A_585 = arith.constant 2 : i32
        %dma_start3A_586 = arith.constant 0 : i32
        %dma_start3A_587 = arith.constant 0 : i32
        %dma_start3A_588 = tpu.memref_slice %arg8[%dma_start3A_585, %dma_start3A_586, %dma_start3A_587] : memref<3x80x128xf32, #tpu.memory_space<vmem>> -> memref<1x80x128xf32, #tpu.memory_space<vmem>>
        %dma_start3A_589 = tpu.memref_squeeze %dma_start3A_588 : memref<1x80x128xf32, #tpu.memory_space<vmem>> -> memref<80x128xf32, #tpu.memory_space<vmem>>
        %dma_start3A_590 = arith.constant 0 : i32
        %dma_start3A_591 = tpu.memref_slice %arg6[%dma_start3A_584, %dma_start3A_590] : memref<3x80xi32, #tpu.memory_space<vmem>> -> memref<1x80xi32, #tpu.memory_space<vmem>>
        %dma_start3A_592 = tpu.memref_squeeze %dma_start3A_591 : memref<1x80xi32, #tpu.memory_space<vmem>> -> memref<80xi32, #tpu.memory_space<vmem>>
        %dma_start3A_593 = arith.constant 0 : i32
        %dma_start3A_594 = arith.constant 0 : i32
        %dma_start3A_595 = tpu.memref_slice %arg2[%dma_start3A_593, %dma_start3A_594] : memref<10000x128xf32, #tpu.memory_space<hbm>> -> memref<10000x128xf32, #tpu.memory_space<hbm>>
        tpu.enqueue_indirect_dma source(%dma_start3A_595 : memref<10000x128xf32, #tpu.memory_space<hbm>>) target(%dma_start3A_589 : memref<80x128xf32, #tpu.memory_space<vmem>>) offsets(%dma_start3A_592 : memref<80xi32, #tpu.memory_space<vmem>>) semaphore(%arg12 : memref<!tpu.dma_semaphore, #tpu.memory_space<semaphore_mem>>)
      } else {
      }
    }
    %scan3A_412 = arith.constant 42 : i32
    %barrier3A_413 = arith.constant 0 : index
    tpu.barrier barrier_id(%barrier3A_413)
    "tpu.region"() ({
      %run_scoped3A_414 = tpu.sem_alloc : memref<!tpu.dma_semaphore, #tpu.memory_space<semaphore_mem>>
      %dma_start3A_415 = arith.constant 0 : i32
      %dma_start3A_416 = tpu.memref_slice %arg4[%arg0, %mul3A_7, %dma_start3A_415] : memref<2x10112x128xf32, #tpu.memory_space<hbm>> -> memref<1x632x128xf32, #tpu.memory_space<hbm>>
      %dma_start3A_417 = tpu.memref_squeeze %dma_start3A_416 : memref<1x632x128xf32, #tpu.memory_space<hbm>> -> memref<632x128xf32, #tpu.memory_space<hbm>>
      %dma_start3A_418 = arith.constant 0 : i32
      %dma_start3A_419 = tpu.memref_slice %arg9[%mul3A_7, %dma_start3A_418] : memref<10112x128xf32, #tpu.memory_space<vmem_shared>> -> memref<632x128xf32, #tpu.memory_space<vmem_shared>>
      tpu.enqueue_dma source(%dma_start3A_419 : memref<632x128xf32, #tpu.memory_space<vmem_shared>>) target(%dma_start3A_417 : memref<632x128xf32, #tpu.memory_space<hbm>>) target_semaphore(%run_scoped3A_414 : memref<!tpu.dma_semaphore, #tpu.memory_space<semaphore_mem>>)
      %dma_wait3A = arith.constant 0 : i32
      %dma_wait3A_420 = tpu.memref_slice %arg4[%arg0, %mul3A_7, %dma_wait3A] : memref<2x10112x128xf32, #tpu.memory_space<hbm>> -> memref<1x632x128xf32, #tpu.memory_space<hbm>>
      %dma_wait3A_421 = tpu.memref_squeeze %dma_wait3A_420 : memref<1x632x128xf32, #tpu.memory_space<hbm>> -> memref<632x128xf32, #tpu.memory_space<hbm>>
      %dma_wait3A_422 = arith.constant 0 : i32
      %dma_wait3A_423 = tpu.memref_slice %arg9[%mul3A_7, %dma_wait3A_422] : memref<10112x128xf32, #tpu.memory_space<vmem_shared>> -> memref<632x128xf32, #tpu.memory_space<vmem_shared>>
      tpu.wait_dma2 semaphore(%run_scoped3A_414 : memref<!tpu.dma_semaphore, #tpu.memory_space<semaphore_mem>>) src(%dma_wait3A_423 : memref<632x128xf32, #tpu.memory_space<vmem_shared>>) dst(%dma_wait3A_421 : memref<632x128xf32, #tpu.memory_space<hbm>>)
      tpu.yield
    }) : () -> ()
    return
  }
}

#map = affine_map<(d0, d1) -> (0, 0, 0)>
#map1 = affine_map<(d0, d1) -> (0)>
module attributes {stable_mosaic.version = 14 : i64} {
  func.func @_sc_count_body(%arg0: i32, %arg1: i32, %arg2: memref<32x90x112xi32, #tpu.memory_space<hbm>>, %arg3: memref<20224xf32, #tpu.memory_space<hbm>>, %arg4: memref<90x112xi32, #tpu.memory_space<vmem>>, %arg5: memref<112xf32, #tpu.memory_space<vmem>>, %arg6: memref<128xf32, #tpu.memory_space<vmem>>, %arg7: memref<632xf32, #tpu.memory_space<vmem>>, %arg8: memref<10112xf32, #tpu.memory_space<vmem_shared>>) attributes {dimension_semantics = [#tpu.dimension_semantics<core_parallel>, #tpu.dimension_semantics<subcore_parallel>], iteration_bounds = array<i64: 2, 16>, scalar_prefetch = 0 : i64, scratch_operands = 5 : i64, tpu.core_type = #tpu.core_type<sc_vector_subcore>, window_params = [{transform_indices = #map}, {transform_indices = #map1}]} {
    %mul3A = arith.constant 2 : i32
    %mul3A_0 = arith.muli %arg1, %mul3A : i32
    %add3A = arith.addi %mul3A_0, %arg0 : i32
    %broadcast_in_dim3A = arith.constant 1.000000e+00 : f32
    %broadcast_in_dim3A_1 = vector.broadcast %broadcast_in_dim3A : f32 to vector<16xf32>
    %swap3A = arith.constant 0 : index
    %swap3A_2 = tpu.vector_load %arg5[%swap3A] {strides = array<i32>} : memref<112xf32, #tpu.memory_space<vmem>>, vector<16xf32>,
    %swap3A_3 = vector.shape_cast %swap3A_2 : vector<16xf32> to vector<16xf32>
    %swap3A_4 = vector.shape_cast %broadcast_in_dim3A_1 : vector<16xf32> to vector<16xf32>
    tpu.vector_store %arg5[%swap3A], %swap3A_4 {strides = array<i32>} : memref<112xf32, #tpu.memory_space<vmem>>, vector<16xf32>,
    %broadcast_in_dim3A_5 = arith.constant 1.000000e+00 : f32
    %broadcast_in_dim3A_6 = vector.broadcast %broadcast_in_dim3A_5 : f32 to vector<16xf32>
    %swap3A_7 = arith.constant 16 : index
    %swap3A_8 = tpu.vector_load %arg5[%swap3A_7] {strides = array<i32>} : memref<112xf32, #tpu.memory_space<vmem>>, vector<16xf32>,
    %swap3A_9 = vector.shape_cast %swap3A_8 : vector<16xf32> to vector<16xf32>
    %swap3A_10 = vector.shape_cast %broadcast_in_dim3A_6 : vector<16xf32> to vector<16xf32>
    tpu.vector_store %arg5[%swap3A_7], %swap3A_10 {strides = array<i32>} : memref<112xf32, #tpu.memory_space<vmem>>, vector<16xf32>,
    %broadcast_in_dim3A_11 = arith.constant 1.000000e+00 : f32
    %broadcast_in_dim3A_12 = vector.broadcast %broadcast_in_dim3A_11 : f32 to vector<16xf32>
    %swap3A_13 = arith.constant 32 : index
    %swap3A_14 = tpu.vector_load %arg5[%swap3A_13] {strides = array<i32>} : memref<112xf32, #tpu.memory_space<vmem>>, vector<16xf32>,
    %swap3A_15 = vector.shape_cast %swap3A_14 : vector<16xf32> to vector<16xf32>
    %swap3A_16 = vector.shape_cast %broadcast_in_dim3A_12 : vector<16xf32> to vector<16xf32>
    tpu.vector_store %arg5[%swap3A_13], %swap3A_16 {strides = array<i32>} : memref<112xf32, #tpu.memory_space<vmem>>, vector<16xf32>,
    %broadcast_in_dim3A_17 = arith.constant 1.000000e+00 : f32
    %broadcast_in_dim3A_18 = vector.broadcast %broadcast_in_dim3A_17 : f32 to vector<16xf32>
    %swap3A_19 = arith.constant 48 : index
    %swap3A_20 = tpu.vector_load %arg5[%swap3A_19] {strides = array<i32>} : memref<112xf32, #tpu.memory_space<vmem>>, vector<16xf32>,
    %swap3A_21 = vector.shape_cast %swap3A_20 : vector<16xf32> to vector<16xf32>
    %swap3A_22 = vector.shape_cast %broadcast_in_dim3A_18 : vector<16xf32> to vector<16xf32>
    tpu.vector_store %arg5[%swap3A_19], %swap3A_22 {strides = array<i32>} : memref<112xf32, #tpu.memory_space<vmem>>, vector<16xf32>,
    %broadcast_in_dim3A_23 = arith.constant 1.000000e+00 : f32
    %broadcast_in_dim3A_24 = vector.broadcast %broadcast_in_dim3A_23 : f32 to vector<16xf32>
    %swap3A_25 = arith.constant 64 : index
    %swap3A_26 = tpu.vector_load %arg5[%swap3A_25] {strides = array<i32>} : memref<112xf32, #tpu.memory_space<vmem>>, vector<16xf32>,
    %swap3A_27 = vector.shape_cast %swap3A_26 : vector<16xf32> to vector<16xf32>
    %swap3A_28 = vector.shape_cast %broadcast_in_dim3A_24 : vector<16xf32> to vector<16xf32>
    tpu.vector_store %arg5[%swap3A_25], %swap3A_28 {strides = array<i32>} : memref<112xf32, #tpu.memory_space<vmem>>, vector<16xf32>,
    %broadcast_in_dim3A_29 = arith.constant 1.000000e+00 : f32
    %broadcast_in_dim3A_30 = vector.broadcast %broadcast_in_dim3A_29 : f32 to vector<16xf32>
    %swap3A_31 = arith.constant 80 : index
    %swap3A_32 = tpu.vector_load %arg5[%swap3A_31] {strides = array<i32>} : memref<112xf32, #tpu.memory_space<vmem>>, vector<16xf32>,
    %swap3A_33 = vector.shape_cast %swap3A_32 : vector<16xf32> to vector<16xf32>
    %swap3A_34 = vector.shape_cast %broadcast_in_dim3A_30 : vector<16xf32> to vector<16xf32>
    tpu.vector_store %arg5[%swap3A_31], %swap3A_34 {strides = array<i32>} : memref<112xf32, #tpu.memory_space<vmem>>, vector<16xf32>,
    %broadcast_in_dim3A_35 = arith.constant 1.000000e+00 : f32
    %broadcast_in_dim3A_36 = vector.broadcast %broadcast_in_dim3A_35 : f32 to vector<16xf32>
    %swap3A_37 = arith.constant 96 : index
    %swap3A_38 = tpu.vector_load %arg5[%swap3A_37] {strides = array<i32>} : memref<112xf32, #tpu.memory_space<vmem>>, vector<16xf32>,
    %swap3A_39 = vector.shape_cast %swap3A_38 : vector<16xf32> to vector<16xf32>
    %swap3A_40 = vector.shape_cast %broadcast_in_dim3A_36 : vector<16xf32> to vector<16xf32>
    tpu.vector_store %arg5[%swap3A_37], %swap3A_40 {strides = array<i32>} : memref<112xf32, #tpu.memory_space<vmem>>, vector<16xf32>,
    %broadcast_in_dim3A_41 = arith.constant 0.000000e+00 : f32
    %broadcast_in_dim3A_42 = vector.broadcast %broadcast_in_dim3A_41 : f32 to vector<16xf32>
    %swap3A_43 = arith.constant 0 : index
    %swap3A_44 = tpu.vector_load %arg6[%swap3A_43] {strides = array<i32>} : memref<128xf32, #tpu.memory_space<vmem>>, vector<16xf32>,
    %swap3A_45 = vector.shape_cast %swap3A_44 : vector<16xf32> to vector<16xf32>
    %swap3A_46 = vector.shape_cast %broadcast_in_dim3A_42 : vector<16xf32> to vector<16xf32>
    tpu.vector_store %arg6[%swap3A_43], %swap3A_46 {strides = array<i32>} : memref<128xf32, #tpu.memory_space<vmem>>, vector<16xf32>,
    %broadcast_in_dim3A_47 = arith.constant 0.000000e+00 : f32
    %broadcast_in_dim3A_48 = vector.broadcast %broadcast_in_dim3A_47 : f32 to vector<16xf32>
    %swap3A_49 = arith.constant 16 : index
    %swap3A_50 = tpu.vector_load %arg6[%swap3A_49] {strides = array<i32>} : memref<128xf32, #tpu.memory_space<vmem>>, vector<16xf32>,
    %swap3A_51 = vector.shape_cast %swap3A_50 : vector<16xf32> to vector<16xf32>
    %swap3A_52 = vector.shape_cast %broadcast_in_dim3A_48 : vector<16xf32> to vector<16xf32>
    tpu.vector_store %arg6[%swap3A_49], %swap3A_52 {strides = array<i32>} : memref<128xf32, #tpu.memory_space<vmem>>, vector<16xf32>,
    %broadcast_in_dim3A_53 = arith.constant 0.000000e+00 : f32
    %broadcast_in_dim3A_54 = vector.broadcast %broadcast_in_dim3A_53 : f32 to vector<16xf32>
    %swap3A_55 = arith.constant 32 : index
    %swap3A_56 = tpu.vector_load %arg6[%swap3A_55] {strides = array<i32>} : memref<128xf32, #tpu.memory_space<vmem>>, vector<16xf32>,
    %swap3A_57 = vector.shape_cast %swap3A_56 : vector<16xf32> to vector<16xf32>
    %swap3A_58 = vector.shape_cast %broadcast_in_dim3A_54 : vector<16xf32> to vector<16xf32>
    tpu.vector_store %arg6[%swap3A_55], %swap3A_58 {strides = array<i32>} : memref<128xf32, #tpu.memory_space<vmem>>, vector<16xf32>,
    %broadcast_in_dim3A_59 = arith.constant 0.000000e+00 : f32
    %broadcast_in_dim3A_60 = vector.broadcast %broadcast_in_dim3A_59 : f32 to vector<16xf32>
    %swap3A_61 = arith.constant 48 : index
    %swap3A_62 = tpu.vector_load %arg6[%swap3A_61] {strides = array<i32>} : memref<128xf32, #tpu.memory_space<vmem>>, vector<16xf32>,
    %swap3A_63 = vector.shape_cast %swap3A_62 : vector<16xf32> to vector<16xf32>
    %swap3A_64 = vector.shape_cast %broadcast_in_dim3A_60 : vector<16xf32> to vector<16xf32>
    tpu.vector_store %arg6[%swap3A_61], %swap3A_64 {strides = array<i32>} : memref<128xf32, #tpu.memory_space<vmem>>, vector<16xf32>,
    %broadcast_in_dim3A_65 = arith.constant 0.000000e+00 : f32
    %broadcast_in_dim3A_66 = vector.broadcast %broadcast_in_dim3A_65 : f32 to vector<16xf32>
    %swap3A_67 = arith.constant 64 : index
    %swap3A_68 = tpu.vector_load %arg6[%swap3A_67] {strides = array<i32>} : memref<128xf32, #tpu.memory_space<vmem>>, vector<16xf32>,
    %swap3A_69 = vector.shape_cast %swap3A_68 : vector<16xf32> to vector<16xf32>
    %swap3A_70 = vector.shape_cast %broadcast_in_dim3A_66 : vector<16xf32> to vector<16xf32>
    tpu.vector_store %arg6[%swap3A_67], %swap3A_70 {strides = array<i32>} : memref<128xf32, #tpu.memory_space<vmem>>, vector<16xf32>,
    %broadcast_in_dim3A_71 = arith.constant 0.000000e+00 : f32
    %broadcast_in_dim3A_72 = vector.broadcast %broadcast_in_dim3A_71 : f32 to vector<16xf32>
    %swap3A_73 = arith.constant 80 : index
    %swap3A_74 = tpu.vector_load %arg6[%swap3A_73] {strides = array<i32>} : memref<128xf32, #tpu.memory_space<vmem>>, vector<16xf32>,
    %swap3A_75 = vector.shape_cast %swap3A_74 : vector<16xf32> to vector<16xf32>
    %swap3A_76 = vector.shape_cast %broadcast_in_dim3A_72 : vector<16xf32> to vector<16xf32>
    tpu.vector_store %arg6[%swap3A_73], %swap3A_76 {strides = array<i32>} : memref<128xf32, #tpu.memory_space<vmem>>, vector<16xf32>,
    %broadcast_in_dim3A_77 = arith.constant 0.000000e+00 : f32
    %broadcast_in_dim3A_78 = vector.broadcast %broadcast_in_dim3A_77 : f32 to vector<16xf32>
    %swap3A_79 = arith.constant 96 : index
    %swap3A_80 = tpu.vector_load %arg6[%swap3A_79] {strides = array<i32>} : memref<128xf32, #tpu.memory_space<vmem>>, vector<16xf32>,
    %swap3A_81 = vector.shape_cast %swap3A_80 : vector<16xf32> to vector<16xf32>
    %swap3A_82 = vector.shape_cast %broadcast_in_dim3A_78 : vector<16xf32> to vector<16xf32>
    tpu.vector_store %arg6[%swap3A_79], %swap3A_82 {strides = array<i32>} : memref<128xf32, #tpu.memory_space<vmem>>, vector<16xf32>,
    %broadcast_in_dim3A_83 = arith.constant 0.000000e+00 : f32
    %broadcast_in_dim3A_84 = vector.broadcast %broadcast_in_dim3A_83 : f32 to vector<16xf32>
    %swap3A_85 = arith.constant 112 : index
    %swap3A_86 = tpu.vector_load %arg6[%swap3A_85] {strides = array<i32>} : memref<128xf32, #tpu.memory_space<vmem>>, vector<16xf32>,
    %swap3A_87 = vector.shape_cast %swap3A_86 : vector<16xf32> to vector<16xf32>
    %swap3A_88 = vector.shape_cast %broadcast_in_dim3A_84 : vector<16xf32> to vector<16xf32>
    tpu.vector_store %arg6[%swap3A_85], %swap3A_88 {strides = array<i32>} : memref<128xf32, #tpu.memory_space<vmem>>, vector<16xf32>,
    %mul3A_89 = arith.constant 632 : i32
    %mul3A_90 = arith.muli %arg1, %mul3A_89 : i32
    %add3A_91 = arith.constant 0 : i32
    %add3A_92 = arith.addi %mul3A_90, %add3A_91 : i32
    "tpu.region"() ({
      %run_scoped3A = tpu.sem_alloc : memref<!tpu.dma_semaphore, #tpu.memory_space<semaphore_mem>>
      %dma_start3A = tpu.memref_slice %arg8[%add3A_92] : memref<10112xf32, #tpu.memory_space<vmem_shared>> -> memref<128xf32, #tpu.memory_space<vmem_shared>>
      %dma_start3A_110 = tpu.memref_slice %arg8[%add3A_92] : memref<10112xf32, #tpu.memory_space<vmem_shared>> -> memref<128xf32, #tpu.memory_space<vmem_shared>>
      tpu.enqueue_dma source(%arg6 : memref<128xf32, #tpu.memory_space<vmem>>) target(%dma_start3A_110 : memref<128xf32, #tpu.memory_space<vmem_shared>>) target_semaphore(%run_scoped3A : memref<!tpu.dma_semaphore, #tpu.memory_space<semaphore_mem>>)
      %dma_wait3A = tpu.memref_slice %arg8[%add3A_92] : memref<10112xf32, #tpu.memory_space<vmem_shared>> -> memref<128xf32, #tpu.memory_space<vmem_shared>>
      %dma_wait3A_111 = tpu.memref_slice %arg8[%add3A_92] : memref<10112xf32, #tpu.memory_space<vmem_shared>> -> memref<128xf32, #tpu.memory_space<vmem_shared>>
      tpu.wait_dma2 semaphore(%run_scoped3A : memref<!tpu.dma_semaphore, #tpu.memory_space<semaphore_mem>>) src(%arg6 : memref<128xf32, #tpu.memory_space<vmem>>) dst(%dma_wait3A_111 : memref<128xf32, #tpu.memory_space<vmem_shared>>)
      tpu.yield
    }) : () -> ()
    %add3A_93 = arith.constant 128 : i32
    %add3A_94 = arith.addi %mul3A_90, %add3A_93 : i32
    "tpu.region"() ({
      %run_scoped3A = tpu.sem_alloc : memref<!tpu.dma_semaphore, #tpu.memory_space<semaphore_mem>>
      %dma_start3A = tpu.memref_slice %arg8[%add3A_94] : memref<10112xf32, #tpu.memory_space<vmem_shared>> -> memref<128xf32, #tpu.memory_space<vmem_shared>>
      %dma_start3A_110 = tpu.memref_slice %arg8[%add3A_94] : memref<10112xf32, #tpu.memory_space<vmem_shared>> -> memref<128xf32, #tpu.memory_space<vmem_shared>>
      tpu.enqueue_dma source(%arg6 : memref<128xf32, #tpu.memory_space<vmem>>) target(%dma_start3A_110 : memref<128xf32, #tpu.memory_space<vmem_shared>>) target_semaphore(%run_scoped3A : memref<!tpu.dma_semaphore, #tpu.memory_space<semaphore_mem>>)
      %dma_wait3A = tpu.memref_slice %arg8[%add3A_94] : memref<10112xf32, #tpu.memory_space<vmem_shared>> -> memref<128xf32, #tpu.memory_space<vmem_shared>>
      %dma_wait3A_111 = tpu.memref_slice %arg8[%add3A_94] : memref<10112xf32, #tpu.memory_space<vmem_shared>> -> memref<128xf32, #tpu.memory_space<vmem_shared>>
      tpu.wait_dma2 semaphore(%run_scoped3A : memref<!tpu.dma_semaphore, #tpu.memory_space<semaphore_mem>>) src(%arg6 : memref<128xf32, #tpu.memory_space<vmem>>) dst(%dma_wait3A_111 : memref<128xf32, #tpu.memory_space<vmem_shared>>)
      tpu.yield
    }) : () -> ()
    %add3A_95 = arith.constant 256 : i32
    %add3A_96 = arith.addi %mul3A_90, %add3A_95 : i32
    "tpu.region"() ({
      %run_scoped3A = tpu.sem_alloc : memref<!tpu.dma_semaphore, #tpu.memory_space<semaphore_mem>>
      %dma_start3A = tpu.memref_slice %arg8[%add3A_96] : memref<10112xf32, #tpu.memory_space<vmem_shared>> -> memref<128xf32, #tpu.memory_space<vmem_shared>>
      %dma_start3A_110 = tpu.memref_slice %arg8[%add3A_96] : memref<10112xf32, #tpu.memory_space<vmem_shared>> -> memref<128xf32, #tpu.memory_space<vmem_shared>>
      tpu.enqueue_dma source(%arg6 : memref<128xf32, #tpu.memory_space<vmem>>) target(%dma_start3A_110 : memref<128xf32, #tpu.memory_space<vmem_shared>>) target_semaphore(%run_scoped3A : memref<!tpu.dma_semaphore, #tpu.memory_space<semaphore_mem>>)
      %dma_wait3A = tpu.memref_slice %arg8[%add3A_96] : memref<10112xf32, #tpu.memory_space<vmem_shared>> -> memref<128xf32, #tpu.memory_space<vmem_shared>>
      %dma_wait3A_111 = tpu.memref_slice %arg8[%add3A_96] : memref<10112xf32, #tpu.memory_space<vmem_shared>> -> memref<128xf32, #tpu.memory_space<vmem_shared>>
      tpu.wait_dma2 semaphore(%run_scoped3A : memref<!tpu.dma_semaphore, #tpu.memory_space<semaphore_mem>>) src(%arg6 : memref<128xf32, #tpu.memory_space<vmem>>) dst(%dma_wait3A_111 : memref<128xf32, #tpu.memory_space<vmem_shared>>)
      tpu.yield
    }) : () -> ()
    %add3A_97 = arith.constant 384 : i32
    %add3A_98 = arith.addi %mul3A_90, %add3A_97 : i32
    "tpu.region"() ({
      %run_scoped3A = tpu.sem_alloc : memref<!tpu.dma_semaphore, #tpu.memory_space<semaphore_mem>>
      %dma_start3A = tpu.memref_slice %arg8[%add3A_98] : memref<10112xf32, #tpu.memory_space<vmem_shared>> -> memref<128xf32, #tpu.memory_space<vmem_shared>>
      %dma_start3A_110 = tpu.memref_slice %arg8[%add3A_98] : memref<10112xf32, #tpu.memory_space<vmem_shared>> -> memref<128xf32, #tpu.memory_space<vmem_shared>>
      tpu.enqueue_dma source(%arg6 : memref<128xf32, #tpu.memory_space<vmem>>) target(%dma_start3A_110 : memref<128xf32, #tpu.memory_space<vmem_shared>>) target_semaphore(%run_scoped3A : memref<!tpu.dma_semaphore, #tpu.memory_space<semaphore_mem>>)
      %dma_wait3A = tpu.memref_slice %arg8[%add3A_98] : memref<10112xf32, #tpu.memory_space<vmem_shared>> -> memref<128xf32, #tpu.memory_space<vmem_shared>>
      %dma_wait3A_111 = tpu.memref_slice %arg8[%add3A_98] : memref<10112xf32, #tpu.memory_space<vmem_shared>> -> memref<128xf32, #tpu.memory_space<vmem_shared>>
      tpu.wait_dma2 semaphore(%run_scoped3A : memref<!tpu.dma_semaphore, #tpu.memory_space<semaphore_mem>>) src(%arg6 : memref<128xf32, #tpu.memory_space<vmem>>) dst(%dma_wait3A_111 : memref<128xf32, #tpu.memory_space<vmem_shared>>)
      tpu.yield
    }) : () -> ()
    %add3A_99 = arith.constant 512 : i32
    %add3A_100 = arith.addi %mul3A_90, %add3A_99 : i32
    "tpu.region"() ({
      %run_scoped3A = tpu.sem_alloc : memref<!tpu.dma_semaphore, #tpu.memory_space<semaphore_mem>>
      %dma_start3A = arith.constant 0 : i32
      %dma_start3A_110 = tpu.memref_slice %arg6[%dma_start3A] : memref<128xf32, #tpu.memory_space<vmem>> -> memref<120xf32, #tpu.memory_space<vmem>>
      %dma_start3A_111 = tpu.memref_slice %arg8[%add3A_100] : memref<10112xf32, #tpu.memory_space<vmem_shared>> -> memref<120xf32, #tpu.memory_space<vmem_shared>>
      %dma_start3A_112 = tpu.memref_slice %arg8[%add3A_100] : memref<10112xf32, #tpu.memory_space<vmem_shared>> -> memref<120xf32, #tpu.memory_space<vmem_shared>>
      %dma_start3A_113 = arith.constant 0 : i32
      %dma_start3A_114 = tpu.memref_slice %arg6[%dma_start3A_113] : memref<128xf32, #tpu.memory_space<vmem>> -> memref<120xf32, #tpu.memory_space<vmem>>
      tpu.enqueue_dma source(%dma_start3A_114 : memref<120xf32, #tpu.memory_space<vmem>>) target(%dma_start3A_112 : memref<120xf32, #tpu.memory_space<vmem_shared>>) target_semaphore(%run_scoped3A : memref<!tpu.dma_semaphore, #tpu.memory_space<semaphore_mem>>)
      %dma_wait3A = arith.constant 0 : i32
      %dma_wait3A_115 = tpu.memref_slice %arg6[%dma_wait3A] : memref<128xf32, #tpu.memory_space<vmem>> -> memref<120xf32, #tpu.memory_space<vmem>>
      %dma_wait3A_116 = tpu.memref_slice %arg8[%add3A_100] : memref<10112xf32, #tpu.memory_space<vmem_shared>> -> memref<120xf32, #tpu.memory_space<vmem_shared>>
      %dma_wait3A_117 = tpu.memref_slice %arg8[%add3A_100] : memref<10112xf32, #tpu.memory_space<vmem_shared>> -> memref<120xf32, #tpu.memory_space<vmem_shared>>
      %dma_wait3A_118 = arith.constant 0 : i32
      %dma_wait3A_119 = tpu.memref_slice %arg6[%dma_wait3A_118] : memref<128xf32, #tpu.memory_space<vmem>> -> memref<120xf32, #tpu.memory_space<vmem>>
      tpu.wait_dma2 semaphore(%run_scoped3A : memref<!tpu.dma_semaphore, #tpu.memory_space<semaphore_mem>>) src(%dma_wait3A_119 : memref<120xf32, #tpu.memory_space<vmem>>) dst(%dma_wait3A_117 : memref<120xf32, #tpu.memory_space<vmem_shared>>)
      tpu.yield
    }) : () -> ()
    %barrier3A = arith.constant 0 : index
    tpu.barrier barrier_id(%barrier3A)
    "tpu.region"() ({
      %run_scoped3A = tpu.sem_alloc : memref<!tpu.dma_semaphore, #tpu.memory_space<semaphore_mem>>
      %dma_start3A = arith.constant 0 : i32
      %dma_start3A_110 = arith.constant 0 : i32
      %dma_start3A_111 = tpu.memref_slice %arg2[%add3A, %dma_start3A, %dma_start3A_110] : memref<32x90x112xi32, #tpu.memory_space<hbm>> -> memref<1x90x112xi32, #tpu.memory_space<hbm>>
      %dma_start3A_112 = tpu.memref_squeeze %dma_start3A_111 : memref<1x90x112xi32, #tpu.memory_space<hbm>> -> memref<90x112xi32, #tpu.memory_space<hbm>>
      %dma_start3A_113 = arith.constant 0 : i32
      %dma_start3A_114 = arith.constant 0 : i32
      %dma_start3A_115 = tpu.memref_slice %arg2[%add3A, %dma_start3A_113, %dma_start3A_114] : memref<32x90x112xi32, #tpu.memory_space<hbm>> -> memref<1x90x112xi32, #tpu.memory_space<hbm>>
      %dma_start3A_116 = tpu.memref_squeeze %dma_start3A_115 : memref<1x90x112xi32, #tpu.memory_space<hbm>> -> memref<90x112xi32, #tpu.memory_space<hbm>>
      tpu.enqueue_dma source(%dma_start3A_116 : memref<90x112xi32, #tpu.memory_space<hbm>>) target(%arg4 : memref<90x112xi32, #tpu.memory_space<vmem>>) target_semaphore(%run_scoped3A : memref<!tpu.dma_semaphore, #tpu.memory_space<semaphore_mem>>)
      %dma_wait3A = arith.constant 0 : i32
      %dma_wait3A_117 = arith.constant 0 : i32
      %dma_wait3A_118 = tpu.memref_slice %arg2[%add3A, %dma_wait3A, %dma_wait3A_117] : memref<32x90x112xi32, #tpu.memory_space<hbm>> -> memref<1x90x112xi32, #tpu.memory_space<hbm>>
      %dma_wait3A_119 = tpu.memref_squeeze %dma_wait3A_118 : memref<1x90x112xi32, #tpu.memory_space<hbm>> -> memref<90x112xi32, #tpu.memory_space<hbm>>
      %dma_wait3A_120 = arith.constant 0 : i32
      %dma_wait3A_121 = arith.constant 0 : i32
      %dma_wait3A_122 = tpu.memref_slice %arg2[%add3A, %dma_wait3A_120, %dma_wait3A_121] : memref<32x90x112xi32, #tpu.memory_space<hbm>> -> memref<1x90x112xi32, #tpu.memory_space<hbm>>
      %dma_wait3A_123 = tpu.memref_squeeze %dma_wait3A_122 : memref<1x90x112xi32, #tpu.memory_space<hbm>> -> memref<90x112xi32, #tpu.memory_space<hbm>>
      tpu.wait_dma2 semaphore(%run_scoped3A : memref<!tpu.dma_semaphore, #tpu.memory_space<semaphore_mem>>) src(%dma_wait3A_123 : memref<90x112xi32, #tpu.memory_space<hbm>>) dst(%arg4 : memref<90x112xi32, #tpu.memory_space<vmem>>)
      tpu.yield
    }) : () -> ()
    %scan3A = arith.constant 0 : i32
    %scan3A_101 = arith.constant 0 : i32
    %scan3A_102 = arith.constant 90 : i32
    %scan3A_103 = arith.addi %scan3A_101, %scan3A_102 : i32
    %scan3A_104 = arith.constant 1 : i32
    scf.for %scan3A_110 = %scan3A_101 to %scan3A_103 step %scan3A_104  : i32 {
      "tpu.region"() ({
        %run_scoped3A = tpu.sem_alloc : memref<!tpu.dma_semaphore, #tpu.memory_space<semaphore_mem>>
        %dma_start3A = arith.constant 0 : i32
        %dma_start3A_111 = tpu.memref_slice %arg4[%scan3A_110, %dma_start3A] : memref<90x112xi32, #tpu.memory_space<vmem>> -> memref<1x112xi32, #tpu.memory_space<vmem>>
        %dma_start3A_112 = tpu.memref_squeeze %dma_start3A_111 : memref<1x112xi32, #tpu.memory_space<vmem>> -> memref<112xi32, #tpu.memory_space<vmem>>
        %dma_start3A_113 = arith.constant 0 : i32
        %dma_start3A_114 = tpu.memref_slice %arg8[%dma_start3A_113] : memref<10112xf32, #tpu.memory_space<vmem_shared>> -> memref<10112xf32, #tpu.memory_space<vmem_shared>>
        tpu.enqueue_indirect_dma source(%arg5 : memref<112xf32, #tpu.memory_space<vmem>>) target(%dma_start3A_114 : memref<10112xf32, #tpu.memory_space<vmem_shared>>) offsets(%dma_start3A_112 : memref<112xi32, #tpu.memory_space<vmem>>) semaphore(%run_scoped3A : memref<!tpu.dma_semaphore, #tpu.memory_space<semaphore_mem>>) {add = true}
        %dma_wait3A = arith.constant 0 : i32
        %dma_wait3A_115 = tpu.memref_slice %arg4[%scan3A_110, %dma_wait3A] : memref<90x112xi32, #tpu.memory_space<vmem>> -> memref<1x112xi32, #tpu.memory_space<vmem>>
        %dma_wait3A_116 = tpu.memref_squeeze %dma_wait3A_115 : memref<1x112xi32, #tpu.memory_space<vmem>> -> memref<112xi32, #tpu.memory_space<vmem>>
        %dma_wait3A_117 = arith.constant 0 : i32
        %dma_wait3A_118 = tpu.memref_slice %arg8[%dma_wait3A_117] : memref<10112xf32, #tpu.memory_space<vmem_shared>> -> memref<10112xf32, #tpu.memory_space<vmem_shared>>
        tpu.wait_indirect_dma semaphore(%run_scoped3A : memref<!tpu.dma_semaphore, #tpu.memory_space<semaphore_mem>>) src(%arg5 : memref<112xf32, #tpu.memory_space<vmem>>) dst(%dma_wait3A_118 : memref<10112xf32, #tpu.memory_space<vmem_shared>>)
        tpu.yield
      }) : () -> ()
    }
    %scan3A_105 = arith.constant 90 : i32
    %barrier3A_106 = arith.constant 0 : index
    tpu.barrier barrier_id(%barrier3A_106)
    "tpu.region"() ({
      %run_scoped3A = tpu.sem_alloc : memref<!tpu.dma_semaphore, #tpu.memory_space<semaphore_mem>>
      %dma_start3A = tpu.memref_slice %arg8[%mul3A_90] : memref<10112xf32, #tpu.memory_space<vmem_shared>> -> memref<632xf32, #tpu.memory_space<vmem_shared>>
      %dma_start3A_110 = tpu.memref_slice %arg8[%mul3A_90] : memref<10112xf32, #tpu.memory_space<vmem_shared>> -> memref<632xf32, #tpu.memory_space<vmem_shared>>
      tpu.enqueue_dma source(%dma_start3A_110 : memref<632xf32, #tpu.memory_space<vmem_shared>>) target(%arg7 : memref<632xf32, #tpu.memory_space<vmem>>) target_semaphore(%run_scoped3A : memref<!tpu.dma_semaphore, #tpu.memory_space<semaphore_mem>>)
      %dma_wait3A = tpu.memref_slice %arg8[%mul3A_90] : memref<10112xf32, #tpu.memory_space<vmem_shared>> -> memref<632xf32, #tpu.memory_space<vmem_shared>>
      %dma_wait3A_111 = tpu.memref_slice %arg8[%mul3A_90] : memref<10112xf32, #tpu.memory_space<vmem_shared>> -> memref<632xf32, #tpu.memory_space<vmem_shared>>
      tpu.wait_dma2 semaphore(%run_scoped3A : memref<!tpu.dma_semaphore, #tpu.memory_space<semaphore_mem>>) src(%dma_wait3A_111 : memref<632xf32, #tpu.memory_space<vmem_shared>>) dst(%arg7 : memref<632xf32, #tpu.memory_space<vmem>>)
      tpu.yield
    }) : () -> ()
    %mul3A_107 = arith.constant 10112 : i32
    %mul3A_108 = arith.muli %arg0, %mul3A_107 : i32
    %add3A_109 = arith.addi %mul3A_108, %mul3A_90 : i32
    "tpu.region"() ({
      %run_scoped3A = tpu.sem_alloc : memref<!tpu.dma_semaphore, #tpu.memory_space<semaphore_mem>>
      %dma_start3A = tpu.memref_slice %arg3[%add3A_109] : memref<20224xf32, #tpu.memory_space<hbm>> -> memref<632xf32, #tpu.memory_space<hbm>>
      %dma_start3A_110 = tpu.memref_slice %arg3[%add3A_109] : memref<20224xf32, #tpu.memory_space<hbm>> -> memref<632xf32, #tpu.memory_space<hbm>>
      tpu.enqueue_dma source(%arg7 : memref<632xf32, #tpu.memory_space<vmem>>) target(%dma_start3A_110 : memref<632xf32, #tpu.memory_space<hbm>>) target_semaphore(%run_scoped3A : memref<!tpu.dma_semaphore, #tpu.memory_space<semaphore_mem>>)
      %dma_wait3A = tpu.memref_slice %arg3[%add3A_109] : memref<20224xf32, #tpu.memory_space<hbm>> -> memref<632xf32, #tpu.memory_space<hbm>>
      %dma_wait3A_111 = tpu.memref_slice %arg3[%add3A_109] : memref<20224xf32, #tpu.memory_space<hbm>> -> memref<632xf32, #tpu.memory_space<hbm>>
      tpu.wait_dma2 semaphore(%run_scoped3A : memref<!tpu.dma_semaphore, #tpu.memory_space<semaphore_mem>>) src(%arg7 : memref<632xf32, #tpu.memory_space<vmem>>) dst(%dma_wait3A_111 : memref<632xf32, #tpu.memory_space<hbm>>)
      tpu.yield
    }) : () -> ()
    return
  }
}

module attributes {stable_mosaic.version = 14 : i64} {
  func.func @_tc_mm_body(%arg0: i32, %arg1: memref<2000x128xf32, #tpu.memory_space<vmem>>, %arg2: memref<128x128xf32, #tpu.memory_space<vmem>>, %arg3: memref<2000x128xf32, #tpu.memory_space<vmem>>) attributes {dimension_semantics = [#tpu.dimension_semantics<arbitrary>], iteration_bounds = array<i64: 5>, scalar_prefetch = 0 : i64, scratch_operands = 0 : i64, tpu.core_type = #tpu.core_type<tc>, window_params = [{transform_indices = @transform_0, window_bounds = array<i64: 2000, 128>}, {pipeline_mode = #tpu.pipeline_mode<synchronous>, transform_indices = @transform_1, window_bounds = array<i64: 128, 128>}, {transform_indices = @transform_2, window_bounds = array<i64: 2000, 128>}]} {
    %get3A = arith.constant 0 : index
    %get3A_0 = arith.constant 0 : index
    %get3A_1 = vector.load %arg1[%get3A, %get3A_0] : memref<2000x128xf32, #tpu.memory_space<vmem>>, vector<2000x128xf32>
    %get3A_2 = arith.constant 0 : index
    %get3A_3 = arith.constant 0 : index
    %get3A_4 = vector.load %arg2[%get3A_2, %get3A_3] : memref<128x128xf32, #tpu.memory_space<vmem>>, vector<128x128xf32>
    %dot_general3A = arith.constant dense<0.000000e+00> : vector<2000x128xf32>
    %dot_general3A_5 = tpu.matmul %get3A_1, %get3A_4, %dot_general3A {dimension_numbers = #tpu.dot_dimension_numbers<[1], [0], [0], [1], [0, 0, 1, 1], [], []>, transpose_lhs_hint = false} : vector<2000x128xf32>, vector<128x128xf32>, vector<2000x128xf32> -> vector<2000x128xf32>
    %swap3A = arith.constant 0 : index
    %swap3A_6 = arith.constant 0 : index
    %swap3A_7 = vector.load %arg3[%swap3A, %swap3A_6] : memref<2000x128xf32, #tpu.memory_space<vmem>>, vector<2000x128xf32>
    tpu.vector_store %arg3[%swap3A, %swap3A_6], %dot_general3A_5 {strides = array<i32>} : memref<2000x128xf32, #tpu.memory_space<vmem>>, vector<2000x128xf32>,
    return
  }
  func.func @transform_0(%arg0: i32) -> (i32, i32) {
    %c0_i32 = arith.constant 0 : i32
    %c0_i32_0 = arith.constant 0 : i32
    return %arg0, %c0_i32 : i32, i32
  }
  func.func @transform_1(%arg0: i32) -> (i32, i32) {
    %c0_i32 = arith.constant 0 : i32
    %c0_i32_0 = arith.constant 0 : i32
    %c0_i32_1 = arith.constant 0 : i32
    return %c0_i32, %c0_i32_0 : i32, i32
  }
  func.func @transform_2(%arg0: i32) -> (i32, i32) {
    %c0_i32 = arith.constant 0 : i32
    %c0_i32_0 = arith.constant 0 : i32
    return %arg0, %c0_i32 : i32, i32
  }
}

module attributes {stable_mosaic.version = 14 : i64} {
  func.func @_tc_scale_body(%arg0: i32, %arg1: memref<2000x128xf32, #tpu.memory_space<vmem>>, %arg2: memref<2000x1xf32, #tpu.memory_space<vmem>>, %arg3: memref<2000x128xf32, #tpu.memory_space<vmem>>) attributes {dimension_semantics = [#tpu.dimension_semantics<arbitrary>], iteration_bounds = array<i64: 5>, scalar_prefetch = 0 : i64, scratch_operands = 0 : i64, tpu.core_type = #tpu.core_type<tc>, window_params = [{transform_indices = @transform_0, window_bounds = array<i64: 2000, 128>}, {transform_indices = @transform_1, window_bounds = array<i64: 2000, 1>}, {transform_indices = @transform_2, window_bounds = array<i64: 2000, 128>}]} {
    %get3A = arith.constant 0 : index
    %get3A_0 = arith.constant 0 : index
    %get3A_1 = vector.load %arg2[%get3A, %get3A_0] : memref<2000x1xf32, #tpu.memory_space<vmem>>, vector<2000x1xf32>
    %add3A = arith.constant 1.000000e+00 : f32
    %add3A_2 = vector.broadcast %add3A : f32 to vector<2000x1xf32>
    %add3A_3 = arith.addf %get3A_1, %add3A_2 : vector<2000x1xf32>
    %rsqrt3A = math.rsqrt %add3A_3 : vector<2000x1xf32>
    %get3A_4 = arith.constant 0 : index
    %get3A_5 = arith.constant 0 : index
    %get3A_6 = vector.load %arg1[%get3A_4, %get3A_5] : memref<2000x128xf32, #tpu.memory_space<vmem>>, vector<2000x128xf32>
    %mul3A = vector.broadcast %rsqrt3A : vector<2000x1xf32> to vector<2000x128xf32>
    %mul3A_7 = arith.mulf %get3A_6, %mul3A : vector<2000x128xf32>
    %swap3A = arith.constant 0 : index
    %swap3A_8 = arith.constant 0 : index
    %swap3A_9 = vector.load %arg3[%swap3A, %swap3A_8] : memref<2000x128xf32, #tpu.memory_space<vmem>>, vector<2000x128xf32>
    tpu.vector_store %arg3[%swap3A, %swap3A_8], %mul3A_7 {strides = array<i32>} : memref<2000x128xf32, #tpu.memory_space<vmem>>, vector<2000x128xf32>,
    return
  }
  func.func @transform_0(%arg0: i32) -> (i32, i32) {
    %c0_i32 = arith.constant 0 : i32
    %c0_i32_0 = arith.constant 0 : i32
    return %arg0, %c0_i32 : i32, i32
  }
  func.func @transform_1(%arg0: i32) -> (i32, i32) {
    %c0_i32 = arith.constant 0 : i32
    %c0_i32_0 = arith.constant 0 : i32
    return %arg0, %c0_i32 : i32, i32
  }
  func.func @transform_2(%arg0: i32) -> (i32, i32) {
    %c0_i32 = arith.constant 0 : i32
    %c0_i32_0 = arith.constant 0 : i32
    return %arg0, %c0_i32 : i32, i32
  }
}

module attributes {stable_mosaic.version = 14 : i64} {
  func.func @_tc2_body(%arg0: i32, %arg1: memref<1x2000x128xf32, #tpu.memory_space<vmem>>, %arg2: memref<1x2000x128xf32, #tpu.memory_space<vmem>>, %arg3: memref<2000x128xf32, #tpu.memory_space<vmem>>, %arg4: memref<2000x1xf32, #tpu.memory_space<vmem>>, %arg5: memref<2000x128xf32, #tpu.memory_space<vmem>>, %arg6: memref<1x128xf32, #tpu.memory_space<vmem>>, %arg7: memref<128x128xf32, #tpu.memory_space<vmem>>, %arg8: memref<1x128xf32, #tpu.memory_space<vmem>>, %arg9: memref<2000x128xf32, #tpu.memory_space<vmem>>) attributes {dimension_semantics = [#tpu.dimension_semantics<arbitrary>], iteration_bounds = array<i64: 5>, scalar_prefetch = 0 : i64, scratch_operands = 0 : i64, tpu.core_type = #tpu.core_type<tc>, window_params = [{transform_indices = @transform_0, window_bounds = array<i64: 1, 2000, 128>}, {transform_indices = @transform_1, window_bounds = array<i64: 1, 2000, 128>}, {transform_indices = @transform_2, window_bounds = array<i64: 2000, 128>}, {transform_indices = @transform_3, window_bounds = array<i64: 2000, 1>}, {transform_indices = @transform_4, window_bounds = array<i64: 2000, 128>}, {pipeline_mode = #tpu.pipeline_mode<synchronous>, transform_indices = @transform_5, window_bounds = array<i64: 1, 128>}, {pipeline_mode = #tpu.pipeline_mode<synchronous>, transform_indices = @transform_6, window_bounds = array<i64: 128, 128>}, {pipeline_mode = #tpu.pipeline_mode<synchronous>, transform_indices = @transform_7, window_bounds = array<i64: 1, 128>}, {transform_indices = @transform_8, window_bounds = array<i64: 2000, 128>}]} {
    %get3A = arith.constant 0 : index
    %get3A_0 = arith.constant 0 : index
    %get3A_1 = vector.load %arg4[%get3A, %get3A_0] : memref<2000x1xf32, #tpu.memory_space<vmem>>, vector<2000x1xf32>
    %add3A = arith.constant 1.000000e+00 : f32
    %add3A_2 = vector.broadcast %add3A : f32 to vector<2000x1xf32>
    %add3A_3 = arith.addf %get3A_1, %add3A_2 : vector<2000x1xf32>
    %rsqrt3A = math.rsqrt %add3A_3 : vector<2000x1xf32>
    %get3A_4 = arith.constant 0 : index
    %get3A_5 = arith.constant 0 : index
    %get3A_6 = arith.constant 0 : index
    %get3A_7 = vector.load %arg1[%get3A_4, %get3A_5, %get3A_6] : memref<1x2000x128xf32, #tpu.memory_space<vmem>>, vector<1x2000x128xf32>
    %get3A_8 = vector.shape_cast %get3A_7 : vector<1x2000x128xf32> to vector<2000x128xf32>
    %get3A_9 = arith.constant 0 : index
    %get3A_10 = arith.constant 0 : index
    %get3A_11 = arith.constant 0 : index
    %get3A_12 = vector.load %arg2[%get3A_9, %get3A_10, %get3A_11] : memref<1x2000x128xf32, #tpu.memory_space<vmem>>, vector<1x2000x128xf32>
    %get3A_13 = vector.shape_cast %get3A_12 : vector<1x2000x128xf32> to vector<2000x128xf32>
    %add3A_14 = arith.addf %get3A_8, %get3A_13 : vector<2000x128xf32>
    %get3A_15 = arith.constant 0 : index
    %get3A_16 = arith.constant 0 : index
    %get3A_17 = vector.load %arg3[%get3A_15, %get3A_16] : memref<2000x128xf32, #tpu.memory_space<vmem>>, vector<2000x128xf32>
    %add3A_18 = arith.addf %add3A_14, %get3A_17 : vector<2000x128xf32>
    %mul3A = vector.broadcast %rsqrt3A : vector<2000x1xf32> to vector<2000x128xf32>
    %mul3A_19 = arith.mulf %add3A_18, %mul3A : vector<2000x128xf32>
    %get3A_20 = arith.constant 0 : index
    %get3A_21 = arith.constant 0 : index
    %get3A_22 = vector.load %arg6[%get3A_20, %get3A_21] : memref<1x128xf32, #tpu.memory_space<vmem>>, vector<1x128xf32>
    %add3A_23 = vector.broadcast %get3A_22 : vector<1x128xf32> to vector<2000x128xf32>
    %add3A_24 = arith.addf %mul3A_19, %add3A_23 : vector<2000x128xf32>
    %max3A = arith.constant 0.000000e+00 : f32
    %max3A_25 = vector.broadcast %max3A : f32 to vector<2000x128xf32>
    %max3A_26 = arith.maximumf %add3A_24, %max3A_25 : vector<2000x128xf32>
    %get3A_27 = arith.constant 0 : index
    %get3A_28 = arith.constant 0 : index
    %get3A_29 = vector.load %arg7[%get3A_27, %get3A_28] : memref<128x128xf32, #tpu.memory_space<vmem>>, vector<128x128xf32>
    %dot_general3A = arith.constant dense<0.000000e+00> : vector<2000x128xf32>
    %dot_general3A_30 = tpu.matmul %max3A_26, %get3A_29, %dot_general3A {dimension_numbers = #tpu.dot_dimension_numbers<[1], [0], [0], [1], [0, 0, 1, 1], [], []>, transpose_lhs_hint = false} : vector<2000x128xf32>, vector<128x128xf32>, vector<2000x128xf32> -> vector<2000x128xf32>
    %get3A_31 = arith.constant 0 : index
    %get3A_32 = arith.constant 0 : index
    %get3A_33 = vector.load %arg8[%get3A_31, %get3A_32] : memref<1x128xf32, #tpu.memory_space<vmem>>, vector<1x128xf32>
    %add3A_34 = vector.broadcast %get3A_33 : vector<1x128xf32> to vector<2000x128xf32>
    %add3A_35 = arith.addf %dot_general3A_30, %add3A_34 : vector<2000x128xf32>
    %max3A_36 = arith.constant 0.000000e+00 : f32
    %max3A_37 = vector.broadcast %max3A_36 : f32 to vector<2000x128xf32>
    %max3A_38 = arith.maximumf %add3A_35, %max3A_37 : vector<2000x128xf32>
    %get3A_39 = arith.constant 0 : index
    %get3A_40 = arith.constant 0 : index
    %get3A_41 = vector.load %arg5[%get3A_39, %get3A_40] : memref<2000x128xf32, #tpu.memory_space<vmem>>, vector<2000x128xf32>
    %add3A_42 = arith.addf %max3A_38, %get3A_41 : vector<2000x128xf32>
    %swap3A = arith.constant 0 : index
    %swap3A_43 = arith.constant 0 : index
    %swap3A_44 = vector.load %arg9[%swap3A, %swap3A_43] : memref<2000x128xf32, #tpu.memory_space<vmem>>, vector<2000x128xf32>
    tpu.vector_store %arg9[%swap3A, %swap3A_43], %add3A_42 {strides = array<i32>} : memref<2000x128xf32, #tpu.memory_space<vmem>>, vector<2000x128xf32>,
    return
  }
  func.func @transform_0(%arg0: i32) -> (i32, i32, i32) {
    %c0_i32 = arith.constant 0 : i32
    %c0_i32_0 = arith.constant 0 : i32
    %c0_i32_1 = arith.constant 0 : i32
    return %c0_i32, %arg0, %c0_i32_0 : i32, i32, i32
  }
  func.func @transform_1(%arg0: i32) -> (i32, i32, i32) {
    %c1_i32 = arith.constant 1 : i32
    %c0_i32 = arith.constant 0 : i32
    %c0_i32_0 = arith.constant 0 : i32
    return %c1_i32, %arg0, %c0_i32 : i32, i32, i32
  }
  func.func @transform_2(%arg0: i32) -> (i32, i32) {
    %c0_i32 = arith.constant 0 : i32
    %c0_i32_0 = arith.constant 0 : i32
    return %arg0, %c0_i32 : i32, i32
  }
  func.func @transform_3(%arg0: i32) -> (i32, i32) {
    %c0_i32 = arith.constant 0 : i32
    %c0_i32_0 = arith.constant 0 : i32
    return %arg0, %c0_i32 : i32, i32
  }
  func.func @transform_4(%arg0: i32) -> (i32, i32) {
    %c0_i32 = arith.constant 0 : i32
    %c0_i32_0 = arith.constant 0 : i32
    return %arg0, %c0_i32 : i32, i32
  }
  func.func @transform_5(%arg0: i32) -> (i32, i32) {
    %c0_i32 = arith.constant 0 : i32
    %c0_i32_0 = arith.constant 0 : i32
    %c0_i32_1 = arith.constant 0 : i32
    return %c0_i32, %c0_i32_0 : i32, i32
  }
  func.func @transform_6(%arg0: i32) -> (i32, i32) {
    %c0_i32 = arith.constant 0 : i32
    %c0_i32_0 = arith.constant 0 : i32
    %c0_i32_1 = arith.constant 0 : i32
    return %c0_i32, %c0_i32_0 : i32, i32
  }
  func.func @transform_7(%arg0: i32) -> (i32, i32) {
    %c0_i32 = arith.constant 0 : i32
    %c0_i32_0 = arith.constant 0 : i32
    %c0_i32_1 = arith.constant 0 : i32
    return %c0_i32, %c0_i32_0 : i32, i32
  }
  func.func @transform_8(%arg0: i32) -> (i32, i32) {
    %c0_i32 = arith.constant 0 : i32
    %c0_i32_0 = arith.constant 0 : i32
    return %arg0, %c0_i32 : i32, i32
  }
}

</mosaic_0001>

<sc_bundles>
// kernel: kernel.10.cloned.1.call-start
scs
__scs_entry_jumppad:
0x0: {  	(pc) =	sbr.rel $0x88, $3  }
0x1: {  	(tag) =	ssettag $0x0;
	lr =	simm.s32 $0x1  }
0x2: {  	[smem:$0x3F9B] =	sst lr;
	_ =	strace $0xD0000000  }
0x3: {  	_ = 	snop  }
0x4: {  	_ = 	snop  }
0x5: {  	_ = 	snop  }
0x6: {  	_ = 	snop  }
0x7: {  	_ = 	snop  }
__scs_overlays_trampoline_lowered:
0x8: {  	[smem:$0x3FAA] =	sst s0  }
0x9: {  	[smem:$0x3FAB] =	sst s1  }
0xa: {  	[smem:$0x3FAC] =	sst s2  }
0xb: {  	[smem:$0x3FAD] =	sst s3  }
0xc: {  	[smem:$0x3FAE] =	sst s4  }
0xd: {  	[smem:$0x3FAF] =	sst s5  }
0xe: {  	[smem:$0x3FB0] =	sst s6  }
0xf: {  	[smem:$0x3FB1] =	sst s7  }
0x10: {  	[smem:$0x3FB2] =	sst s8  }
0x11: {  	[smem:$0x3FB3] =	sst s9;
	s0 =	simm.s32 @!p0 $0x0  }
0x12: {  	s1 =	sld [smem:$0x3F99];
	s0 =	simm.s32 @p0 $0x1  }
0x13: {  	[smem:$0x3FB4] =	sst s0;
	s0 =	simm.s32 @!p1 $0x0  }
0x14: {  	s2 =	sld [smem:$0x3F98];
	s0 =	simm.s32 @p1 $0x1  }
0x15: {  	[smem:$0x3FB5] =	sst s0;
	s0 =	simm.s32 @!p2 $0x0  }
0x16: {  	s3 =	sld [smem:$0x3FDB];
	s0 =	simm.s32 @p2 $0x1  }
0x17: {  	s4 =	simm.s32 $0x1BF5;
	[smem:$0x3FB7] =	sst s0  }
0x18: {  	s0 =	sld [smem:$0x3F9A];
	_ =	swait.ge [sflag:s4], $0x0  }
0x19: {  	s7 =	sld [smem:$0x3F9B]  }
0x1a: {  	s8 =	sadd.s32 $0xFFFFE003, lr  }
0x1b: {  	s9 =	sadd.s32 $0xFFFFFEF7, lr;
	s5 =	simm.s32 $0xFFFFFFFF;
	p2 =	slt.u32 s8, $0xFFFFF086  }
0x1c: {  	p1 =	slt.u32 s9, $0xF7A;
	s5 =	simm.s32 @!p2 $0x0  }
0x1d: {  	s5 =	simm.s32 @p1 $0x1;
	p0 =	seq.s32 s7, s2  }
0x1e: {  	s7 =	smul.u32 @!p0 $0xF7A, s2;
	p2 =	seq.s32 @!p0 s5, $0x0  }
0x1f: {  	s9 =	smul.u32 $0xF7A, s1;
	s8 =	simm.s32 @!p0 $0x1BF5;
	p2 =	por !p2, p0  }
0x20: {  	[sflag:s8] =	ssyncset.s32 @!p0 $0xFFFFF086;
	s6 =	sadd.s32 @!p0 s3, s7;
	s7 =	simm.s32 @!p0 $0x108  }
0x21: {  	s3 =	sadd.s32 s3, s9;
	s6 =	sadd.s32 @!p0 $0x88, s6;
	s7 =	simm.s32 @p2 $0x1082  }
0x22: {  	[simem:s7], [sflag:s8] =	dma.local @!p0 [hbm:s6], $0xF7A  }
0x23: {  	s9 =	sor.u32 $0xD0000000, s2;
	s6 =	simm.s32 $0x108;
	_ =	swait.ge @!p0 [sflag:s8], $0x0  }
0x24: {  	s3 =	sadd.s32 $0x88, s3;
	s6 =	simm.s32 @!p1 $0x1082;
	[sflag:s4] =	ssyncset.s32 $0xFFFFF086  }
0x25: {  	[simem:s6], [sflag:s4] =	dma.local [hbm:s3], $0xF7A  }
0x26: {  	[smem:$0x3F9B] =	sst s1;
	(tag) =	ssettag s2;
	_ =	strace s9  }
0x27: {  	s1 =	sld [smem:$0x3FAB]  }
0x28: {  	s2 =	sld [smem:$0x3FAC]  }
0x29: {  	s4 =	sld [smem:$0x3FAE]  }
0x2a: {  	p0 =	seq.s32 s5, $0x0;
	s5 =	sld [smem:$0x3FAF]  }
0x2b: {  	s6 =	sld [smem:$0x3FB0]  }
0x2c: {  	s7 =	sld [smem:$0x3FB1]  }
0x2d: {  	s3 =	simm.s32 $0x108;
	s8 =	sld [smem:$0x3FB2]  }
0x2e: {  	s3 =	simm.s32 @!p0 $0x1082;
	s9 =	sld [smem:$0x3FB3]  }
0x2f: {  	lr =	sadd.s32 s0, s3;
	s0 =	sld [smem:$0x3FAA]  }
0x30: {  	s3 =	sld [smem:$0x3FAD]  }
0x31: {  	[smem:$0x3FB6] =	sst s10  }
0x32: {  	s10 =	sld [smem:$0x3FB4];
	_ =	sdelay $0x3  }
0x33: {  	p0 =	seq.s32 s10, $0x1;
	s10 =	sld [smem:$0x3FB6];
	_ =	sdelay $0x3  }
0x34: {  	[smem:$0x3FB6] =	sst s10  }
0x35: {  	s10 =	sld [smem:$0x3FB5];
	_ =	sdelay $0x3  }
0x36: {  	p1 =	seq.s32 s10, $0x1;
	s10 =	sld [smem:$0x3FB6];
	_ =	sdelay $0x3  }
0x37: {  	[smem:$0x3FB6] =	sst s10  }
0x38: {  	s10 =	sld [smem:$0x3FB7]  }
0x39: {  	_ = 	snop;
	(pc) =	sbr.ind lr, $3  }
0x3a: {  	_ = 	snop  }
0x3b: {  	_ = 	snop  }
0x3c: {  	p2 =	seq.s32 s10, $0x1;
	s10 =	sld [smem:$0x3FB6]  }
0x3d: {  	_ =	shalt  }
0x3e: {  	_ =	shalt  }
0x3f: {  	_ =	shalt  }
0x40: {  	_ =	shalt  }
0x41: {  	_ =	shalt  }
0x42: {  	_ =	shalt  }
0x43: {  	_ =	shalt  }
0x44: {  	_ =	shalt  }
0x45: {  	_ =	shalt  }
0x46: {  	_ =	shalt  }
0x47: {  	_ =	shalt  }
0x48: {  	_ =	shalt  }
0x49: {  	_ =	shalt  }
0x4a: {  	_ =	shalt  }
0x4b: {  	_ =	shalt  }
0x4c: {  	_ =	shalt  }
0x4d: {  	_ =	shalt  }
0x4e: {  	_ =	shalt  }
0x4f: {  	_ =	shalt  }
0x50: {  	_ =	shalt  }
0x51: {  	_ =	shalt  }
0x52: {  	_ =	shalt  }
0x53: {  	_ =	shalt  }
0x54: {  	_ =	shalt  }
0x55: {  	_ =	shalt  }
0x56: {  	_ =	shalt  }
0x57: {  	_ =	shalt  }
0x58: {  	_ =	shalt  }
0x59: {  	_ =	shalt  }
0x5a: {  	_ =	shalt  }
0x5b: {  	_ =	shalt  }
0x5c: {  	_ =	shalt  }
0x5d: {  	_ =	shalt  }
0x5e: {  	_ =	shalt  }
0x5f: {  	_ =	shalt  }
0x60: {  	_ =	shalt  }
0x61: {  	_ =	shalt  }
0x62: {  	_ =	shalt  }
0x63: {  	_ =	shalt  }
0x64: {  	_ =	shalt  }
0x65: {  	_ =	shalt  }
0x66: {  	_ =	shalt  }
0x67: {  	_ =	shalt  }
0x68: {  	_ =	shalt  }
0x69: {  	_ =	shalt  }
0x6a: {  	_ =	shalt  }
0x6b: {  	_ =	shalt  }
0x6c: {  	_ =	shalt  }
0x6d: {  	_ =	shalt  }
0x6e: {  	_ =	shalt  }
0x6f: {  	_ =	shalt  }
0x70: {  	_ =	shalt  }
0x71: {  	_ =	shalt  }
0x72: {  	_ =	shalt  }
0x73: {  	_ =	shalt  }
0x74: {  	_ =	shalt  }
0x75: {  	_ =	shalt  }
0x76: {  	_ =	shalt  }
0x77: {  	_ =	shalt  }
0x78: {  	_ =	shalt  }
0x79: {  	_ =	shalt  }
0x7a: {  	_ =	shalt  }
0x7b: {  	_ =	shalt  }
0x7c: {  	_ =	shalt  }
0x7d: {  	_ =	shalt  }
0x7e: {  	_ =	shalt  }
0x7f: {  	_ =	shalt  }
0x80: {  	_ =	shalt  }
0x81: {  	_ =	shalt  }
0x82: {  	_ =	shalt  }
0x83: {  	_ =	shalt  }
0x84: {  	_ =	shalt  }
0x85: {  	_ =	shalt  }
0x86: {  	_ =	shalt  }
0x87: {  	_ =	shalt  }
.Lfunc_end0:
.L_simem_size_0:
called_computation.1_lowered:
.L_overlay_start_0:
0x88: {  	s2 =	sld [smem:$0x3FD9]  }
0x89: {  	s3 =	sld [smem:$0x3FFE];
	_ =	sdelay $0x1  }
0x8a: {  	s1 =	srdreg.scid  }
0x8b: {  	s0 =	sand.u32 $0x1, s1  }
0x8c: {  	s17 =	sshll.u32 s0, $0xA;
	s2 =	sadd.s32 s3, s2  }
0x8d: {  	s2 =	sadd.s32 s2, s17  }
0x8e: {  	[smem:$0x3FC2] =	sst s2  }
0x8f: {  	_ = 	snop  }
0x90: {  	s2 =	sld [smem:$0x3FD0];
	(tm) =	ssettm $0x1  }
0x91: {  	s18 =	sld [smem:$0x3FFB];
	_ =	sdelay $0x3  }
0x92: {  	_ =	strace s18  }
0x93: {  	s3 =	sld [smem:$0x3FFC];
	_ =	sdelay $0x3  }
0x94: {  	_ =	strace s3  }
0x95: {  	s3 =	sld [smem:$0x3FFD];
	_ =	sdelay $0x3  }
0x96: {  	_ =	strace s3  }
0x97: {  	_ =	strace $0x8FFFFFFF  }
0x98: {  	s19 =	sld [smem:$0x3FDB];
	_ =	sdelay $0x1  }
0x99: {  	s4 =	simm.s32 $_scs_section_size  }
0x9a: {  	s5 =	simm.s32 $_size__tile_overlayer_lowered;
	s6 =	simm.s32 $_tile_overlayer_lowered  }
0x9b: {  	s22 =	simm.s32 $0x1BFF;
	s21 =	sshll.u32 s6, $0x1;
	s3 =	sadd.s32 s4, s19  }
0x9c: {  	s7 =	simm.s32 $0x0;
	s20 =	sshll.u32 s5, $0x1;
	s5 =	sadd.s32 s21, s3  }
0x9d: {  	[timem:s7], [sflag:s22] =	dma.local [hbm:s5], s20  }
0x9e: {  	_ =	swait.ge [sflag:s22], s20  }
0x9f: {  	s4 =	ssub.s32 $0x0, s20;
	[sflag:s22] =	ssyncset.done $0x0  }
0xa0: {  	[sflag:s22] =	ssyncadd.s32 s4;
	_ =	sdelay $0x1  }
0xa1: {  	s23 =	simm.s32 $0x1B8B  }
0xa2: {  	_ =	swait.ge [sflag:s23], $0x1  }
0xa3: {  	[sflag:s23] =	ssyncset.done $0x0  }
0xa4: {  	s25 =	simm.s32 $0x1B8E;
	s24 =	sld [smem:$0x3FFE];
	[sflag:s23] =	ssyncadd.s32 $0xFFFFFFFF  }
0xa5: {  	s26 =	simm.s32 $execute0_lowered;
	[smem:$0x3FD2] =	sst s25  }
0xa6: {  	s5 =	sshll.u32 s26, $0x1;
	_ =	strace $0x80000049;
	[dreg:$0x1] =	wrdreg $0xFFFFFFFF  }
0xa7: {  	s28 =	simm.s32 $_size_execute0_lowered;
	s3 =	sadd.s32 s3, s5;
	[dreg:$0x0] =	wrdreg $0x0  }
0xa8: {  	s5 =	sshll.u32 s28, $0x1;
	[dreg:$0x2] =	wrdreg s3  }
0xa9: {  	[dreg:$0x3] =	wrdreg s5  }
0xaa: {  	[dreg:$0x4] =	wrdreg $0xC0  }
0xab: {  	_ =	task [dreg:s7], $0x5FFFF  }
0xac: {  	[dreg:$0x1] =	wrdreg $0xFFFFFFFF  }
0xad: {  	[dreg:$0x0] =	wrdreg $0x60  }
0xae: {  	[dreg:$0x2] =	wrdreg s2  }
0xaf: {  	[dreg:$0x3] =	wrdreg s24  }
0xb0: {  	[dreg:$0x4] =	wrdreg $0xBC000  }
0xb1: {  	[dreg:$0x5] =	wrdreg $0x9  }
0xb2: {  	_ =	task.clear_ibuf [dreg:s7], $0x6FFFF;
	_ =	strace $0x90000049  }
0xb3: {  	s29 =	simm.s32 $0x9;
	_ =	strace $0x8000004B  }
0xb4: {  	_ =	swait.ge [sflag:s29], $0x1  }
0xb5: {  	[sflag:s29] =	ssyncadd.s32 $0xFFFFFFFF  }
0xb6: {  	_ =	strace $0x9000004B  }
0xb7: {  	_ =	sfence  }
0xb8: {  	s30 =	sld [smem:$0x0];
	_ =	sdelay $0x2  }
0xb9: {  	s31 =	sshll.u32 s1, $0xD;
	s1 =	sshrl.u32 s1, $0x2  }
0xba: {  	s3 =	sand.u32 $0x4000, s31;
	s1 =	sadd.s32 s1, s30  }
0xbb: {  	s0 =	sor.u32 s3, s0;
	s1 =	sshll.u32 s1, $0x11  }
0xbc: {  	s0 =	sor.u32 s1, s0  }
0xbd: {  	s0 =	sadd.s32 $0x8F2B, s0  }
0xbe: {  	[sflag:s0] =	ssyncadd.remote.s32 $0x1  }
0xbf: {  	_ =	sfence.sel $0xFFFF  }
0xc0: {  	[dreg:$0x0] =	wrdreg $0xFFFFFFFF;
	(pc) =	sbr.abs _section_cstart, $3  }
0xc1: {  	[dreg:$0x1] =	wrdreg $0xFFFFFFFF  }
0xc2: {  	_ =	task.clear_ibuf [dreg:s7], $0x2FFFF;
	_ =	strace $0x9FFFFFFF  }
0xc3: {  	(tm) =	ssettm $0x7FFFFFFF  }
tec
execute0_lowered:
.L_overlay_start_1:
0x0: {  	(tag) =	ssettag $0x1  }
0x1: {  	s0 =	rddreg [dreg:$0x0]  }
0x2: {  	s1 =	rddreg [dreg:$0x1]  }
0x3: {  	s2 =	srdreg.scid;
	s3 =	rddreg [dreg:$0x2]  }
0x4: {  	s4 =	simm.s32 $0x0;
	s16 =	simm.s32 $0x4400;
	s17 =	simm.s32 $0x4  }
0x5: {  	s18 =	simm.s32 $0x50;
	s19 =	simm.s32 $0x4000;
	s20 =	simm.s32 $0x4080  }
0x6: {  	s21 =	simm.s32 $0x6C00;
	s22 =	simm.s32 $0x4100;
	s23 =	simm.s32 $0x9400  }
0x7: {  	s24 =	simm.s32 $0x1;
	s28 =	simm.s32 $0x4280;
	s5 =	sand.u32 $0x1, s2  }
0x8: {  	s29 =	simm.s32 $0x3;
	s2 =	stileid.u32;
	s6 =	smul.u32 $0x13C000, s5  }
0x9: {  	s30 =	simm.s32 $0x4300;
	[smem:$0x7FF] =	sst s4;
	s7 =	smul.u32 $0x13C00, s2  }
0xa: {  	s8 =	sshll.u32 s5, $0xB;
	s9 =	smul.u32 $0x4F000, s2;
	_ =	strace $0x8000004A  }
0xb: {  	s25 =	ssub.s32 $0x2, s5;
	s13 =	sshll.u32 s2, $0xC;
	s12 =	sadd.s32 s8, s1  }
0xc: {  	s31 =	sshrl.u32 s25, $0x1;
	s6 =	sadd.s32 s7, s6;
	s26 =	sshrl.u32 s9, $0x2  }
0xd: {  	s15 =	ssub.s32 s25, s31;
	s13 =	sadd.s32 s13, s12;
	s25 =	simm.s32 $0x4200  }
.Ltmp0:
0xe: {  	s6 =	sshrl.u32 s6, $0x3;
	s5 =	sadd.s32 s26, s3;
	(pc) =	sbr.rel .LBB2_1-.Ltmp0, $4  }
0xf: {  	s13 =	sadd.s32 $0x2000, s13;
	s15 =	smax.u32 s15, $0x1;
	s26 =	simm.s32 $0x2  }
0x10: {  	s1 =	sadd.s32 s6, s1;
	s6 =	sadd.s32 $0x2800, s5;
	s7 =	sadd.s32 $0x5000, s5  }
0x11: {  	s8 =	sadd.s32 $0x7800, s5;
	s9 =	sadd.s32 $0xA000, s5;
	s10 =	sadd.s32 $0xC800, s5  }
0x12: {  	v0 =	vimm.f32 $0.0e+00;
	s11 =	sadd.s32 $0xF000, s5;
	s12 =	sadd.s32 $0x11800, s5;
	s14 =	sadd.s32 $0x12000, s1  }
.LBB2_9:
0x13: {  	s4 =	sadd.s32 $0x1, s4  }
0x14: {  	s1 =	sshll.u32 s2, $0x6;
	[bflag:$0x0] =	sbarrier.arrive $0xFFFF;
	p0 =	sne.s32 s4, s15  }
.Ltmp1:
0x15: {  	s31 =	sshrl.u32 s5, $0x3;
	s1 =	sor.u32 $0x1C04, s1;
	(pc) =	sbr.rel @!p0 .LBB2_10-.Ltmp1, $4  }
0x16: {  	[hbm:s14], [sflag:s1] =	dma.local [spmem:s31], $0x2780  }
0x17: {  	_ =	swait.ge [sflag:s17], $0x2780  }
0x18: {  	[sflag:s17] =	ssyncset.done $0x0  }
0x19: {  	[sflag:s17] =	ssyncadd.s32 $0xFFFFD880  }
.LBB2_1:
0x1a: {  	s31 =	simm.s32 $0x0;
	s1 =	simm.s32 $0x200  }
.LBB2_2:
0x1b: {  	p0 =	sne.s32 s1, $0x9E00;
	[tilespmem:s31+$0x4470] =	vst v0  }
0x1c: {  	[tilespmem:s31+$0x4400] =	vst v0  }
0x1d: {  	[tilespmem:s31+$0x4410] =	vst v0  }
.Ltmp2:
0x1e: {  	[tilespmem:s31+$0x4420] =	vst v0;
	(pc) =	sbr.rel @p0 .LBB2_2-.Ltmp2, $4  }
0x1f: {  	[tilespmem:s31+$0x4430] =	vst v0  }
0x20: {  	[tilespmem:s31+$0x4440] =	vst v0  }
0x21: {  	[tilespmem:s31+$0x4450] =	vst v0  }
0x22: {  	[tilespmem:s31+$0x4460] =	vst v0;
	s31 =	sshra.s32 s1, $0x2;
	s1 =	sadd.s32 $0x200, s1  }
0x23: {  	[tilespmem:s31+$0x4470] =	vst v0  }
0x24: {  	[tilespmem:s31+$0x4400] =	vst v0  }
0x25: {  	[tilespmem:s31+$0x4410] =	vst v0  }
0x26: {  	[tilespmem:s31+$0x4420] =	vst v0  }
0x27: {  	[tilespmem:s31+$0x4430] =	vst v0  }
0x28: {  	[tilespmem:s31+$0x4440] =	vst v0  }
0x29: {  	[tilespmem:s31+$0x4450] =	vst v0  }
0x2a: {  	[tilespmem:s31+$0x4460] =	vst v0  }
0x2b: {  	[spmem:s5] =	stream.linear.scatter [tilespmem:s16], [sflag:$0x4], $0x2800, $0x38;
	[tilespmem:$0x1F800] =	vst v63  }
0x2c: {  	_ =	swait.ge [sflag:s17], $0x2800  }
0x2d: {  	[sflag:s17] =	ssyncset.done $0x0  }
0x2e: {  	[sflag:s17] =	ssyncadd.s32 $0xFFFFD800  }
0x2f: {  	[spmem:s6] =	stream.linear.scatter [tilespmem:s16], [sflag:$0x4], $0x2800, $0x38;
	[tilespmem:$0x1F800] =	vst v63  }
0x30: {  	_ =	swait.ge [sflag:s17], $0x2800  }
0x31: {  	[sflag:s17] =	ssyncset.done $0x0  }
0x32: {  	[sflag:s17] =	ssyncadd.s32 $0xFFFFD800  }
0x33: {  	[spmem:s7] =	stream.linear.scatter [tilespmem:s16], [sflag:$0x4], $0x2800, $0x38;
	[tilespmem:$0x1F800] =	vst v63  }
0x34: {  	_ =	swait.ge [sflag:s17], $0x2800  }
0x35: {  	[sflag:s17] =	ssyncset.done $0x0  }
0x36: {  	[sflag:s17] =	ssyncadd.s32 $0xFFFFD800  }
0x37: {  	[spmem:s8] =	stream.linear.scatter [tilespmem:s16], [sflag:$0x4], $0x2800, $0x38;
	[tilespmem:$0x1F800] =	vst v63  }
0x38: {  	_ =	swait.ge [sflag:s17], $0x2800  }
0x39: {  	[sflag:s17] =	ssyncset.done $0x0  }
0x3a: {  	[sflag:s17] =	ssyncadd.s32 $0xFFFFD800  }
0x3b: {  	[spmem:s9] =	stream.linear.scatter [tilespmem:s16], [sflag:$0x4], $0x2800, $0x38;
	[tilespmem:$0x1F800] =	vst v63  }
0x3c: {  	_ =	swait.ge [sflag:s17], $0x2800  }
0x3d: {  	[sflag:s17] =	ssyncset.done $0x0  }
0x3e: {  	[sflag:s17] =	ssyncadd.s32 $0xFFFFD800  }
0x3f: {  	[spmem:s10] =	stream.linear.scatter [tilespmem:s16], [sflag:$0x4], $0x2800, $0x38;
	[tilespmem:$0x1F800] =	vst v63  }
0x40: {  	_ =	swait.ge [sflag:s17], $0x2800  }
0x41: {  	[sflag:s17] =	ssyncset.done $0x0  }
0x42: {  	[sflag:s17] =	ssyncadd.s32 $0xFFFFD800  }
0x43: {  	[spmem:s11] =	stream.linear.scatter [tilespmem:s16], [sflag:$0x4], $0x2800, $0x38;
	[tilespmem:$0x1F800] =	vst v63  }
0x44: {  	_ =	swait.ge [sflag:s17], $0x2800  }
0x45: {  	[sflag:s17] =	ssyncset.done $0x0  }
0x46: {  	[sflag:s17] =	ssyncadd.s32 $0xFFFFD800  }
0x47: {  	[spmem:s12] =	stream.linear.scatter [tilespmem:s16], [sflag:$0x4], $0x2400, $0x38;
	[tilespmem:$0x1F800] =	vst v63  }
0x48: {  	_ =	swait.ge [sflag:s17], $0x2400  }
0x49: {  	[sflag:s17] =	ssyncset.done $0x0  }
0x4a: {  	[sflag:s17] =	ssyncadd.s32 $0xFFFFDC00  }
0x4b: {  	s31 =	simm.s32 $0x0;
	[bflag:$0x0] =	sbarrier.arrive $0xFFFF  }
0x4c: {  	[tilespmem:s31], [sflag:$0x4] =	stream.linear.gather [hbm4b:s13+s31], $0x3F00, $0x38;
	[tilespmem:$0x1F800] =	vst v63  }
0x4d: {  	_ =	swait.ge [sflag:s17], $0x3F00  }
0x4e: {  	[sflag:s17] =	ssyncset.done $0x0  }
0x4f: {  	[sflag:s17] =	ssyncadd.s32 $0xFFFFC100  }
0x50: {  	v1 =	vld [tilespmem:$0x0];
	_ =	sdelay $0x1  }
0x51: {  	v2 =	vld [tilespmem:$0x10];
	_ =	sdelay $0x1  }
0x52: {  	v3 =	vld [tilespmem:$0x20]  }
0x53: {  	v4 =	vand.u32 $0xFFFF, v1  }
0x54: {  	v59 =	vld [tilespmem:$0x30];
	v1 =	vshrl.u32 v1, $0x10;
	[tilespmem:$0x4000] =	vst v4  }
0x55: {  	[tilespmem:$0x4200] =	vst v1;
	v1 =	vand.u32 $0xFFFF, v2  }
0x56: {  	[tilespmem:$0x4010] =	vst v1;
	v1 =	vshrl.u32 v2, $0x10;
	v2 =	vld [tilespmem:$0x40]  }
0x57: {  	[tilespmem:$0x4210] =	vst v1;
	v1 =	vand.u32 $0xFFFF, v3  }
0x58: {  	[tilespmem:$0x4020] =	vst v1;
	v1 =	vshrl.u32 v3, $0x10  }
0x59: {  	[tilespmem:$0x4220] =	vst v1;
	v1 =	vand.u32 $0xFFFF, v59  }
0x5a: {  	[tilespmem:$0x4030] =	vst v1;
	v1 =	vshrl.u32 v59, $0x10  }
0x5b: {  	[tilespmem:$0x4230] =	vst v1;
	v1 =	vand.u32 $0xFFFF, v2  }
0x5c: {  	[tilespmem:$0x4040] =	vst v1;
	v1 =	vshrl.u32 v2, $0x10  }
0x5d: {  	[tilespmem:$0x4240] =	vst v1  }
0x5e: {  	[tilespmem:s16], [sflag:$0x1] =	stream.indirect.gather [hbm4b:s0+s18], $0x80, s19, s18, $0xb8;
	[tilespmem:$0x1F800] =	vst v63  }
0x5f: {  	v1 =	vld [tilespmem:$0x80];
	_ =	sdelay $0x1  }
0x60: {  	v2 =	vld [tilespmem:$0x90];
	_ =	sdelay $0x1  }
0x61: {  	v3 =	vld [tilespmem:$0xA0]  }
0x62: {  	v60 =	vand.u32 $0xFFFF, v1  }
0x63: {  	v61 =	vld [tilespmem:$0xB0];
	v1 =	vshrl.u32 v1, $0x10;
	[tilespmem:$0x4080] =	vst v60  }
0x64: {  	[tilespmem:$0x4280] =	vst v1;
	v1 =	vand.u32 $0xFFFF, v2  }
0x65: {  	[tilespmem:$0x4090] =	vst v1;
	v1 =	vshrl.u32 v2, $0x10;
	v2 =	vld [tilespmem:$0xC0]  }
0x66: {  	[tilespmem:$0x4290] =	vst v1;
	v1 =	vand.u32 $0xFFFF, v3  }
0x67: {  	[tilespmem:$0x40A0] =	vst v1;
	v1 =	vshrl.u32 v3, $0x10  }
0x68: {  	[tilespmem:$0x42A0] =	vst v1;
	v1 =	vand.u32 $0xFFFF, v61  }
0x69: {  	[tilespmem:$0x40B0] =	vst v1;
	v1 =	vshrl.u32 v61, $0x10  }
0x6a: {  	[tilespmem:$0x42B0] =	vst v1;
	v1 =	vand.u32 $0xFFFF, v2  }
0x6b: {  	[tilespmem:$0x40C0] =	vst v1;
	v1 =	vshrl.u32 v2, $0x10  }
0x6c: {  	[tilespmem:$0x42C0] =	vst v1  }
0x6d: {  	[tilespmem:s21], [sflag:$0x2] =	stream.indirect.gather [hbm4b:s0+s18], $0x80, s20, s18, $0xb8;
	[tilespmem:$0x1F800] =	vst v63  }
0x6e: {  	v1 =	vld [tilespmem:$0x100];
	_ =	sdelay $0x1  }
0x6f: {  	v2 =	vld [tilespmem:$0x110];
	_ =	sdelay $0x1  }
0x70: {  	v3 =	vld [tilespmem:$0x120]  }
0x71: {  	v62 =	vand.u32 $0xFFFF, v1  }
0x72: {  	v63 =	vld [tilespmem:$0x130];
	v1 =	vshrl.u32 v1, $0x10;
	[tilespmem:$0x4100] =	vst v62  }
0x73: {  	[tilespmem:$0x4300] =	vst v1;
	v1 =	vand.u32 $0xFFFF, v2  }
0x74: {  	[tilespmem:$0x4110] =	vst v1;
	v1 =	vshrl.u32 v2, $0x10;
	v2 =	vld [tilespmem:$0x140]  }
0x75: {  	[tilespmem:$0x4310] =	vst v1;
	v1 =	vand.u32 $0xFFFF, v3  }
0x76: {  	[tilespmem:$0x4120] =	vst v1;
	v1 =	vshrl.u32 v3, $0x10  }
0x77: {  	[tilespmem:$0x4320] =	vst v1;
	v1 =	vand.u32 $0xFFFF, v63  }
0x78: {  	[tilespmem:$0x4130] =	vst v1;
	v1 =	vshrl.u32 v63, $0x10  }
0x79: {  	[tilespmem:$0x4330] =	vst v1;
	v1 =	vand.u32 $0xFFFF, v2  }
0x7a: {  	[tilespmem:$0x4140] =	vst v1;
	v1 =	vshrl.u32 v2, $0x10  }
0x7b: {  	[tilespmem:$0x4340] =	vst v1  }
0x7c: {  	[tilespmem:s23], [sflag:$0x3] =	stream.indirect.gather [hbm4b:s0+s18], $0x80, s22, s18, $0xb8;
	[tilespmem:$0x1F800] =	vst v63  }
.LBB2_4:
0x7d: {  	_ =	swait.ge [sflag:s24], $0x2800  }
0x7e: {  	p0 =	seq.s32 s31, $0xF600;
	[sflag:s24] =	ssyncset.done $0x0  }
.Ltmp3:
0x7f: {  	[sflag:s24] =	ssyncadd.s32 $0xFFFFD800;
	(pc) =	sbr.rel @!p0 .LBB2_5-.Ltmp3, $4  }
0x80: {  	[spmem:s3] =	stream.indirect.scatter.add.f32 [tilespmem:s16], [sflag:$0x4], $0x80, s25, s18, $0xb8;
	[tilespmem:$0x1F800] =	vst v63  }
0x81: {  	_ =	swait.ge [sflag:s17], $0x2800  }
0x82: {  	[sflag:s17] =	ssyncset.done $0x0  }
0x83: {  	[sflag:s17] =	ssyncadd.s32 $0xFFFFD800  }
0x84: {  	_ =	swait.ge [sflag:s26], $0x2800  }
0x85: {  	[sflag:s26] =	ssyncset.done $0x0  }
.Ltmp4:
0x86: {  	[sflag:s26] =	ssyncadd.s32 $0xFFFFD800;
	(pc) =	sbr.rel .LBB2_7-.Ltmp4, $4  }
0x87: {  	[spmem:s3] =	stream.indirect.scatter.add.f32 [tilespmem:s21], [sflag:$0x4], $0x80, s28, s18, $0xb8;
	[tilespmem:$0x1F800] =	vst v63  }
0x88: {  	_ =	swait.ge [sflag:s17], $0x2800  }
0x89: {  	[sflag:s17] =	ssyncset.done $0x0  }
0x8a: {  	[sflag:s17] =	ssyncadd.s32 $0xFFFFD800  }
.LBB2_5:
0x8b: {  	s1 =	sshra.s32 s31, $0x2  }
0x8c: {  	v1 =	vld [tilespmem:s1+$0x180];
	_ =	sdelay $0x4  }
0x8d: {  	v2 =	vand.u32 $0xFFFF, v1  }
0x8e: {  	v1 =	vshrl.u32 v1, $0x10;
	[tilespmem:$0x4000] =	vst v2  }
0x8f: {  	[tilespmem:$0x4200] =	vst v1  }
0x90: {  	v1 =	vld [tilespmem:s1+$0x190];
	_ =	sdelay $0x4  }
0x91: {  	v2 =	vand.u32 $0xFFFF, v1  }
0x92: {  	v1 =	vshrl.u32 v1, $0x10;
	[tilespmem:$0x4010] =	vst v2  }
0x93: {  	[tilespmem:$0x4210] =	vst v1  }
0x94: {  	v1 =	vld [tilespmem:s1+$0x1A0];
	_ =	sdelay $0x4  }
0x95: {  	v2 =	vand.u32 $0xFFFF, v1  }
0x96: {  	v1 =	vshrl.u32 v1, $0x10;
	[tilespmem:$0x4020] =	vst v2  }
0x97: {  	[tilespmem:$0x4220] =	vst v1  }
0x98: {  	v1 =	vld [tilespmem:s1+$0x1B0];
	_ =	sdelay $0x4  }
0x99: {  	v2 =	vand.u32 $0xFFFF, v1  }
0x9a: {  	v1 =	vshrl.u32 v1, $0x10;
	[tilespmem:$0x4030] =	vst v2  }
0x9b: {  	[tilespmem:$0x4230] =	vst v1  }
0x9c: {  	v1 =	vld [tilespmem:s1+$0x1C0];
	_ =	sdelay $0x4  }
0x9d: {  	v2 =	vand.u32 $0xFFFF, v1  }
0x9e: {  	v1 =	vshrl.u32 v1, $0x10;
	[tilespmem:$0x4040] =	vst v2  }
0x9f: {  	[tilespmem:$0x4240] =	vst v1  }
0xa0: {  	[tilespmem:s16], [sflag:$0x1] =	stream.indirect.gather [hbm4b:s0+s18], $0x80, s19, s18, $0xb8;
	[tilespmem:$0x1F800] =	vst v63  }
0xa1: {  	_ =	swait.ge [sflag:s26], $0x2800  }
0xa2: {  	[sflag:s26] =	ssyncset.done $0x0  }
0xa3: {  	[sflag:s26] =	ssyncadd.s32 $0xFFFFD800  }
0xa4: {  	[spmem:s3] =	stream.indirect.scatter.add.f32 [tilespmem:s21], [sflag:$0x4], $0x80, s28, s18, $0xb8;
	[tilespmem:$0x1F800] =	vst v63  }
0xa5: {  	_ =	swait.ge [sflag:s17], $0x2800  }
0xa6: {  	[sflag:s17] =	ssyncset.done $0x0  }
0xa7: {  	[sflag:s17] =	ssyncadd.s32 $0xFFFFD800  }
0xa8: {  	v1 =	vld [tilespmem:s1+$0x200];
	_ =	sdelay $0x4  }
0xa9: {  	v2 =	vand.u32 $0xFFFF, v1  }
0xaa: {  	v1 =	vshrl.u32 v1, $0x10;
	[tilespmem:$0x4080] =	vst v2  }
0xab: {  	[tilespmem:$0x4280] =	vst v1  }
0xac: {  	v1 =	vld [tilespmem:s1+$0x210];
	_ =	sdelay $0x4  }
0xad: {  	v2 =	vand.u32 $0xFFFF, v1  }
0xae: {  	v1 =	vshrl.u32 v1, $0x10;
	[tilespmem:$0x4090] =	vst v2  }
0xaf: {  	[tilespmem:$0x4290] =	vst v1  }
0xb0: {  	v1 =	vld [tilespmem:s1+$0x220];
	_ =	sdelay $0x4  }
0xb1: {  	v2 =	vand.u32 $0xFFFF, v1  }
0xb2: {  	v1 =	vshrl.u32 v1, $0x10;
	[tilespmem:$0x40A0] =	vst v2  }
0xb3: {  	[tilespmem:$0x42A0] =	vst v1  }
0xb4: {  	v1 =	vld [tilespmem:s1+$0x230];
	_ =	sdelay $0x4  }
0xb5: {  	v2 =	vand.u32 $0xFFFF, v1  }
0xb6: {  	v1 =	vshrl.u32 v1, $0x10;
	[tilespmem:$0x40B0] =	vst v2  }
0xb7: {  	[tilespmem:$0x42B0] =	vst v1  }
0xb8: {  	v1 =	vld [tilespmem:s1+$0x240];
	_ =	sdelay $0x4  }
0xb9: {  	v2 =	vand.u32 $0xFFFF, v1  }
0xba: {  	v1 =	vshrl.u32 v1, $0x10;
	[tilespmem:$0x40C0] =	vst v2  }
0xbb: {  	[tilespmem:$0x42C0] =	vst v1  }
0xbc: {  	[tilespmem:s21], [sflag:$0x2] =	stream.indirect.gather [hbm4b:s0+s18], $0x80, s20, s18, $0xb8;
	[tilespmem:$0x1F800] =	vst v63  }
.LBB2_7:
0xbd: {  	_ =	swait.ge [sflag:s29], $0x2800  }
0xbe: {  	[sflag:s29] =	ssyncset.done $0x0  }
.Ltmp5:
0xbf: {  	[sflag:s29] =	ssyncadd.s32 $0xFFFFD800;
	(pc) =	sbr.rel @p0 .LBB2_9-.Ltmp5, $4  }
0xc0: {  	[spmem:s3] =	stream.indirect.scatter.add.f32 [tilespmem:s23], [sflag:$0x4], $0x80, s30, s18, $0xb8;
	[tilespmem:$0x1F800] =	vst v63  }
0xc1: {  	_ =	swait.ge [sflag:s17], $0x2800  }
0xc2: {  	[sflag:s17] =	ssyncset.done $0x0  }
0xc3: {  	[sflag:s17] =	ssyncadd.s32 $0xFFFFD800  }
0xc4: {  	s1 =	sshra.s32 s31, $0x2  }
0xc5: {  	v1 =	vld [tilespmem:s1+$0x280];
	_ =	sdelay $0x4  }
0xc6: {  	v2 =	vand.u32 $0xFFFF, v1  }
0xc7: {  	v1 =	vshrl.u32 v1, $0x10;
	[tilespmem:$0x4100] =	vst v2  }
0xc8: {  	[tilespmem:$0x4300] =	vst v1  }
0xc9: {  	v1 =	vld [tilespmem:s1+$0x290];
	_ =	sdelay $0x4  }
0xca: {  	v2 =	vand.u32 $0xFFFF, v1  }
0xcb: {  	v1 =	vshrl.u32 v1, $0x10;
	[tilespmem:$0x4110] =	vst v2  }
0xcc: {  	[tilespmem:$0x4310] =	vst v1  }
0xcd: {  	v1 =	vld [tilespmem:s1+$0x2A0];
	_ =	sdelay $0x4  }
0xce: {  	v2 =	vand.u32 $0xFFFF, v1  }
0xcf: {  	v1 =	vshrl.u32 v1, $0x10;
	[tilespmem:$0x4120] =	vst v2  }
0xd0: {  	[tilespmem:$0x4320] =	vst v1  }
0xd1: {  	v1 =	vld [tilespmem:s1+$0x2B0];
	_ =	sdelay $0x4  }
0xd2: {  	v2 =	vand.u32 $0xFFFF, v1  }
0xd3: {  	v1 =	vshrl.u32 v1, $0x10;
	[tilespmem:$0x4130] =	vst v2  }
0xd4: {  	[tilespmem:$0x4330] =	vst v1  }
0xd5: {  	v1 =	vld [tilespmem:s1+$0x2C0];
	_ =	sdelay $0x3  }
.Ltmp6:
0xd6: {  	_ = 	snop;
	(pc) =	sbr.rel .LBB2_4-.Ltmp6, $4  }
0xd7: {  	v2 =	vand.u32 $0xFFFF, v1  }
0xd8: {  	v1 =	vshrl.u32 v1, $0x10;
	[tilespmem:$0x4140] =	vst v2  }
0xd9: {  	s31 =	sadd.s32 $0x600, s31;
	[tilespmem:$0x4340] =	vst v1  }
0xda: {  	[tilespmem:s23], [sflag:$0x3] =	stream.indirect.gather [hbm4b:s0+s18], $0x80, s22, s18, $0xb8;
	[tilespmem:$0x1F800] =	vst v63  }
.LBB2_10:
0xdb: {  	_ =	sfence.sel $0x180000  }
0xdc: {  	[bflag:$0x0] =	sbarrier.arrive $0xFFFF  }
0xdd: {  	_ =	strace $0x9000004A  }
0xde: {  	[bflag:$0x2] =	sbarrier.arrive $0xFFFF  }
0xdf: {  	p0 =	sne.s32 s2, $0x0;
	s0 =	rddreg [dreg:$0x3]  }
0xe0: {  	s0 =	sadd.s32 @!p0 $0x100000, s0  }
0xe1: {  	[sflag:s0] =	ssyncadd.tile.s32 @!p0 $0x1;
	_ =	shalt  }
.Lfunc_end2:
_tile_overlayer_lowered:
.L_overlay_start_2:
0xe2: {  	(tag) =	ssettag $0x2  }
0xe3: {  	s0 =	rddreg [dreg:$0x0];
	s2 =	stileid.u32  }
0xe4: {  	s1 =	rddreg [dreg:$0x1];
	p0 =	sne.s32 s2, $0x0  }
0xe5: {  	s3 =	rddreg [dreg:$0x2];
	[bflag:$0x3] =	sbarrier.arrive $0xFFFF;
	s2 =	simm.s32 @!p0 $0x1C04  }
0xe6: {  	[timem:s3], [sflag:s2] =	dma.local @!p0 [hbm:s0], s1  }
0xe7: {  	s0 =	simm.s32 @!p0 $0x4  }
0xe8: {  	_ =	swait.ge @!p0 [sflag:s0], s1  }
0xe9: {  	s1 =	ssub.s32 @!p0 $0x0, s1;
	[sflag:s0] =	ssyncset.done @!p0 $0x0  }
0xea: {  	[sflag:s0] =	ssyncadd.s32 @!p0 s1  }
0xeb: {  	[bflag:$0x3] =	sbarrier.arrive $0xFFFF  }
0xec: {  	_ =	shalt  }

// kernel: kernel.7.cloned.1.call-start
scs
__scs_entry_jumppad:
0x0: {  	(pc) =	sbr.rel $0x88, $3  }
0x1: {  	(tag) =	ssettag $0x0;
	lr =	simm.s32 $0x1  }
0x2: {  	[smem:$0x3F9B] =	sst lr;
	_ =	strace $0xD0000000  }
0x3: {  	_ = 	snop  }
0x4: {  	_ = 	snop  }
0x5: {  	_ = 	snop  }
0x6: {  	_ = 	snop  }
0x7: {  	_ = 	snop  }
__scs_overlays_trampoline_lowered:
0x8: {  	[smem:$0x3FAA] =	sst s0  }
0x9: {  	[smem:$0x3FAB] =	sst s1  }
0xa: {  	[smem:$0x3FAC] =	sst s2  }
0xb: {  	[smem:$0x3FAD] =	sst s3  }
0xc: {  	[smem:$0x3FAE] =	sst s4  }
0xd: {  	[smem:$0x3FAF] =	sst s5  }
0xe: {  	[smem:$0x3FB0] =	sst s6  }
0xf: {  	[smem:$0x3FB1] =	sst s7  }
0x10: {  	[smem:$0x3FB2] =	sst s8  }
0x11: {  	[smem:$0x3FB3] =	sst s9;
	s0 =	simm.s32 @!p0 $0x0  }
0x12: {  	s1 =	sld [smem:$0x3F99];
	s0 =	simm.s32 @p0 $0x1  }
0x13: {  	[smem:$0x3FB4] =	sst s0;
	s0 =	simm.s32 @!p1 $0x0  }
0x14: {  	s2 =	sld [smem:$0x3F98];
	s0 =	simm.s32 @p1 $0x1  }
0x15: {  	[smem:$0x3FB5] =	sst s0;
	s0 =	simm.s32 @!p2 $0x0  }
0x16: {  	s3 =	sld [smem:$0x3FDB];
	s0 =	simm.s32 @p2 $0x1  }
0x17: {  	s4 =	simm.s32 $0x1BF5;
	[smem:$0x3FB7] =	sst s0  }
0x18: {  	s0 =	sld [smem:$0x3F9A];
	_ =	swait.ge [sflag:s4], $0x0  }
0x19: {  	s7 =	sld [smem:$0x3F9B]  }
0x1a: {  	s8 =	sadd.s32 $0xFFFFE003, lr  }
0x1b: {  	s9 =	sadd.s32 $0xFFFFFEF7, lr;
	s5 =	simm.s32 $0xFFFFFFFF;
	p2 =	slt.u32 s8, $0xFFFFF086  }
0x1c: {  	p1 =	slt.u32 s9, $0xF7A;
	s5 =	simm.s32 @!p2 $0x0  }
0x1d: {  	s5 =	simm.s32 @p1 $0x1;
	p0 =	seq.s32 s7, s2  }
0x1e: {  	s7 =	smul.u32 @!p0 $0xF7A, s2;
	p2 =	seq.s32 @!p0 s5, $0x0  }
0x1f: {  	s9 =	smul.u32 $0xF7A, s1;
	s8 =	simm.s32 @!p0 $0x1BF5;
	p2 =	por !p2, p0  }
0x20: {  	[sflag:s8] =	ssyncset.s32 @!p0 $0xFFFFF086;
	s6 =	sadd.s32 @!p0 s3, s7;
	s7 =	simm.s32 @!p0 $0x108  }
0x21: {  	s3 =	sadd.s32 s3, s9;
	s6 =	sadd.s32 @!p0 $0x88, s6;
	s7 =	simm.s32 @p2 $0x1082  }
0x22: {  	[simem:s7], [sflag:s8] =	dma.local @!p0 [hbm:s6], $0xF7A  }
0x23: {  	s9 =	sor.u32 $0xD0000000, s2;
	s6 =	simm.s32 $0x108;
	_ =	swait.ge @!p0 [sflag:s8], $0x0  }
0x24: {  	s3 =	sadd.s32 $0x88, s3;
	s6 =	simm.s32 @!p1 $0x1082;
	[sflag:s4] =	ssyncset.s32 $0xFFFFF086  }
0x25: {  	[simem:s6], [sflag:s4] =	dma.local [hbm:s3], $0xF7A  }
0x26: {  	[smem:$0x3F9B] =	sst s1;
	(tag) =	ssettag s2;
	_ =	strace s9  }
0x27: {  	s1 =	sld [smem:$0x3FAB]  }
0x28: {  	s2 =	sld [smem:$0x3FAC]  }
0x29: {  	s4 =	sld [smem:$0x3FAE]  }
0x2a: {  	p0 =	seq.s32 s5, $0x0;
	s5 =	sld [smem:$0x3FAF]  }
0x2b: {  	s6 =	sld [smem:$0x3FB0]  }
0x2c: {  	s7 =	sld [smem:$0x3FB1]  }
0x2d: {  	s3 =	simm.s32 $0x108;
	s8 =	sld [smem:$0x3FB2]  }
0x2e: {  	s3 =	simm.s32 @!p0 $0x1082;
	s9 =	sld [smem:$0x3FB3]  }
0x2f: {  	lr =	sadd.s32 s0, s3;
	s0 =	sld [smem:$0x3FAA]  }
0x30: {  	s3 =	sld [smem:$0x3FAD]  }
0x31: {  	[smem:$0x3FB6] =	sst s10  }
0x32: {  	s10 =	sld [smem:$0x3FB4];
	_ =	sdelay $0x3  }
0x33: {  	p0 =	seq.s32 s10, $0x1;
	s10 =	sld [smem:$0x3FB6];
	_ =	sdelay $0x3  }
0x34: {  	[smem:$0x3FB6] =	sst s10  }
0x35: {  	s10 =	sld [smem:$0x3FB5];
	_ =	sdelay $0x3  }
0x36: {  	p1 =	seq.s32 s10, $0x1;
	s10 =	sld [smem:$0x3FB6];
	_ =	sdelay $0x3  }
0x37: {  	[smem:$0x3FB6] =	sst s10  }
0x38: {  	s10 =	sld [smem:$0x3FB7]  }
0x39: {  	_ = 	snop;
	(pc) =	sbr.ind lr, $3  }
0x3a: {  	_ = 	snop  }
0x3b: {  	_ = 	snop  }
0x3c: {  	p2 =	seq.s32 s10, $0x1;
	s10 =	sld [smem:$0x3FB6]  }
0x3d: {  	_ =	shalt  }
0x3e: {  	_ =	shalt  }
0x3f: {  	_ =	shalt  }
0x40: {  	_ =	shalt  }
0x41: {  	_ =	shalt  }
0x42: {  	_ =	shalt  }
0x43: {  	_ =	shalt  }
0x44: {  	_ =	shalt  }
0x45: {  	_ =	shalt  }
0x46: {  	_ =	shalt  }
0x47: {  	_ =	shalt  }
0x48: {  	_ =	shalt  }
0x49: {  	_ =	shalt  }
0x4a: {  	_ =	shalt  }
0x4b: {  	_ =	shalt  }
0x4c: {  	_ =	shalt  }
0x4d: {  	_ =	shalt  }
0x4e: {  	_ =	shalt  }
0x4f: {  	_ =	shalt  }
0x50: {  	_ =	shalt  }
0x51: {  	_ =	shalt  }
0x52: {  	_ =	shalt  }
0x53: {  	_ =	shalt  }
0x54: {  	_ =	shalt  }
0x55: {  	_ =	shalt  }
0x56: {  	_ =	shalt  }
0x57: {  	_ =	shalt  }
0x58: {  	_ =	shalt  }
0x59: {  	_ =	shalt  }
0x5a: {  	_ =	shalt  }
0x5b: {  	_ =	shalt  }
0x5c: {  	_ =	shalt  }
0x5d: {  	_ =	shalt  }
0x5e: {  	_ =	shalt  }
0x5f: {  	_ =	shalt  }
0x60: {  	_ =	shalt  }
0x61: {  	_ =	shalt  }
0x62: {  	_ =	shalt  }
0x63: {  	_ =	shalt  }
0x64: {  	_ =	shalt  }
0x65: {  	_ =	shalt  }
0x66: {  	_ =	shalt  }
0x67: {  	_ =	shalt  }
0x68: {  	_ =	shalt  }
0x69: {  	_ =	shalt  }
0x6a: {  	_ =	shalt  }
0x6b: {  	_ =	shalt  }
0x6c: {  	_ =	shalt  }
0x6d: {  	_ =	shalt  }
0x6e: {  	_ =	shalt  }
0x6f: {  	_ =	shalt  }
0x70: {  	_ =	shalt  }
0x71: {  	_ =	shalt  }
0x72: {  	_ =	shalt  }
0x73: {  	_ =	shalt  }
0x74: {  	_ =	shalt  }
0x75: {  	_ =	shalt  }
0x76: {  	_ =	shalt  }
0x77: {  	_ =	shalt  }
0x78: {  	_ =	shalt  }
0x79: {  	_ =	shalt  }
0x7a: {  	_ =	shalt  }
0x7b: {  	_ =	shalt  }
0x7c: {  	_ =	shalt  }
0x7d: {  	_ =	shalt  }
0x7e: {  	_ =	shalt  }
0x7f: {  	_ =	shalt  }
0x80: {  	_ =	shalt  }
0x81: {  	_ =	shalt  }
0x82: {  	_ =	shalt  }
0x83: {  	_ =	shalt  }
0x84: {  	_ =	shalt  }
0x85: {  	_ =	shalt  }
0x86: {  	_ =	shalt  }
0x87: {  	_ =	shalt  }
.Lfunc_end0:
.L_simem_size_0:
called_computation_lowered:
.L_overlay_start_0:
0x88: {  	s2 =	sld [smem:$0x3FD9]  }
0x89: {  	s3 =	sld [smem:$0x3FFE];
	_ =	sdelay $0x1  }
0x8a: {  	s1 =	srdreg.scid  }
0x8b: {  	s0 =	sand.u32 $0x1, s1  }
0x8c: {  	s17 =	sshll.u32 s0, $0xA;
	s2 =	sadd.s32 s3, s2  }
0x8d: {  	s2 =	sadd.s32 s2, s17  }
0x8e: {  	[smem:$0x3FC2] =	sst s2  }
0x8f: {  	_ = 	snop  }
0x90: {  	s2 =	sld [smem:$0x3FD0];
	(tm) =	ssettm $0x1  }
0x91: {  	s18 =	sld [smem:$0x3FFB];
	_ =	sdelay $0x3  }
0x92: {  	_ =	strace s18  }
0x93: {  	s3 =	sld [smem:$0x3FFC];
	_ =	sdelay $0x3  }
0x94: {  	_ =	strace s3  }
0x95: {  	s3 =	sld [smem:$0x3FFD];
	_ =	sdelay $0x3  }
0x96: {  	_ =	strace s3  }
0x97: {  	_ =	strace $0x8FFFFFFF  }
0x98: {  	s19 =	sld [smem:$0x3FDB];
	_ =	sdelay $0x1  }
0x99: {  	s4 =	simm.s32 $_scs_section_size  }
0x9a: {  	s5 =	simm.s32 $_size__tile_overlayer_lowered;
	s6 =	simm.s32 $_tile_overlayer_lowered  }
0x9b: {  	s22 =	simm.s32 $0x1BFF;
	s21 =	sshll.u32 s6, $0x1;
	s3 =	sadd.s32 s4, s19  }
0x9c: {  	s7 =	simm.s32 $0x0;
	s20 =	sshll.u32 s5, $0x1;
	s5 =	sadd.s32 s21, s3  }
0x9d: {  	[timem:s7], [sflag:s22] =	dma.local [hbm:s5], s20  }
0x9e: {  	_ =	swait.ge [sflag:s22], s20  }
0x9f: {  	s4 =	ssub.s32 $0x0, s20;
	[sflag:s22] =	ssyncset.done $0x0  }
0xa0: {  	[sflag:s22] =	ssyncadd.s32 s4;
	_ =	sdelay $0x1  }
0xa1: {  	s23 =	simm.s32 $0x1B8B  }
0xa2: {  	_ =	swait.ge [sflag:s23], $0x1  }
0xa3: {  	[sflag:s23] =	ssyncset.done $0x0  }
0xa4: {  	s25 =	simm.s32 $0x1B8E;
	s24 =	sld [smem:$0x3FFE];
	[sflag:s23] =	ssyncadd.s32 $0xFFFFFFFF  }
0xa5: {  	s26 =	simm.s32 $execute0_lowered;
	[smem:$0x3FD2] =	sst s25  }
0xa6: {  	s5 =	sshll.u32 s26, $0x1;
	_ =	strace $0x80000046;
	[dreg:$0x1] =	wrdreg $0xFFFFFFFF  }
0xa7: {  	s28 =	simm.s32 $_size_execute0_lowered;
	s3 =	sadd.s32 s3, s5;
	[dreg:$0x0] =	wrdreg $0x0  }
0xa8: {  	s5 =	sshll.u32 s28, $0x1;
	[dreg:$0x2] =	wrdreg s3  }
0xa9: {  	[dreg:$0x3] =	wrdreg s5  }
0xaa: {  	[dreg:$0x4] =	wrdreg $0xC0  }
0xab: {  	_ =	task [dreg:s7], $0x5FFFF  }
0xac: {  	[dreg:$0x1] =	wrdreg $0xFFFFFFFF  }
0xad: {  	[dreg:$0x0] =	wrdreg $0x60  }
0xae: {  	[dreg:$0x2] =	wrdreg s2  }
0xaf: {  	[dreg:$0x3] =	wrdreg s24  }
0xb0: {  	[dreg:$0x4] =	wrdreg $0x33800  }
0xb1: {  	[dreg:$0x5] =	wrdreg $0x9  }
0xb2: {  	_ =	task.clear_ibuf [dreg:s7], $0x6FFFF;
	_ =	strace $0x90000046  }
0xb3: {  	s29 =	simm.s32 $0x9;
	_ =	strace $0x80000048  }
0xb4: {  	_ =	swait.ge [sflag:s29], $0x1  }
0xb5: {  	[sflag:s29] =	ssyncadd.s32 $0xFFFFFFFF  }
0xb6: {  	_ =	strace $0x90000048  }
0xb7: {  	_ =	sfence  }
0xb8: {  	s30 =	sld [smem:$0x0];
	_ =	sdelay $0x2  }
0xb9: {  	s31 =	sshll.u32 s1, $0xD;
	s1 =	sshrl.u32 s1, $0x2  }
0xba: {  	s3 =	sand.u32 $0x4000, s31;
	s1 =	sadd.s32 s1, s30  }
0xbb: {  	s0 =	sor.u32 s3, s0;
	s1 =	sshll.u32 s1, $0x11  }
0xbc: {  	s0 =	sor.u32 s1, s0  }
0xbd: {  	s0 =	sadd.s32 $0x8F2B, s0  }
0xbe: {  	[sflag:s0] =	ssyncadd.remote.s32 $0x1  }
0xbf: {  	_ =	sfence.sel $0xFFFF  }
0xc0: {  	[dreg:$0x0] =	wrdreg $0xFFFFFFFF;
	(pc) =	sbr.abs _section_cstart, $3  }
0xc1: {  	[dreg:$0x1] =	wrdreg $0xFFFFFFFF  }
0xc2: {  	_ =	task.clear_ibuf [dreg:s7], $0x2FFFF;
	_ =	strace $0x9FFFFFFF  }
0xc3: {  	(tm) =	ssettm $0x7FFFFFFF  }
tec
execute0_lowered:
.L_overlay_start_1:
0x0: {  	(tag) =	ssettag $0x1  }
0x1: {  	s9 =	rddreg [dreg:$0x0]  }
0x2: {  	s1 =	srdreg.scid;
	s4 =	rddreg [dreg:$0x1]  }
0x3: {  	s0 =	stileid.u32;
	s2 =	rddreg [dreg:$0x2]  }
0x4: {  	s3 =	simm.s32 $0x0;
	s13 =	simm.s32 $0x1;
	s14 =	simm.s32 $0x70  }
0x5: {  	s15 =	simm.s32 $0x3000;
	s16 =	simm.s32 $0x3100;
	s17 =	simm.s32 $0x0  }
0x6: {  	s5 =	sand.u32 $0x1, s1;
	s6 =	smul.u32 $0x278, s0;
	s8 =	sshll.u32 s0, $0x1  }
0x7: {  	s1 =	rddreg [dreg:$0x3];
	s7 =	smul.u32 $0x2780, s5;
	s31 =	sor.u32 s5, s8  }
0x8: {  	[smem:$0x7FF] =	sst s3;
	s30 =	ssub.s32 $0x2, s5;
	s12 =	smul.u32 $0x600, s31  }
0x9: {  	_ =	strace $0x80000047;
	s11 =	sshrl.u32 s30, $0x1;
	s7 =	sadd.s32 s6, s7  }
0xa: {  	s11 =	ssub.s32 s30, s11;
	s7 =	sshrl.u32 s7, $0x3;
	s9 =	sadd.s32 s9, s12  }
0xb: {  	s11 =	smax.u32 s11, $0x1;
	s10 =	sadd.s32 s7, s4;
	s4 =	sadd.s32 s6, s2  }
0xc: {  	s12 =	simm.s32 $0x3080;
	s5 =	sadd.s32 $0x80, s4;
	s6 =	sadd.s32 $0x100, s4  }
0xd: {  	v0 =	vimm.f32 $1.000000000e+00;
	v1 =	vimm.f32 $0.0e+00;
	s7 =	sadd.s32 $0x180, s4;
	s8 =	sadd.s32 $0x200, s4;
	s10 =	sadd.s32 $0x1600, s10  }
.LBB2_1:
0xe: {  	[tilespmem:$0x3000] =	vst v0  }
0xf: {  	[tilespmem:$0x3010] =	vst v0  }
0x10: {  	[tilespmem:$0x3020] =	vst v0  }
0x11: {  	[tilespmem:$0x3030] =	vst v0  }
0x12: {  	[tilespmem:$0x3040] =	vst v0  }
0x13: {  	[tilespmem:$0x3050] =	vst v0  }
0x14: {  	[tilespmem:$0x3060] =	vst v0  }
0x15: {  	[tilespmem:$0x3080] =	vst v1  }
0x16: {  	[tilespmem:$0x3090] =	vst v1  }
0x17: {  	[tilespmem:$0x30A0] =	vst v1  }
0x18: {  	[tilespmem:$0x30B0] =	vst v1  }
0x19: {  	[tilespmem:$0x30C0] =	vst v1  }
0x1a: {  	[tilespmem:$0x30D0] =	vst v1  }
0x1b: {  	[tilespmem:$0x30E0] =	vst v1  }
0x1c: {  	[tilespmem:$0x30F0] =	vst v1  }
0x1d: {  	[spmem:s4] =	stream.linear.scatter [tilespmem:s12], [sflag:$0x1], $0x80, $0x38;
	[tilespmem:$0x35F8] =	vst v63  }
0x1e: {  	_ =	swait.ge [sflag:s13], $0x80  }
0x1f: {  	[sflag:s13] =	ssyncset.done $0x0  }
0x20: {  	[sflag:s13] =	ssyncadd.s32 $0xFFFFFF80  }
0x21: {  	[spmem:s5] =	stream.linear.scatter [tilespmem:s12], [sflag:$0x1], $0x80, $0x38;
	[tilespmem:$0x35F8] =	vst v63  }
0x22: {  	_ =	swait.ge [sflag:s13], $0x80  }
0x23: {  	[sflag:s13] =	ssyncset.done $0x0  }
0x24: {  	[sflag:s13] =	ssyncadd.s32 $0xFFFFFF80  }
0x25: {  	[spmem:s6] =	stream.linear.scatter [tilespmem:s12], [sflag:$0x1], $0x80, $0x38;
	[tilespmem:$0x35F8] =	vst v63  }
0x26: {  	_ =	swait.ge [sflag:s13], $0x80  }
0x27: {  	[sflag:s13] =	ssyncset.done $0x0  }
0x28: {  	[sflag:s13] =	ssyncadd.s32 $0xFFFFFF80  }
0x29: {  	[spmem:s7] =	stream.linear.scatter [tilespmem:s12], [sflag:$0x1], $0x80, $0x38;
	[tilespmem:$0x35F8] =	vst v63  }
0x2a: {  	_ =	swait.ge [sflag:s13], $0x80  }
0x2b: {  	[sflag:s13] =	ssyncset.done $0x0  }
0x2c: {  	[sflag:s13] =	ssyncadd.s32 $0xFFFFFF80  }
0x2d: {  	[spmem:s8] =	stream.linear.scatter [tilespmem:s12], [sflag:$0x1], $0x78, $0x38;
	[tilespmem:$0x35F8] =	vst v63  }
0x2e: {  	_ =	swait.ge [sflag:s13], $0x78  }
0x2f: {  	[sflag:s13] =	ssyncset.done $0x0  }
0x30: {  	[sflag:s13] =	ssyncadd.s32 $0xFFFFFF88  }
0x31: {  	[bflag:$0x0] =	sbarrier.arrive $0xFFFF  }
0x32: {  	[tilespmem:s3], [sflag:$0x1] =	stream.linear.gather [hbm4b:s9+s3], $0x2D00, $0x38;
	[tilespmem:$0x35F8] =	vst v63  }
0x33: {  	_ =	swait.ge [sflag:s13], $0x2D00  }
0x34: {  	[sflag:s13] =	ssyncset.done $0x0  }
0x35: {  	s18 =	simm.s32 $0x0;
	[sflag:s13] =	ssyncadd.s32 $0xFFFFD300  }
0x36: {  	[spmem:s2] =	stream.indirect.scatter.add.f32 [tilespmem:s15], [sflag:$0x1], $0x1, s18, s14, $0xb8;
	[tilespmem:$0x35F8] =	vst v63  }
0x37: {  	_ =	swait.ge [sflag:s13], $0x70  }
0x38: {  	s18 =	simm.s32 $0x200;
	[sflag:s13] =	ssyncset.done $0x0  }
.LBB2_2:
0x39: {  	s19 =	sshra.s32 s18, $0x2;
	[sflag:s13] =	ssyncadd.s32 $0xFFFFFF90;
	p0 =	sne.s32 s18, $0xB200  }
0x3a: {  	[spmem:s2] =	stream.indirect.scatter.add.f32 [tilespmem:s15], [sflag:$0x1], $0x1, s19, s14, $0xb8;
	[tilespmem:$0x35F8] =	vst v63  }
.Ltmp0:
0x3b: {  	_ = 	snop;
	(pc) =	sbr.rel @p0 .LBB2_2-.Ltmp0, $4  }
0x3c: {  	_ = 	snop  }
0x3d: {  	s18 =	sadd.s32 $0x200, s18  }
0x3e: {  	_ =	swait.ge [sflag:s13], $0x70  }
0x3f: {  	[sflag:s13] =	ssyncset.done $0x0  }
0x40: {  	[sflag:s13] =	ssyncadd.s32 $0xFFFFFF90  }
0x41: {  	[bflag:$0x0] =	sbarrier.arrive $0xFFFF  }
0x42: {  	[tilespmem:s16], [sflag:$0x1] =	stream.linear.gather [spmem:s4], $0x278, $0x38;
	[tilespmem:$0x35F8] =	vst v63  }
0x43: {  	s17 =	sadd.s32 $0x1, s17;
	_ =	swait.ge [sflag:s13], $0x278  }
0x44: {  	p0 =	sne.s32 s17, s11;
	[sflag:s13] =	ssyncset.done $0x0  }
.Ltmp1:
0x45: {  	[sflag:s13] =	ssyncadd.s32 $0xFFFFFD88;
	(pc) =	sbr.rel @p0 .LBB2_1-.Ltmp1, $4  }
0x46: {  	[hbm4b:s10+s3] =	stream.linear.scatter [tilespmem:s16], [sflag:$0x1], $0x278, $0x38;
	[tilespmem:$0x35F8] =	vst v63  }
0x47: {  	_ =	swait.ge [sflag:s13], $0x278  }
0x48: {  	[sflag:s13] =	ssyncset.done $0x0  }
0x49: {  	[sflag:s13] =	ssyncadd.s32 $0xFFFFFD88  }
0x4a: {  	_ =	sfence.sel $0x180000  }
0x4b: {  	[bflag:$0x0] =	sbarrier.arrive $0xFFFF  }
0x4c: {  	p0 =	sne.s32 s0, $0x0;
	_ =	strace $0x90000047  }
0x4d: {  	s0 =	sadd.s32 @!p0 $0x100000, s1;
	[bflag:$0x2] =	sbarrier.arrive $0xFFFF  }
0x4e: {  	[sflag:s0] =	ssyncadd.tile.s32 @!p0 $0x1;
	_ =	shalt  }
.Lfunc_end2:
_tile_overlayer_lowered:
.L_overlay_start_2:
0x4f: {  	(tag) =	ssettag $0x2  }
0x50: {  	s0 =	rddreg [dreg:$0x0];
	s2 =	stileid.u32  }
0x51: {  	s1 =	rddreg [dreg:$0x1];
	p0 =	sne.s32 s2, $0x0  }
0x52: {  	s3 =	rddreg [dreg:$0x2];
	[bflag:$0x3] =	sbarrier.arrive $0xFFFF;
	s2 =	simm.s32 @!p0 $0x1C01  }
0x53: {  	[timem:s3], [sflag:s2] =	dma.local @!p0 [hbm:s0], s1  }
0x54: {  	s0 =	simm.s32 @!p0 $0x1  }
0x55: {  	_ =	swait.ge @!p0 [sflag:s0], s1  }
0x56: {  	s1 =	ssub.s32 @!p0 $0x0, s1;
	[sflag:s0] =	ssyncset.done @!p0 $0x0  }
0x57: {  	[sflag:s0] =	ssyncadd.s32 @!p0 s1  }
0x58: {  	[bflag:$0x3] =	sbarrier.arrive $0xFFFF  }
0x59: {  	_ =	shalt  }

</sc_bundles>
